<compile_context>
chip_gen: v7x
topology: tpu7x:2x2x1
jax: 0.10.2.dev20260603
libtpu: 0.0.44.dev20260713+nightly
codegen_flags: <defaults>
</compile_context>

<pallas_src>
import functools
import jax
import jax.numpy as jnp
from jax import lax
from jax.experimental import pallas as pl
from jax.experimental.pallas import tpu as pltpu
from jax.experimental.pallas import tpu_sc as plsc

NC = 2
NS = 16
NW = NC * NS
C = 80
NK = 5
NB = 4
LK = 3


@functools.lru_cache(maxsize=None)
def _build(N, E, D):
    EW = E // NW
    NCHUNK = EW // C
    assert E % NW == 0 and EW % C == 0

    mesh = plsc.VectorSubcoreMesh(core_axis_name="c", subcore_axis_name="s")

    @functools.partial(
        pl.kernel,
        out_type=jax.ShapeDtypeStruct((NC, 1, N), jnp.float32),
        mesh=mesh,
        scratch_types=[
            pltpu.VMEM((NCHUNK, C), jnp.int32),
            pltpu.VMEM((C,), jnp.float32),
            pltpu.VMEM_SHARED((N,), jnp.float32),
            pltpu.SemaphoreType.DMA,
        ],
    )
    def deg_kernel(col3_hbm, zeros1_hbm, out_hbm, cidx, ones_v, acc_sh, sem):
        cid = lax.axis_index("c")
        sid = lax.axis_index("s")
        wid = sid * NC + cid
        for j in range(C // 16):
            ones_v[pl.ds(16 * j, 16)] = jnp.full((16,), 1.0, jnp.float32)

        @pl.when(sid == 0)
        def _():
            pltpu.sync_copy(zeros1_hbm, acc_sh)

        pltpu.sync_copy(col3_hbm.at[wid], cidx)
        plsc.subcore_barrier()

        def chunk(i, carry):
            @pl.when(i >= 8)
            def _():
                pltpu.make_async_copy(ones_v, acc_sh.at[cidx.at[0]], sem).wait()

            pltpu.async_copy(ones_v, acc_sh.at[cidx.at[i]], sem, add=True)
            return carry

        lax.fori_loop(0, NCHUNK, chunk, 0)
        for _ in range(8):
            pltpu.make_async_copy(ones_v, acc_sh.at[cidx.at[0]], sem).wait()
        plsc.subcore_barrier()

        @pl.when(sid == 0)
        def _():
            pltpu.sync_copy(acc_sh, out_hbm.at[cid, 0])

    NG = NCHUNK // NK
    assert NCHUNK % NK == 0

    @functools.partial(
        pl.kernel,
        out_type=jax.ShapeDtypeStruct((NC, N, D), jnp.float32),
        mesh=mesh,
        scratch_types=[
            pltpu.VMEM((2, NK, C), jnp.int32),
            pltpu.VMEM((2, NK, C), jnp.int32),
            pltpu.VMEM((NB, C, D), jnp.float32),
            pltpu.VMEM_SHARED((N, D), jnp.float32),
            pltpu.SemaphoreType.DMA((NB,)),
            pltpu.SemaphoreType.DMA((NB,)),
            pltpu.SemaphoreType.DMA,
        ],
    )
    def edge_kernel(z_hbm, row4_hbm, col4_hbm, zeros2_hbm, out_hbm,
                    ridx, cidx, rows_v, acc_sh, gsem, ssem, isem):
        cid = lax.axis_index("c")
        sid = lax.axis_index("s")
        wid = sid * NC + cid

        pltpu.sync_copy(row4_hbm.at[wid, 0], ridx.at[0])
        pltpu.sync_copy(col4_hbm.at[wid, 0], cidx.at[0])
        for b in range(LK):
            pltpu.async_copy(z_hbm.at[ridx.at[0, b]], rows_v.at[b], gsem.at[b])

        off = pl.multiple_of(sid * 640, 8)

        @pl.when((sid < 15) & (cid == 0))
        def _():
            pltpu.sync_copy(z_hbm.at[pl.ds(off, 640)], acc_sh.at[pl.ds(off, 640)])

        @pl.when((sid == 15) & (cid == 0))
        def _():
            pltpu.sync_copy(z_hbm.at[pl.ds(9600, 400)], acc_sh.at[pl.ds(9600, 400)])

        @pl.when((sid < 15) & (cid == 1))
        def _():
            pltpu.sync_copy(zeros2_hbm.at[pl.ds(off, 640)],
                            acc_sh.at[pl.ds(off, 640)])

        @pl.when((sid == 15) & (cid == 1))
        def _():
            pltpu.sync_copy(zeros2_hbm.at[pl.ds(9600, 400)],
                            acc_sh.at[pl.ds(9600, 400)])

        plsc.subcore_barrier()

        def chunk(i, carry):
            g = lax.div(i, NK)
            k = lax.rem(i, NK)
            gb = lax.rem(g, 2)
            b = lax.rem(i, NB)

            @pl.when((k == NB - LK) & (g + 1 < NG))
            def _():
                pltpu.async_copy(row4_hbm.at[wid, g + 1], ridx.at[1 - gb], isem)
                pltpu.async_copy(col4_hbm.at[wid, g + 1], cidx.at[1 - gb], isem)

            @pl.when((k == NK - LK) & (g + 1 < NG))
            def _():
                pltpu.make_async_copy(row4_hbm.at[wid, g + 1],
                                      ridx.at[1 - gb], isem).wait()
                pltpu.make_async_copy(col4_hbm.at[wid, g + 1],
                                      cidx.at[1 - gb], isem).wait()

            pltpu.make_async_copy(z_hbm.at[ridx.at[gb, k]],
                                  rows_v.at[b], gsem.at[b]).wait()
            pltpu.async_copy(rows_v.at[b], acc_sh.at[cidx.at[gb, k]],
                             ssem.at[b], add=True)

            j = i + LK
            bj = lax.rem(j, NB)
            gj = lax.div(j, NK)
            kj = lax.rem(j, NK)
            gbj = lax.rem(gj, 2)

            @pl.when((i >= NB - LK) & (j < NCHUNK))
            def _():
                pltpu.make_async_copy(rows_v.at[bj],
                                      acc_sh.at[cidx.at[0, 0]],
                                      ssem.at[bj]).wait()

            @pl.when(j < NCHUNK)
            def _():
                pltpu.async_copy(z_hbm.at[ridx.at[gbj, kj]],
                                 rows_v.at[bj], gsem.at[bj])
            return carry

        lax.fori_loop(0, NCHUNK, chunk, 0)
        for b in range(NB):
            pltpu.make_async_copy(rows_v.at[b], acc_sh.at[cidx.at[0, 0]],
                                  ssem.at[b]).wait()
        plsc.subcore_barrier()

        @pl.when(sid < 15)
        def _():
            pltpu.sync_copy(acc_sh.at[pl.ds(off, 640)],
                            out_hbm.at[cid].at[pl.ds(off, 640)])

        @pl.when(sid == 15)
        def _():
            pltpu.sync_copy(acc_sh.at[pl.ds(9600, 400)],
                            out_hbm.at[cid].at[pl.ds(9600, 400)])

    BN = 5000

    def tc1_body(d0, d1, x, w, b, dis_ref, z_ref):
        dis_b = 1.0 / jnp.sqrt(d0[...] + d1[...] + 1.0)
        dis_ref[...] = dis_b
        y = lax.dot_general(x[...], w[...], (((1,), (1,)), ((), ())),
                            preferred_element_type=jnp.float32)
        z_ref[...] = dis_b * (y + b[...])

    def tc1(d0, d1, x, w, b):
        return pl.pallas_call(
            tc1_body,
            grid=(N // BN,),
            in_specs=[
                pl.BlockSpec((BN, 1), lambda i: (i, 0)),
                pl.BlockSpec((BN, 1), lambda i: (i, 0)),
                pl.BlockSpec((BN, D), lambda i: (i, 0)),
                pl.BlockSpec((D, D), lambda i: (0, 0)),
                pl.BlockSpec((1, D), lambda i: (0, 0)),
            ],
            out_specs=[
                pl.BlockSpec((BN, 1), lambda i: (i, 0)),
                pl.BlockSpec((BN, D), lambda i: (i, 0)),
            ],
            out_shape=[
                jax.ShapeDtypeStruct((N, 1), jnp.float32),
                jax.ShapeDtypeStruct((N, D), jnp.float32),
            ],
        )(d0, d1, x, w, b)

    def tc2_body(p0, p1, dis, w, b, z_ref):
        dis_b = dis[...]
        h = jnp.maximum(dis_b * (p0[...] + p1[...]), 0.0)
        y = lax.dot_general(h, w[...], (((1,), (1,)), ((), ())),
                            preferred_element_type=jnp.float32)
        z_ref[...] = dis_b * (y + b[...])

    def tc2(p0, p1, dis, w, b):
        return pl.pallas_call(
            tc2_body,
            grid=(N // BN,),
            in_specs=[
                pl.BlockSpec((BN, D), lambda i: (i, 0)),
                pl.BlockSpec((BN, D), lambda i: (i, 0)),
                pl.BlockSpec((BN, 1), lambda i: (i, 0)),
                pl.BlockSpec((D, D), lambda i: (0, 0)),
                pl.BlockSpec((1, D), lambda i: (0, 0)),
            ],
            out_specs=pl.BlockSpec((BN, D), lambda i: (i, 0)),
            out_shape=jax.ShapeDtypeStruct((N, D), jnp.float32),
        )(p0, p1, dis, w, b)

    def tc3_body(q0, q1, dis, out_ref):
        out_ref[...] = jnp.maximum(dis[...] * (q0[...] + q1[...]), 0.0)

    def tc3(q0, q1, dis):
        return pl.pallas_call(
            tc3_body,
            grid=(N // BN,),
            in_specs=[
                pl.BlockSpec((BN, D), lambda i: (i, 0)),
                pl.BlockSpec((BN, D), lambda i: (i, 0)),
                pl.BlockSpec((BN, 1), lambda i: (i, 0)),
            ],
            out_specs=pl.BlockSpec((BN, D), lambda i: (i, 0)),
            out_shape=jax.ShapeDtypeStruct((N, D), jnp.float32),
        )(q0, q1, dis)

    return deg_kernel, edge_kernel, tc1, tc2, tc3


def kernel(x, edge_index, W1, b1, W2, b2):
    N, D = x.shape
    E = edge_index.shape[1]
    deg_kernel, edge_kernel, tc1, tc2, tc3 = _build(N, E, D)

    row4 = edge_index[0].reshape(NW, E // (NW * C * NK), NK, C)
    col4 = edge_index[1].reshape(NW, E // (NW * C * NK), NK, C)
    col3 = edge_index[1].reshape(NW, E // (NW * C), C)
    zeros1 = jnp.zeros((N,), jnp.float32)
    zeros2 = jnp.zeros((N, D), jnp.float32)

    degp = deg_kernel(col3, zeros1)
    d0 = degp[0, 0].reshape(N, 1)
    d1 = degp[1, 0].reshape(N, 1)
    dis, z1 = tc1(d0, d1, x, W1.reshape(D, D), b1.reshape(1, D))
    p = edge_kernel(z1, row4, col4, zeros2)
    z2 = tc2(p[0], p[1], dis, W2, b2.reshape(1, D))
    q = edge_kernel(z2, row4, col4, zeros2)
    return tc3(q[0], q[1], dis)

# --- scband reference (transcript-rebuilt; emitter-appended) ---
"""Pipeline reference for scband-custom-gnn-72215580115748 (READ-ONLY COPY).

The authoritative reference and input builder live on the scoring server;
editing this copy changes nothing except your own understanding.
"""

import jax, jax.numpy as jnp
import numpy as np

N = 10000
E = 320000
D = 128


def setup_inputs(seed: int = 0) -> dict:
    key = jax.random.key(seed)
    k1, k2, k3, k4, k5, k6 = jax.random.split(key, 6)
    x = jax.random.normal(k1, (N, D), dtype=jnp.float32)
    edge_index = jax.random.randint(k2, (2, E), 0, N, dtype=jnp.int32)
    # nn.Linear params: weight shape (out_features, in_features), bias shape (out_features,)
    W1 = jax.random.normal(k3, (D, D), dtype=jnp.float32) * (1.0 / np.sqrt(D))
    b1 = jax.random.normal(k4, (D,), dtype=jnp.float32) * (1.0 / np.sqrt(D))
    W2 = jax.random.normal(k5, (D, D), dtype=jnp.float32) * (1.0 / np.sqrt(D))
    b2 = jax.random.normal(k6, (D,), dtype=jnp.float32) * (1.0 / np.sqrt(D))
    return {"x": x, "edge_index": edge_index, "W1": W1, "b1": b1, "W2": W2, "b2": b2}


def _gcn_layer(x, edge_index, W, b):
    n = x.shape[0]
    # add_self_loops
    loop = jnp.arange(n, dtype=edge_index.dtype)
    ei = jnp.concatenate([edge_index, jnp.stack([loop, loop], axis=0)], axis=1)
    row, col = ei[0], ei[1]
    # degree(col, n) -- in-degree counting self loops
    deg = jax.ops.segment_sum(jnp.ones(ei.shape[1], dtype=x.dtype), col, num_segments=n)
    deg_inv_sqrt = deg ** (-0.5)
    norm = deg_inv_sqrt[row] * deg_inv_sqrt[col]
    # message: norm * lin(x_j), x_j = x[row] (source), aggregated at col (target), aggr='add'
    msg = norm[:, None] * (x[row] @ W.T + b)
    aggr = jax.ops.segment_sum(msg, col, num_segments=n)
    # update: relu
    return jax.nn.relu(aggr)


def reference(x, edge_index, W1, b1, W2, b2):
    h = _gcn_layer(x, edge_index, W1, b1)
    h = jax.nn.relu(h)
    h = _gcn_layer(h, edge_index, W2, b2)
    h = jax.nn.relu(h)
    return h

if __name__ == "__main__":
    import jax
    _d = setup_inputs()
    print(jax.jit(kernel)(*tuple(_d.values())))

</pallas_src>

<mosaic_0001>
#map = affine_map<(d0, d1) -> (0, 0)>
#map1 = affine_map<(d0, d1) -> (0, 0, 0, 0)>
#map2 = affine_map<(d0, d1) -> (0, 0, 0)>
module attributes {stable_mosaic.version = 14 : i64} {
  func.func @edge_kernel(%arg0: i32, %arg1: i32, %arg2: memref<10000x128xf32, #tpu.memory_space<hbm>>, %arg3: memref<32x25x5x80xi32, #tpu.memory_space<hbm>>, %arg4: memref<32x25x5x80xi32, #tpu.memory_space<hbm>>, %arg5: memref<10000x128xf32, #tpu.memory_space<hbm>>, %arg6: memref<2x10000x128xf32, #tpu.memory_space<hbm>>, %arg7: memref<2x5x80xi32, #tpu.memory_space<vmem>>, %arg8: memref<2x5x80xi32, #tpu.memory_space<vmem>>, %arg9: memref<4x80x128xf32, #tpu.memory_space<vmem>>, %arg10: memref<10000x128xf32, #tpu.memory_space<vmem_shared>>, %arg11: memref<4x!tpu.dma_semaphore, #tpu.memory_space<semaphore_mem>>, %arg12: memref<4x!tpu.dma_semaphore, #tpu.memory_space<semaphore_mem>>, %arg13: memref<!tpu.dma_semaphore, #tpu.memory_space<semaphore_mem>>) attributes {dimension_semantics = [#tpu.dimension_semantics<core_parallel>, #tpu.dimension_semantics<subcore_parallel>], iteration_bounds = array<i64: 2, 16>, scalar_prefetch = 0 : i64, scratch_operands = 7 : i64, tpu.core_type = #tpu.core_type<sc_vector_subcore>, window_params = [{transform_indices = #map}, {transform_indices = #map1}, {transform_indices = #map1}, {transform_indices = #map}, {transform_indices = #map2}]} {
    %mul3A = arith.constant 2 : i32
    %mul3A_0 = arith.muli %arg1, %mul3A : i32
    %add3A = arith.addi %mul3A_0, %arg0 : i32
    %run_scoped3A = arith.constant 0 : i32
    %run_scoped3A_1 = arith.constant 0 : i32
    "tpu.region"() ({
      %run_scoped3A_159 = tpu.sem_alloc : memref<!tpu.dma_semaphore, #tpu.memory_space<semaphore_mem>>
      %dma_start3A_160 = arith.constant 0 : i32
      %dma_start3A_161 = arith.constant 0 : i32
      %dma_start3A_162 = tpu.memref_slice %arg7[%run_scoped3A_1, %dma_start3A_160, %dma_start3A_161] : memref<2x5x80xi32, #tpu.memory_space<vmem>> -> memref<1x5x80xi32, #tpu.memory_space<vmem>>
      %dma_start3A_163 = tpu.memref_squeeze %dma_start3A_162 : memref<1x5x80xi32, #tpu.memory_space<vmem>> -> memref<5x80xi32, #tpu.memory_space<vmem>>
      %dma_start3A_164 = arith.constant 0 : i32
      %dma_start3A_165 = arith.constant 0 : i32
      %dma_start3A_166 = tpu.memref_slice %arg3[%add3A, %run_scoped3A, %dma_start3A_164, %dma_start3A_165] : memref<32x25x5x80xi32, #tpu.memory_space<hbm>> -> memref<1x1x5x80xi32, #tpu.memory_space<hbm>>
      %dma_start3A_167 = tpu.memref_squeeze %dma_start3A_166 : memref<1x1x5x80xi32, #tpu.memory_space<hbm>> -> memref<5x80xi32, #tpu.memory_space<hbm>>
      %dma_start3A_168 = arith.constant 0 : i32
      %dma_start3A_169 = arith.constant 0 : i32
      %dma_start3A_170 = tpu.memref_slice %arg7[%run_scoped3A_1, %dma_start3A_168, %dma_start3A_169] : memref<2x5x80xi32, #tpu.memory_space<vmem>> -> memref<1x5x80xi32, #tpu.memory_space<vmem>>
      %dma_start3A_171 = tpu.memref_squeeze %dma_start3A_170 : memref<1x5x80xi32, #tpu.memory_space<vmem>> -> memref<5x80xi32, #tpu.memory_space<vmem>>
      %dma_start3A_172 = arith.constant 0 : i32
      %dma_start3A_173 = arith.constant 0 : i32
      %dma_start3A_174 = tpu.memref_slice %arg3[%add3A, %run_scoped3A, %dma_start3A_172, %dma_start3A_173] : memref<32x25x5x80xi32, #tpu.memory_space<hbm>> -> memref<1x1x5x80xi32, #tpu.memory_space<hbm>>
      %dma_start3A_175 = tpu.memref_squeeze %dma_start3A_174 : memref<1x1x5x80xi32, #tpu.memory_space<hbm>> -> memref<5x80xi32, #tpu.memory_space<hbm>>
      tpu.enqueue_dma source(%dma_start3A_175 : memref<5x80xi32, #tpu.memory_space<hbm>>) target(%dma_start3A_171 : memref<5x80xi32, #tpu.memory_space<vmem>>) target_semaphore(%run_scoped3A_159 : memref<!tpu.dma_semaphore, #tpu.memory_space<semaphore_mem>>)
      %dma_wait3A_176 = arith.constant 0 : i32
      %dma_wait3A_177 = arith.constant 0 : i32
      %dma_wait3A_178 = tpu.memref_slice %arg7[%run_scoped3A_1, %dma_wait3A_176, %dma_wait3A_177] : memref<2x5x80xi32, #tpu.memory_space<vmem>> -> memref<1x5x80xi32, #tpu.memory_space<vmem>>
      %dma_wait3A_179 = tpu.memref_squeeze %dma_wait3A_178 : memref<1x5x80xi32, #tpu.memory_space<vmem>> -> memref<5x80xi32, #tpu.memory_space<vmem>>
      %dma_wait3A_180 = arith.constant 0 : i32
      %dma_wait3A_181 = arith.constant 0 : i32
      %dma_wait3A_182 = tpu.memref_slice %arg3[%add3A, %run_scoped3A, %dma_wait3A_180, %dma_wait3A_181] : memref<32x25x5x80xi32, #tpu.memory_space<hbm>> -> memref<1x1x5x80xi32, #tpu.memory_space<hbm>>
      %dma_wait3A_183 = tpu.memref_squeeze %dma_wait3A_182 : memref<1x1x5x80xi32, #tpu.memory_space<hbm>> -> memref<5x80xi32, #tpu.memory_space<hbm>>
      %dma_wait3A_184 = arith.constant 0 : i32
      %dma_wait3A_185 = arith.constant 0 : i32
      %dma_wait3A_186 = tpu.memref_slice %arg7[%run_scoped3A_1, %dma_wait3A_184, %dma_wait3A_185] : memref<2x5x80xi32, #tpu.memory_space<vmem>> -> memref<1x5x80xi32, #tpu.memory_space<vmem>>
      %dma_wait3A_187 = tpu.memref_squeeze %dma_wait3A_186 : memref<1x5x80xi32, #tpu.memory_space<vmem>> -> memref<5x80xi32, #tpu.memory_space<vmem>>
      %dma_wait3A_188 = arith.constant 0 : i32
      %dma_wait3A_189 = arith.constant 0 : i32
      %dma_wait3A_190 = tpu.memref_slice %arg3[%add3A, %run_scoped3A, %dma_wait3A_188, %dma_wait3A_189] : memref<32x25x5x80xi32, #tpu.memory_space<hbm>> -> memref<1x1x5x80xi32, #tpu.memory_space<hbm>>
      %dma_wait3A_191 = tpu.memref_squeeze %dma_wait3A_190 : memref<1x1x5x80xi32, #tpu.memory_space<hbm>> -> memref<5x80xi32, #tpu.memory_space<hbm>>
      tpu.wait_dma2 semaphore(%run_scoped3A_159 : memref<!tpu.dma_semaphore, #tpu.memory_space<semaphore_mem>>) src(%dma_wait3A_191 : memref<5x80xi32, #tpu.memory_space<hbm>>) dst(%dma_wait3A_187 : memref<5x80xi32, #tpu.memory_space<vmem>>)
      tpu.yield
    }) : () -> ()
    %run_scoped3A_2 = arith.constant 0 : i32
    %run_scoped3A_3 = arith.constant 0 : i32
    "tpu.region"() ({
      %run_scoped3A_159 = tpu.sem_alloc : memref<!tpu.dma_semaphore, #tpu.memory_space<semaphore_mem>>
      %dma_start3A_160 = arith.constant 0 : i32
      %dma_start3A_161 = arith.constant 0 : i32
      %dma_start3A_162 = tpu.memref_slice %arg8[%run_scoped3A_3, %dma_start3A_160, %dma_start3A_161] : memref<2x5x80xi32, #tpu.memory_space<vmem>> -> memref<1x5x80xi32, #tpu.memory_space<vmem>>
      %dma_start3A_163 = tpu.memref_squeeze %dma_start3A_162 : memref<1x5x80xi32, #tpu.memory_space<vmem>> -> memref<5x80xi32, #tpu.memory_space<vmem>>
      %dma_start3A_164 = arith.constant 0 : i32
      %dma_start3A_165 = arith.constant 0 : i32
      %dma_start3A_166 = tpu.memref_slice %arg4[%add3A, %run_scoped3A_2, %dma_start3A_164, %dma_start3A_165] : memref<32x25x5x80xi32, #tpu.memory_space<hbm>> -> memref<1x1x5x80xi32, #tpu.memory_space<hbm>>
      %dma_start3A_167 = tpu.memref_squeeze %dma_start3A_166 : memref<1x1x5x80xi32, #tpu.memory_space<hbm>> -> memref<5x80xi32, #tpu.memory_space<hbm>>
      %dma_start3A_168 = arith.constant 0 : i32
      %dma_start3A_169 = arith.constant 0 : i32
      %dma_start3A_170 = tpu.memref_slice %arg8[%run_scoped3A_3, %dma_start3A_168, %dma_start3A_169] : memref<2x5x80xi32, #tpu.memory_space<vmem>> -> memref<1x5x80xi32, #tpu.memory_space<vmem>>
      %dma_start3A_171 = tpu.memref_squeeze %dma_start3A_170 : memref<1x5x80xi32, #tpu.memory_space<vmem>> -> memref<5x80xi32, #tpu.memory_space<vmem>>
      %dma_start3A_172 = arith.constant 0 : i32
      %dma_start3A_173 = arith.constant 0 : i32
      %dma_start3A_174 = tpu.memref_slice %arg4[%add3A, %run_scoped3A_2, %dma_start3A_172, %dma_start3A_173] : memref<32x25x5x80xi32, #tpu.memory_space<hbm>> -> memref<1x1x5x80xi32, #tpu.memory_space<hbm>>
      %dma_start3A_175 = tpu.memref_squeeze %dma_start3A_174 : memref<1x1x5x80xi32, #tpu.memory_space<hbm>> -> memref<5x80xi32, #tpu.memory_space<hbm>>
      tpu.enqueue_dma source(%dma_start3A_175 : memref<5x80xi32, #tpu.memory_space<hbm>>) target(%dma_start3A_171 : memref<5x80xi32, #tpu.memory_space<vmem>>) target_semaphore(%run_scoped3A_159 : memref<!tpu.dma_semaphore, #tpu.memory_space<semaphore_mem>>)
      %dma_wait3A_176 = arith.constant 0 : i32
      %dma_wait3A_177 = arith.constant 0 : i32
      %dma_wait3A_178 = tpu.memref_slice %arg8[%run_scoped3A_3, %dma_wait3A_176, %dma_wait3A_177] : memref<2x5x80xi32, #tpu.memory_space<vmem>> -> memref<1x5x80xi32, #tpu.memory_space<vmem>>
      %dma_wait3A_179 = tpu.memref_squeeze %dma_wait3A_178 : memref<1x5x80xi32, #tpu.memory_space<vmem>> -> memref<5x80xi32, #tpu.memory_space<vmem>>
      %dma_wait3A_180 = arith.constant 0 : i32
      %dma_wait3A_181 = arith.constant 0 : i32
      %dma_wait3A_182 = tpu.memref_slice %arg4[%add3A, %run_scoped3A_2, %dma_wait3A_180, %dma_wait3A_181] : memref<32x25x5x80xi32, #tpu.memory_space<hbm>> -> memref<1x1x5x80xi32, #tpu.memory_space<hbm>>
      %dma_wait3A_183 = tpu.memref_squeeze %dma_wait3A_182 : memref<1x1x5x80xi32, #tpu.memory_space<hbm>> -> memref<5x80xi32, #tpu.memory_space<hbm>>
      %dma_wait3A_184 = arith.constant 0 : i32
      %dma_wait3A_185 = arith.constant 0 : i32
      %dma_wait3A_186 = tpu.memref_slice %arg8[%run_scoped3A_3, %dma_wait3A_184, %dma_wait3A_185] : memref<2x5x80xi32, #tpu.memory_space<vmem>> -> memref<1x5x80xi32, #tpu.memory_space<vmem>>
      %dma_wait3A_187 = tpu.memref_squeeze %dma_wait3A_186 : memref<1x5x80xi32, #tpu.memory_space<vmem>> -> memref<5x80xi32, #tpu.memory_space<vmem>>
      %dma_wait3A_188 = arith.constant 0 : i32
      %dma_wait3A_189 = arith.constant 0 : i32
      %dma_wait3A_190 = tpu.memref_slice %arg4[%add3A, %run_scoped3A_2, %dma_wait3A_188, %dma_wait3A_189] : memref<32x25x5x80xi32, #tpu.memory_space<hbm>> -> memref<1x1x5x80xi32, #tpu.memory_space<hbm>>
      %dma_wait3A_191 = tpu.memref_squeeze %dma_wait3A_190 : memref<1x1x5x80xi32, #tpu.memory_space<hbm>> -> memref<5x80xi32, #tpu.memory_space<hbm>>
      tpu.wait_dma2 semaphore(%run_scoped3A_159 : memref<!tpu.dma_semaphore, #tpu.memory_space<semaphore_mem>>) src(%dma_wait3A_191 : memref<5x80xi32, #tpu.memory_space<hbm>>) dst(%dma_wait3A_187 : memref<5x80xi32, #tpu.memory_space<vmem>>)
      tpu.yield
    }) : () -> ()
    %dma_start3A = arith.constant 0 : i32
    %dma_start3A_4 = arith.constant 0 : i32
    %dma_start3A_5 = arith.constant 0 : i32
    %dma_start3A_6 = arith.constant 0 : i32
    %dma_start3A_7 = arith.constant 0 : i32
    %dma_start3A_8 = arith.constant 0 : i32
    %dma_start3A_9 = tpu.memref_slice %arg9[%dma_start3A_5, %dma_start3A_7, %dma_start3A_8] : memref<4x80x128xf32, #tpu.memory_space<vmem>> -> memref<1x80x128xf32, #tpu.memory_space<vmem>>
    %dma_start3A_10 = tpu.memref_squeeze %dma_start3A_9 : memref<1x80x128xf32, #tpu.memory_space<vmem>> -> memref<80x128xf32, #tpu.memory_space<vmem>>
    %dma_start3A_11 = arith.constant 0 : i32
    %dma_start3A_12 = tpu.memref_slice %arg7[%dma_start3A, %dma_start3A_4, %dma_start3A_11] : memref<2x5x80xi32, #tpu.memory_space<vmem>> -> memref<1x1x80xi32, #tpu.memory_space<vmem>>
    %dma_start3A_13 = tpu.memref_squeeze %dma_start3A_12 : memref<1x1x80xi32, #tpu.memory_space<vmem>> -> memref<80xi32, #tpu.memory_space<vmem>>
    %dma_start3A_14 = arith.constant 0 : i32
    %dma_start3A_15 = arith.constant 0 : i32
    %dma_start3A_16 = tpu.memref_slice %arg2[%dma_start3A_14, %dma_start3A_15] : memref<10000x128xf32, #tpu.memory_space<hbm>> -> memref<10000x128xf32, #tpu.memory_space<hbm>>
    %dma_start3A_17 = tpu.memref_slice %arg11[%dma_start3A_6] : memref<4x!tpu.dma_semaphore, #tpu.memory_space<semaphore_mem>> -> memref<1x!tpu.dma_semaphore, #tpu.memory_space<semaphore_mem>>
    %dma_start3A_18 = tpu.memref_squeeze %dma_start3A_17 : memref<1x!tpu.dma_semaphore, #tpu.memory_space<semaphore_mem>> -> memref<!tpu.dma_semaphore, #tpu.memory_space<semaphore_mem>>
    tpu.enqueue_indirect_dma source(%dma_start3A_16 : memref<10000x128xf32, #tpu.memory_space<hbm>>) target(%dma_start3A_10 : memref<80x128xf32, #tpu.memory_space<vmem>>) offsets(%dma_start3A_13 : memref<80xi32, #tpu.memory_space<vmem>>) semaphore(%dma_start3A_18 : memref<!tpu.dma_semaphore, #tpu.memory_space<semaphore_mem>>)
    %dma_start3A_19 = arith.constant 0 : i32
    %dma_start3A_20 = arith.constant 1 : i32
    %dma_start3A_21 = arith.constant 1 : i32
    %dma_start3A_22 = arith.constant 1 : i32
    %dma_start3A_23 = arith.constant 0 : i32
    %dma_start3A_24 = arith.constant 0 : i32
    %dma_start3A_25 = tpu.memref_slice %arg9[%dma_start3A_21, %dma_start3A_23, %dma_start3A_24] : memref<4x80x128xf32, #tpu.memory_space<vmem>> -> memref<1x80x128xf32, #tpu.memory_space<vmem>>
    %dma_start3A_26 = tpu.memref_squeeze %dma_start3A_25 : memref<1x80x128xf32, #tpu.memory_space<vmem>> -> memref<80x128xf32, #tpu.memory_space<vmem>>
    %dma_start3A_27 = arith.constant 0 : i32
    %dma_start3A_28 = tpu.memref_slice %arg7[%dma_start3A_19, %dma_start3A_20, %dma_start3A_27] : memref<2x5x80xi32, #tpu.memory_space<vmem>> -> memref<1x1x80xi32, #tpu.memory_space<vmem>>
    %dma_start3A_29 = tpu.memref_squeeze %dma_start3A_28 : memref<1x1x80xi32, #tpu.memory_space<vmem>> -> memref<80xi32, #tpu.memory_space<vmem>>
    %dma_start3A_30 = arith.constant 0 : i32
    %dma_start3A_31 = arith.constant 0 : i32
    %dma_start3A_32 = tpu.memref_slice %arg2[%dma_start3A_30, %dma_start3A_31] : memref<10000x128xf32, #tpu.memory_space<hbm>> -> memref<10000x128xf32, #tpu.memory_space<hbm>>
    %dma_start3A_33 = tpu.memref_slice %arg11[%dma_start3A_22] : memref<4x!tpu.dma_semaphore, #tpu.memory_space<semaphore_mem>> -> memref<1x!tpu.dma_semaphore, #tpu.memory_space<semaphore_mem>>
    %dma_start3A_34 = tpu.memref_squeeze %dma_start3A_33 : memref<1x!tpu.dma_semaphore, #tpu.memory_space<semaphore_mem>> -> memref<!tpu.dma_semaphore, #tpu.memory_space<semaphore_mem>>
    tpu.enqueue_indirect_dma source(%dma_start3A_32 : memref<10000x128xf32, #tpu.memory_space<hbm>>) target(%dma_start3A_26 : memref<80x128xf32, #tpu.memory_space<vmem>>) offsets(%dma_start3A_29 : memref<80xi32, #tpu.memory_space<vmem>>) semaphore(%dma_start3A_34 : memref<!tpu.dma_semaphore, #tpu.memory_space<semaphore_mem>>)
    %dma_start3A_35 = arith.constant 0 : i32
    %dma_start3A_36 = arith.constant 2 : i32
    %dma_start3A_37 = arith.constant 2 : i32
    %dma_start3A_38 = arith.constant 2 : i32
    %dma_start3A_39 = arith.constant 0 : i32
    %dma_start3A_40 = arith.constant 0 : i32
    %dma_start3A_41 = tpu.memref_slice %arg9[%dma_start3A_37, %dma_start3A_39, %dma_start3A_40] : memref<4x80x128xf32, #tpu.memory_space<vmem>> -> memref<1x80x128xf32, #tpu.memory_space<vmem>>
    %dma_start3A_42 = tpu.memref_squeeze %dma_start3A_41 : memref<1x80x128xf32, #tpu.memory_space<vmem>> -> memref<80x128xf32, #tpu.memory_space<vmem>>
    %dma_start3A_43 = arith.constant 0 : i32
    %dma_start3A_44 = tpu.memref_slice %arg7[%dma_start3A_35, %dma_start3A_36, %dma_start3A_43] : memref<2x5x80xi32, #tpu.memory_space<vmem>> -> memref<1x1x80xi32, #tpu.memory_space<vmem>>
    %dma_start3A_45 = tpu.memref_squeeze %dma_start3A_44 : memref<1x1x80xi32, #tpu.memory_space<vmem>> -> memref<80xi32, #tpu.memory_space<vmem>>
    %dma_start3A_46 = arith.constant 0 : i32
    %dma_start3A_47 = arith.constant 0 : i32
    %dma_start3A_48 = tpu.memref_slice %arg2[%dma_start3A_46, %dma_start3A_47] : memref<10000x128xf32, #tpu.memory_space<hbm>> -> memref<10000x128xf32, #tpu.memory_space<hbm>>
    %dma_start3A_49 = tpu.memref_slice %arg11[%dma_start3A_38] : memref<4x!tpu.dma_semaphore, #tpu.memory_space<semaphore_mem>> -> memref<1x!tpu.dma_semaphore, #tpu.memory_space<semaphore_mem>>
    %dma_start3A_50 = tpu.memref_squeeze %dma_start3A_49 : memref<1x!tpu.dma_semaphore, #tpu.memory_space<semaphore_mem>> -> memref<!tpu.dma_semaphore, #tpu.memory_space<semaphore_mem>>
    tpu.enqueue_indirect_dma source(%dma_start3A_48 : memref<10000x128xf32, #tpu.memory_space<hbm>>) target(%dma_start3A_42 : memref<80x128xf32, #tpu.memory_space<vmem>>) offsets(%dma_start3A_45 : memref<80xi32, #tpu.memory_space<vmem>>) semaphore(%dma_start3A_50 : memref<!tpu.dma_semaphore, #tpu.memory_space<semaphore_mem>>)
    %mul3A_51 = arith.constant 640 : i32
    %mul3A_52 = arith.muli %arg1, %mul3A_51 : i32
    %multiple_of3A = tpu.assume_multiple %mul3A_52, 8 : i32
    %lt3A = arith.constant 15 : i32
    %lt3A_53 = arith.cmpi slt, %arg1, %lt3A : i32
    %eq3A = arith.constant 0 : i32
    %eq3A_54 = arith.cmpi eq, %arg0, %eq3A : i32
    %and3A = arith.andi %lt3A_53, %eq3A_54 : i1
    %convert_element_type3A = arith.extui %and3A : i1 to i32
    %cond3A = arith.constant 0 : i32
    %cond3A_55 = arith.cmpi ne, %convert_element_type3A, %cond3A : i32
    scf.if %cond3A_55 {
      "tpu.region"() ({
        %run_scoped3A_159 = tpu.sem_alloc : memref<!tpu.dma_semaphore, #tpu.memory_space<semaphore_mem>>
        %dma_start3A_160 = arith.constant 0 : i32
        %dma_start3A_161 = tpu.memref_slice %arg10[%multiple_of3A, %dma_start3A_160] : memref<10000x128xf32, #tpu.memory_space<vmem_shared>> -> memref<640x128xf32, #tpu.memory_space<vmem_shared>>
        %dma_start3A_162 = arith.constant 0 : i32
        %dma_start3A_163 = tpu.memref_slice %arg2[%multiple_of3A, %dma_start3A_162] : memref<10000x128xf32, #tpu.memory_space<hbm>> -> memref<640x128xf32, #tpu.memory_space<hbm>>
        tpu.enqueue_dma source(%dma_start3A_163 : memref<640x128xf32, #tpu.memory_space<hbm>>) target(%dma_start3A_161 : memref<640x128xf32, #tpu.memory_space<vmem_shared>>) target_semaphore(%run_scoped3A_159 : memref<!tpu.dma_semaphore, #tpu.memory_space<semaphore_mem>>)
        %dma_wait3A_164 = arith.constant 0 : i32
        %dma_wait3A_165 = tpu.memref_slice %arg10[%multiple_of3A, %dma_wait3A_164] : memref<10000x128xf32, #tpu.memory_space<vmem_shared>> -> memref<640x128xf32, #tpu.memory_space<vmem_shared>>
        %dma_wait3A_166 = arith.constant 0 : i32
        %dma_wait3A_167 = tpu.memref_slice %arg2[%multiple_of3A, %dma_wait3A_166] : memref<10000x128xf32, #tpu.memory_space<hbm>> -> memref<640x128xf32, #tpu.memory_space<hbm>>
        tpu.wait_dma2 semaphore(%run_scoped3A_159 : memref<!tpu.dma_semaphore, #tpu.memory_space<semaphore_mem>>) src(%dma_wait3A_167 : memref<640x128xf32, #tpu.memory_space<hbm>>) dst(%dma_wait3A_165 : memref<640x128xf32, #tpu.memory_space<vmem_shared>>)
        tpu.yield
      }) : () -> ()
    } else {
    }
    %eq3A_56 = arith.constant 15 : i32
    %eq3A_57 = arith.cmpi eq, %arg1, %eq3A_56 : i32
    %eq3A_58 = arith.constant 0 : i32
    %eq3A_59 = arith.cmpi eq, %arg0, %eq3A_58 : i32
    %and3A_60 = arith.andi %eq3A_57, %eq3A_59 : i1
    %convert_element_type3A_61 = arith.extui %and3A_60 : i1 to i32
    %cond3A_62 = arith.constant 0 : i32
    %cond3A_63 = arith.cmpi ne, %convert_element_type3A_61, %cond3A_62 : i32
    scf.if %cond3A_63 {
      "tpu.region"() ({
        %run_scoped3A_159 = tpu.sem_alloc : memref<!tpu.dma_semaphore, #tpu.memory_space<semaphore_mem>>
        %dma_start3A_160 = arith.constant 9600 : i32
        %dma_start3A_161 = arith.constant 0 : i32
        %dma_start3A_162 = tpu.memref_slice %arg10[%dma_start3A_160, %dma_start3A_161] : memref<10000x128xf32, #tpu.memory_space<vmem_shared>> -> memref<400x128xf32, #tpu.memory_space<vmem_shared>>
        %dma_start3A_163 = arith.constant 9600 : i32
        %dma_start3A_164 = arith.constant 0 : i32
        %dma_start3A_165 = tpu.memref_slice %arg2[%dma_start3A_163, %dma_start3A_164] : memref<10000x128xf32, #tpu.memory_space<hbm>> -> memref<400x128xf32, #tpu.memory_space<hbm>>
        tpu.enqueue_dma source(%dma_start3A_165 : memref<400x128xf32, #tpu.memory_space<hbm>>) target(%dma_start3A_162 : memref<400x128xf32, #tpu.memory_space<vmem_shared>>) target_semaphore(%run_scoped3A_159 : memref<!tpu.dma_semaphore, #tpu.memory_space<semaphore_mem>>)
        %dma_wait3A_166 = arith.constant 9600 : i32
        %dma_wait3A_167 = arith.constant 0 : i32
        %dma_wait3A_168 = tpu.memref_slice %arg10[%dma_wait3A_166, %dma_wait3A_167] : memref<10000x128xf32, #tpu.memory_space<vmem_shared>> -> memref<400x128xf32, #tpu.memory_space<vmem_shared>>
        %dma_wait3A_169 = arith.constant 9600 : i32
        %dma_wait3A_170 = arith.constant 0 : i32
        %dma_wait3A_171 = tpu.memref_slice %arg2[%dma_wait3A_169, %dma_wait3A_170] : memref<10000x128xf32, #tpu.memory_space<hbm>> -> memref<400x128xf32, #tpu.memory_space<hbm>>
        tpu.wait_dma2 semaphore(%run_scoped3A_159 : memref<!tpu.dma_semaphore, #tpu.memory_space<semaphore_mem>>) src(%dma_wait3A_171 : memref<400x128xf32, #tpu.memory_space<hbm>>) dst(%dma_wait3A_168 : memref<400x128xf32, #tpu.memory_space<vmem_shared>>)
        tpu.yield
      }) : () -> ()
    } else {
    }
    %lt3A_64 = arith.constant 15 : i32
    %lt3A_65 = arith.cmpi slt, %arg1, %lt3A_64 : i32
    %eq3A_66 = arith.constant 1 : i32
    %eq3A_67 = arith.cmpi eq, %arg0, %eq3A_66 : i32
    %and3A_68 = arith.andi %lt3A_65, %eq3A_67 : i1
    %convert_element_type3A_69 = arith.extui %and3A_68 : i1 to i32
    %cond3A_70 = arith.constant 0 : i32
    %cond3A_71 = arith.cmpi ne, %convert_element_type3A_69, %cond3A_70 : i32
    scf.if %cond3A_71 {
      "tpu.region"() ({
        %run_scoped3A_159 = tpu.sem_alloc : memref<!tpu.dma_semaphore, #tpu.memory_space<semaphore_mem>>
        %dma_start3A_160 = arith.constant 0 : i32
        %dma_start3A_161 = tpu.memref_slice %arg10[%multiple_of3A, %dma_start3A_160] : memref<10000x128xf32, #tpu.memory_space<vmem_shared>> -> memref<640x128xf32, #tpu.memory_space<vmem_shared>>
        %dma_start3A_162 = arith.constant 0 : i32
        %dma_start3A_163 = tpu.memref_slice %arg5[%multiple_of3A, %dma_start3A_162] : memref<10000x128xf32, #tpu.memory_space<hbm>> -> memref<640x128xf32, #tpu.memory_space<hbm>>
        tpu.enqueue_dma source(%dma_start3A_163 : memref<640x128xf32, #tpu.memory_space<hbm>>) target(%dma_start3A_161 : memref<640x128xf32, #tpu.memory_space<vmem_shared>>) target_semaphore(%run_scoped3A_159 : memref<!tpu.dma_semaphore, #tpu.memory_space<semaphore_mem>>)
        %dma_wait3A_164 = arith.constant 0 : i32
        %dma_wait3A_165 = tpu.memref_slice %arg10[%multiple_of3A, %dma_wait3A_164] : memref<10000x128xf32, #tpu.memory_space<vmem_shared>> -> memref<640x128xf32, #tpu.memory_space<vmem_shared>>
        %dma_wait3A_166 = arith.constant 0 : i32
        %dma_wait3A_167 = tpu.memref_slice %arg5[%multiple_of3A, %dma_wait3A_166] : memref<10000x128xf32, #tpu.memory_space<hbm>> -> memref<640x128xf32, #tpu.memory_space<hbm>>
        tpu.wait_dma2 semaphore(%run_scoped3A_159 : memref<!tpu.dma_semaphore, #tpu.memory_space<semaphore_mem>>) src(%dma_wait3A_167 : memref<640x128xf32, #tpu.memory_space<hbm>>) dst(%dma_wait3A_165 : memref<640x128xf32, #tpu.memory_space<vmem_shared>>)
        tpu.yield
      }) : () -> ()
    } else {
    }
    %eq3A_72 = arith.constant 15 : i32
    %eq3A_73 = arith.cmpi eq, %arg1, %eq3A_72 : i32
    %eq3A_74 = arith.constant 1 : i32
    %eq3A_75 = arith.cmpi eq, %arg0, %eq3A_74 : i32
    %and3A_76 = arith.andi %eq3A_73, %eq3A_75 : i1
    %convert_element_type3A_77 = arith.extui %and3A_76 : i1 to i32
    %cond3A_78 = arith.constant 0 : i32
    %cond3A_79 = arith.cmpi ne, %convert_element_type3A_77, %cond3A_78 : i32
    scf.if %cond3A_79 {
      "tpu.region"() ({
        %run_scoped3A_159 = tpu.sem_alloc : memref<!tpu.dma_semaphore, #tpu.memory_space<semaphore_mem>>
        %dma_start3A_160 = arith.constant 9600 : i32
        %dma_start3A_161 = arith.constant 0 : i32
        %dma_start3A_162 = tpu.memref_slice %arg10[%dma_start3A_160, %dma_start3A_161] : memref<10000x128xf32, #tpu.memory_space<vmem_shared>> -> memref<400x128xf32, #tpu.memory_space<vmem_shared>>
        %dma_start3A_163 = arith.constant 9600 : i32
        %dma_start3A_164 = arith.constant 0 : i32
        %dma_start3A_165 = tpu.memref_slice %arg5[%dma_start3A_163, %dma_start3A_164] : memref<10000x128xf32, #tpu.memory_space<hbm>> -> memref<400x128xf32, #tpu.memory_space<hbm>>
        tpu.enqueue_dma source(%dma_start3A_165 : memref<400x128xf32, #tpu.memory_space<hbm>>) target(%dma_start3A_162 : memref<400x128xf32, #tpu.memory_space<vmem_shared>>) target_semaphore(%run_scoped3A_159 : memref<!tpu.dma_semaphore, #tpu.memory_space<semaphore_mem>>)
        %dma_wait3A_166 = arith.constant 9600 : i32
        %dma_wait3A_167 = arith.constant 0 : i32
        %dma_wait3A_168 = tpu.memref_slice %arg10[%dma_wait3A_166, %dma_wait3A_167] : memref<10000x128xf32, #tpu.memory_space<vmem_shared>> -> memref<400x128xf32, #tpu.memory_space<vmem_shared>>
        %dma_wait3A_169 = arith.constant 9600 : i32
        %dma_wait3A_170 = arith.constant 0 : i32
        %dma_wait3A_171 = tpu.memref_slice %arg5[%dma_wait3A_169, %dma_wait3A_170] : memref<10000x128xf32, #tpu.memory_space<hbm>> -> memref<400x128xf32, #tpu.memory_space<hbm>>
        tpu.wait_dma2 semaphore(%run_scoped3A_159 : memref<!tpu.dma_semaphore, #tpu.memory_space<semaphore_mem>>) src(%dma_wait3A_171 : memref<400x128xf32, #tpu.memory_space<hbm>>) dst(%dma_wait3A_168 : memref<400x128xf32, #tpu.memory_space<vmem_shared>>)
        tpu.yield
      }) : () -> ()
    } else {
    }
    %barrier3A = arith.constant 0 : index
    tpu.barrier barrier_id(%barrier3A)
    %scan3A = arith.constant 0 : i32
    %scan3A_80 = arith.constant 0 : i32
    %scan3A_81 = arith.constant 125 : i32
    %scan3A_82 = arith.addi %scan3A_80, %scan3A_81 : i32
    %scan3A_83 = arith.constant 1 : i32
    scf.for %scan3A_159 = %scan3A_80 to %scan3A_82 step %scan3A_83  : i32 {
      %div3A = arith.constant 5 : i32
      %div3A_160 = arith.divsi %scan3A_159, %div3A : i32
      %rem3A = arith.constant 5 : i32
      %rem3A_161 = arith.remsi %scan3A_159, %rem3A : i32
      %rem3A_162 = arith.constant 2 : i32
      %rem3A_163 = arith.remsi %div3A_160, %rem3A_162 : i32
      %rem3A_164 = arith.constant 4 : i32
      %rem3A_165 = arith.remsi %scan3A_159, %rem3A_164 : i32
      %eq3A_166 = arith.constant 1 : i32
      %eq3A_167 = arith.cmpi eq, %rem3A_161, %eq3A_166 : i32
      %add3A_168 = arith.constant 1 : i32
      %add3A_169 = arith.addi %div3A_160, %add3A_168 : i32
      %lt3A_170 = arith.constant 25 : i32
      %lt3A_171 = arith.cmpi slt, %add3A_169, %lt3A_170 : i32
      %and3A_172 = arith.andi %eq3A_167, %lt3A_171 : i1
      %convert_element_type3A_173 = arith.extui %and3A_172 : i1 to i32
      %cond3A_174 = arith.constant 0 : i32
      %cond3A_175 = arith.cmpi ne, %convert_element_type3A_173, %cond3A_174 : i32
      scf.if %cond3A_175 {
        %add3A_232 = arith.constant 1 : i32
        %add3A_233 = arith.addi %div3A_160, %add3A_232 : i32
        %sub3A = arith.constant 1 : i32
        %sub3A_234 = arith.subi %sub3A, %rem3A_163 : i32
        %dma_start3A_235 = arith.constant 0 : i32
        %dma_start3A_236 = arith.constant 0 : i32
        %dma_start3A_237 = tpu.memref_slice %arg7[%sub3A_234, %dma_start3A_235, %dma_start3A_236] : memref<2x5x80xi32, #tpu.memory_space<vmem>> -> memref<1x5x80xi32, #tpu.memory_space<vmem>>
        %dma_start3A_238 = tpu.memref_squeeze %dma_start3A_237 : memref<1x5x80xi32, #tpu.memory_space<vmem>> -> memref<5x80xi32, #tpu.memory_space<vmem>>
        %dma_start3A_239 = arith.constant 0 : i32
        %dma_start3A_240 = arith.constant 0 : i32
        %dma_start3A_241 = tpu.memref_slice %arg3[%add3A, %add3A_233, %dma_start3A_239, %dma_start3A_240] : memref<32x25x5x80xi32, #tpu.memory_space<hbm>> -> memref<1x1x5x80xi32, #tpu.memory_space<hbm>>
        %dma_start3A_242 = tpu.memref_squeeze %dma_start3A_241 : memref<1x1x5x80xi32, #tpu.memory_space<hbm>> -> memref<5x80xi32, #tpu.memory_space<hbm>>
        %dma_start3A_243 = arith.constant 0 : i32
        %dma_start3A_244 = arith.constant 0 : i32
        %dma_start3A_245 = tpu.memref_slice %arg7[%sub3A_234, %dma_start3A_243, %dma_start3A_244] : memref<2x5x80xi32, #tpu.memory_space<vmem>> -> memref<1x5x80xi32, #tpu.memory_space<vmem>>
        %dma_start3A_246 = tpu.memref_squeeze %dma_start3A_245 : memref<1x5x80xi32, #tpu.memory_space<vmem>> -> memref<5x80xi32, #tpu.memory_space<vmem>>
        %dma_start3A_247 = arith.constant 0 : i32
        %dma_start3A_248 = arith.constant 0 : i32
        %dma_start3A_249 = tpu.memref_slice %arg3[%add3A, %add3A_233, %dma_start3A_247, %dma_start3A_248] : memref<32x25x5x80xi32, #tpu.memory_space<hbm>> -> memref<1x1x5x80xi32, #tpu.memory_space<hbm>>
        %dma_start3A_250 = tpu.memref_squeeze %dma_start3A_249 : memref<1x1x5x80xi32, #tpu.memory_space<hbm>> -> memref<5x80xi32, #tpu.memory_space<hbm>>
        tpu.enqueue_dma source(%dma_start3A_250 : memref<5x80xi32, #tpu.memory_space<hbm>>) target(%dma_start3A_246 : memref<5x80xi32, #tpu.memory_space<vmem>>) target_semaphore(%arg13 : memref<!tpu.dma_semaphore, #tpu.memory_space<semaphore_mem>>)
        %add3A_251 = arith.constant 1 : i32
        %add3A_252 = arith.addi %div3A_160, %add3A_251 : i32
        %sub3A_253 = arith.constant 1 : i32
        %sub3A_254 = arith.subi %sub3A_253, %rem3A_163 : i32
        %dma_start3A_255 = arith.constant 0 : i32
        %dma_start3A_256 = arith.constant 0 : i32
        %dma_start3A_257 = tpu.memref_slice %arg8[%sub3A_254, %dma_start3A_255, %dma_start3A_256] : memref<2x5x80xi32, #tpu.memory_space<vmem>> -> memref<1x5x80xi32, #tpu.memory_space<vmem>>
        %dma_start3A_258 = tpu.memref_squeeze %dma_start3A_257 : memref<1x5x80xi32, #tpu.memory_space<vmem>> -> memref<5x80xi32, #tpu.memory_space<vmem>>
        %dma_start3A_259 = arith.constant 0 : i32
        %dma_start3A_260 = arith.constant 0 : i32
        %dma_start3A_261 = tpu.memref_slice %arg4[%add3A, %add3A_252, %dma_start3A_259, %dma_start3A_260] : memref<32x25x5x80xi32, #tpu.memory_space<hbm>> -> memref<1x1x5x80xi32, #tpu.memory_space<hbm>>
        %dma_start3A_262 = tpu.memref_squeeze %dma_start3A_261 : memref<1x1x5x80xi32, #tpu.memory_space<hbm>> -> memref<5x80xi32, #tpu.memory_space<hbm>>
        %dma_start3A_263 = arith.constant 0 : i32
        %dma_start3A_264 = arith.constant 0 : i32
        %dma_start3A_265 = tpu.memref_slice %arg8[%sub3A_254, %dma_start3A_263, %dma_start3A_264] : memref<2x5x80xi32, #tpu.memory_space<vmem>> -> memref<1x5x80xi32, #tpu.memory_space<vmem>>
        %dma_start3A_266 = tpu.memref_squeeze %dma_start3A_265 : memref<1x5x80xi32, #tpu.memory_space<vmem>> -> memref<5x80xi32, #tpu.memory_space<vmem>>
        %dma_start3A_267 = arith.constant 0 : i32
        %dma_start3A_268 = arith.constant 0 : i32
        %dma_start3A_269 = tpu.memref_slice %arg4[%add3A, %add3A_252, %dma_start3A_267, %dma_start3A_268] : memref<32x25x5x80xi32, #tpu.memory_space<hbm>> -> memref<1x1x5x80xi32, #tpu.memory_space<hbm>>
        %dma_start3A_270 = tpu.memref_squeeze %dma_start3A_269 : memref<1x1x5x80xi32, #tpu.memory_space<hbm>> -> memref<5x80xi32, #tpu.memory_space<hbm>>
        tpu.enqueue_dma source(%dma_start3A_270 : memref<5x80xi32, #tpu.memory_space<hbm>>) target(%dma_start3A_266 : memref<5x80xi32, #tpu.memory_space<vmem>>) target_semaphore(%arg13 : memref<!tpu.dma_semaphore, #tpu.memory_space<semaphore_mem>>)
      } else {
      }
      %eq3A_176 = arith.constant 2 : i32
      %eq3A_177 = arith.cmpi eq, %rem3A_161, %eq3A_176 : i32
      %add3A_178 = arith.constant 1 : i32
      %add3A_179 = arith.addi %div3A_160, %add3A_178 : i32
      %lt3A_180 = arith.constant 25 : i32
      %lt3A_181 = arith.cmpi slt, %add3A_179, %lt3A_180 : i32
      %and3A_182 = arith.andi %eq3A_177, %lt3A_181 : i1
      %convert_element_type3A_183 = arith.extui %and3A_182 : i1 to i32
      %cond3A_184 = arith.constant 0 : i32
      %cond3A_185 = arith.cmpi ne, %convert_element_type3A_183, %cond3A_184 : i32
      scf.if %cond3A_185 {
        %add3A_232 = arith.constant 1 : i32
        %add3A_233 = arith.addi %div3A_160, %add3A_232 : i32
        %sub3A = arith.constant 1 : i32
        %sub3A_234 = arith.subi %sub3A, %rem3A_163 : i32
        %dma_wait3A_235 = arith.constant 0 : i32
        %dma_wait3A_236 = arith.constant 0 : i32
        %dma_wait3A_237 = tpu.memref_slice %arg7[%sub3A_234, %dma_wait3A_235, %dma_wait3A_236] : memref<2x5x80xi32, #tpu.memory_space<vmem>> -> memref<1x5x80xi32, #tpu.memory_space<vmem>>
        %dma_wait3A_238 = tpu.memref_squeeze %dma_wait3A_237 : memref<1x5x80xi32, #tpu.memory_space<vmem>> -> memref<5x80xi32, #tpu.memory_space<vmem>>
        %dma_wait3A_239 = arith.constant 0 : i32
        %dma_wait3A_240 = arith.constant 0 : i32
        %dma_wait3A_241 = tpu.memref_slice %arg3[%add3A, %add3A_233, %dma_wait3A_239, %dma_wait3A_240] : memref<32x25x5x80xi32, #tpu.memory_space<hbm>> -> memref<1x1x5x80xi32, #tpu.memory_space<hbm>>
        %dma_wait3A_242 = tpu.memref_squeeze %dma_wait3A_241 : memref<1x1x5x80xi32, #tpu.memory_space<hbm>> -> memref<5x80xi32, #tpu.memory_space<hbm>>
        %dma_wait3A_243 = arith.constant 0 : i32
        %dma_wait3A_244 = arith.constant 0 : i32
        %dma_wait3A_245 = tpu.memref_slice %arg7[%sub3A_234, %dma_wait3A_243, %dma_wait3A_244] : memref<2x5x80xi32, #tpu.memory_space<vmem>> -> memref<1x5x80xi32, #tpu.memory_space<vmem>>
        %dma_wait3A_246 = tpu.memref_squeeze %dma_wait3A_245 : memref<1x5x80xi32, #tpu.memory_space<vmem>> -> memref<5x80xi32, #tpu.memory_space<vmem>>
        %dma_wait3A_247 = arith.constant 0 : i32
        %dma_wait3A_248 = arith.constant 0 : i32
        %dma_wait3A_249 = tpu.memref_slice %arg3[%add3A, %add3A_233, %dma_wait3A_247, %dma_wait3A_248] : memref<32x25x5x80xi32, #tpu.memory_space<hbm>> -> memref<1x1x5x80xi32, #tpu.memory_space<hbm>>
        %dma_wait3A_250 = tpu.memref_squeeze %dma_wait3A_249 : memref<1x1x5x80xi32, #tpu.memory_space<hbm>> -> memref<5x80xi32, #tpu.memory_space<hbm>>
        tpu.wait_dma2 semaphore(%arg13 : memref<!tpu.dma_semaphore, #tpu.memory_space<semaphore_mem>>) src(%dma_wait3A_250 : memref<5x80xi32, #tpu.memory_space<hbm>>) dst(%dma_wait3A_246 : memref<5x80xi32, #tpu.memory_space<vmem>>)
        %add3A_251 = arith.constant 1 : i32
        %add3A_252 = arith.addi %div3A_160, %add3A_251 : i32
        %sub3A_253 = arith.constant 1 : i32
        %sub3A_254 = arith.subi %sub3A_253, %rem3A_163 : i32
        %dma_wait3A_255 = arith.constant 0 : i32
        %dma_wait3A_256 = arith.constant 0 : i32
        %dma_wait3A_257 = tpu.memref_slice %arg8[%sub3A_254, %dma_wait3A_255, %dma_wait3A_256] : memref<2x5x80xi32, #tpu.memory_space<vmem>> -> memref<1x5x80xi32, #tpu.memory_space<vmem>>
        %dma_wait3A_258 = tpu.memref_squeeze %dma_wait3A_257 : memref<1x5x80xi32, #tpu.memory_space<vmem>> -> memref<5x80xi32, #tpu.memory_space<vmem>>
        %dma_wait3A_259 = arith.constant 0 : i32
        %dma_wait3A_260 = arith.constant 0 : i32
        %dma_wait3A_261 = tpu.memref_slice %arg4[%add3A, %add3A_252, %dma_wait3A_259, %dma_wait3A_260] : memref<32x25x5x80xi32, #tpu.memory_space<hbm>> -> memref<1x1x5x80xi32, #tpu.memory_space<hbm>>
        %dma_wait3A_262 = tpu.memref_squeeze %dma_wait3A_261 : memref<1x1x5x80xi32, #tpu.memory_space<hbm>> -> memref<5x80xi32, #tpu.memory_space<hbm>>
        %dma_wait3A_263 = arith.constant 0 : i32
        %dma_wait3A_264 = arith.constant 0 : i32
        %dma_wait3A_265 = tpu.memref_slice %arg8[%sub3A_254, %dma_wait3A_263, %dma_wait3A_264] : memref<2x5x80xi32, #tpu.memory_space<vmem>> -> memref<1x5x80xi32, #tpu.memory_space<vmem>>
        %dma_wait3A_266 = tpu.memref_squeeze %dma_wait3A_265 : memref<1x5x80xi32, #tpu.memory_space<vmem>> -> memref<5x80xi32, #tpu.memory_space<vmem>>
        %dma_wait3A_267 = arith.constant 0 : i32
        %dma_wait3A_268 = arith.constant 0 : i32
        %dma_wait3A_269 = tpu.memref_slice %arg4[%add3A, %add3A_252, %dma_wait3A_267, %dma_wait3A_268] : memref<32x25x5x80xi32, #tpu.memory_space<hbm>> -> memref<1x1x5x80xi32, #tpu.memory_space<hbm>>
        %dma_wait3A_270 = tpu.memref_squeeze %dma_wait3A_269 : memref<1x1x5x80xi32, #tpu.memory_space<hbm>> -> memref<5x80xi32, #tpu.memory_space<hbm>>
        tpu.wait_dma2 semaphore(%arg13 : memref<!tpu.dma_semaphore, #tpu.memory_space<semaphore_mem>>) src(%dma_wait3A_270 : memref<5x80xi32, #tpu.memory_space<hbm>>) dst(%dma_wait3A_266 : memref<5x80xi32, #tpu.memory_space<vmem>>)
      } else {
      }
      %dma_wait3A_186 = arith.constant 0 : i32
      %dma_wait3A_187 = arith.constant 0 : i32
      %dma_wait3A_188 = tpu.memref_slice %arg9[%rem3A_165, %dma_wait3A_186, %dma_wait3A_187] : memref<4x80x128xf32, #tpu.memory_space<vmem>> -> memref<1x80x128xf32, #tpu.memory_space<vmem>>
      %dma_wait3A_189 = tpu.memref_squeeze %dma_wait3A_188 : memref<1x80x128xf32, #tpu.memory_space<vmem>> -> memref<80x128xf32, #tpu.memory_space<vmem>>
      %dma_wait3A_190 = arith.constant 0 : i32
      %dma_wait3A_191 = tpu.memref_slice %arg7[%rem3A_163, %rem3A_161, %dma_wait3A_190] : memref<2x5x80xi32, #tpu.memory_space<vmem>> -> memref<1x1x80xi32, #tpu.memory_space<vmem>>
      %dma_wait3A_192 = tpu.memref_squeeze %dma_wait3A_191 : memref<1x1x80xi32, #tpu.memory_space<vmem>> -> memref<80xi32, #tpu.memory_space<vmem>>
      %dma_wait3A_193 = arith.constant 0 : i32
      %dma_wait3A_194 = arith.constant 0 : i32
      %dma_wait3A_195 = tpu.memref_slice %arg2[%dma_wait3A_193, %dma_wait3A_194] : memref<10000x128xf32, #tpu.memory_space<hbm>> -> memref<10000x128xf32, #tpu.memory_space<hbm>>
      %dma_wait3A_196 = tpu.memref_slice %arg11[%rem3A_165] : memref<4x!tpu.dma_semaphore, #tpu.memory_space<semaphore_mem>> -> memref<1x!tpu.dma_semaphore, #tpu.memory_space<semaphore_mem>>
      %dma_wait3A_197 = tpu.memref_squeeze %dma_wait3A_196 : memref<1x!tpu.dma_semaphore, #tpu.memory_space<semaphore_mem>> -> memref<!tpu.dma_semaphore, #tpu.memory_space<semaphore_mem>>
      tpu.wait_indirect_dma semaphore(%dma_wait3A_197 : memref<!tpu.dma_semaphore, #tpu.memory_space<semaphore_mem>>) src(%dma_wait3A_195 : memref<10000x128xf32, #tpu.memory_space<hbm>>) dst(%dma_wait3A_189 : memref<80x128xf32, #tpu.memory_space<vmem>>)
      %dma_start3A_198 = arith.constant 0 : i32
      %dma_start3A_199 = arith.constant 0 : i32
      %dma_start3A_200 = tpu.memref_slice %arg9[%rem3A_165, %dma_start3A_198, %dma_start3A_199] : memref<4x80x128xf32, #tpu.memory_space<vmem>> -> memref<1x80x128xf32, #tpu.memory_space<vmem>>
      %dma_start3A_201 = tpu.memref_squeeze %dma_start3A_200 : memref<1x80x128xf32, #tpu.memory_space<vmem>> -> memref<80x128xf32, #tpu.memory_space<vmem>>
      %dma_start3A_202 = arith.constant 0 : i32
      %dma_start3A_203 = tpu.memref_slice %arg8[%rem3A_163, %rem3A_161, %dma_start3A_202] : memref<2x5x80xi32, #tpu.memory_space<vmem>> -> memref<1x1x80xi32, #tpu.memory_space<vmem>>
      %dma_start3A_204 = tpu.memref_squeeze %dma_start3A_203 : memref<1x1x80xi32, #tpu.memory_space<vmem>> -> memref<80xi32, #tpu.memory_space<vmem>>
      %dma_start3A_205 = arith.constant 0 : i32
      %dma_start3A_206 = arith.constant 0 : i32
      %dma_start3A_207 = tpu.memref_slice %arg10[%dma_start3A_205, %dma_start3A_206] : memref<10000x128xf32, #tpu.memory_space<vmem_shared>> -> memref<10000x128xf32, #tpu.memory_space<vmem_shared>>
      %dma_start3A_208 = tpu.memref_slice %arg12[%rem3A_165] : memref<4x!tpu.dma_semaphore, #tpu.memory_space<semaphore_mem>> -> memref<1x!tpu.dma_semaphore, #tpu.memory_space<semaphore_mem>>
      %dma_start3A_209 = tpu.memref_squeeze %dma_start3A_208 : memref<1x!tpu.dma_semaphore, #tpu.memory_space<semaphore_mem>> -> memref<!tpu.dma_semaphore, #tpu.memory_space<semaphore_mem>>
      tpu.enqueue_indirect_dma source(%dma_start3A_201 : memref<80x128xf32, #tpu.memory_space<vmem>>) target(%dma_start3A_207 : memref<10000x128xf32, #tpu.memory_space<vmem_shared>>) offsets(%dma_start3A_204 : memref<80xi32, #tpu.memory_space<vmem>>) semaphore(%dma_start3A_209 : memref<!tpu.dma_semaphore, #tpu.memory_space<semaphore_mem>>) {add = true}
      %add3A_210 = arith.constant 3 : i32
      %add3A_211 = arith.addi %scan3A_159, %add3A_210 : i32
      %rem3A_212 = arith.constant 4 : i32
      %rem3A_213 = arith.remsi %add3A_211, %rem3A_212 : i32
      %div3A_214 = arith.constant 5 : i32
      %div3A_215 = arith.divsi %add3A_211, %div3A_214 : i32
      %rem3A_216 = arith.constant 5 : i32
      %rem3A_217 = arith.remsi %add3A_211, %rem3A_216 : i32
      %rem3A_218 = arith.constant 2 : i32
      %rem3A_219 = arith.remsi %div3A_215, %rem3A_218 : i32
      %ge3A = arith.constant 1 : i32
      %ge3A_220 = arith.cmpi sge, %scan3A_159, %ge3A : i32
      %lt3A_221 = arith.constant 125 : i32
      %lt3A_222 = arith.cmpi slt, %add3A_211, %lt3A_221 : i32
      %and3A_223 = arith.andi %ge3A_220, %lt3A_222 : i1
      %convert_element_type3A_224 = arith.extui %and3A_223 : i1 to i32
      %cond3A_225 = arith.constant 0 : i32
      %cond3A_226 = arith.cmpi ne, %convert_element_type3A_224, %cond3A_225 : i32
      scf.if %cond3A_226 {
        %dma_wait3A_232 = arith.constant 0 : i32
        %dma_wait3A_233 = arith.constant 0 : i32
        %dma_wait3A_234 = arith.constant 0 : i32
        %dma_wait3A_235 = arith.constant 0 : i32
        %dma_wait3A_236 = tpu.memref_slice %arg9[%rem3A_213, %dma_wait3A_234, %dma_wait3A_235] : memref<4x80x128xf32, #tpu.memory_space<vmem>> -> memref<1x80x128xf32, #tpu.memory_space<vmem>>
        %dma_wait3A_237 = tpu.memref_squeeze %dma_wait3A_236 : memref<1x80x128xf32, #tpu.memory_space<vmem>> -> memref<80x128xf32, #tpu.memory_space<vmem>>
        %dma_wait3A_238 = arith.constant 0 : i32
        %dma_wait3A_239 = tpu.memref_slice %arg8[%dma_wait3A_232, %dma_wait3A_233, %dma_wait3A_238] : memref<2x5x80xi32, #tpu.memory_space<vmem>> -> memref<1x1x80xi32, #tpu.memory_space<vmem>>
        %dma_wait3A_240 = tpu.memref_squeeze %dma_wait3A_239 : memref<1x1x80xi32, #tpu.memory_space<vmem>> -> memref<80xi32, #tpu.memory_space<vmem>>
        %dma_wait3A_241 = arith.constant 0 : i32
        %dma_wait3A_242 = arith.constant 0 : i32
        %dma_wait3A_243 = tpu.memref_slice %arg10[%dma_wait3A_241, %dma_wait3A_242] : memref<10000x128xf32, #tpu.memory_space<vmem_shared>> -> memref<10000x128xf32, #tpu.memory_space<vmem_shared>>
        %dma_wait3A_244 = tpu.memref_slice %arg12[%rem3A_213] : memref<4x!tpu.dma_semaphore, #tpu.memory_space<semaphore_mem>> -> memref<1x!tpu.dma_semaphore, #tpu.memory_space<semaphore_mem>>
        %dma_wait3A_245 = tpu.memref_squeeze %dma_wait3A_244 : memref<1x!tpu.dma_semaphore, #tpu.memory_space<semaphore_mem>> -> memref<!tpu.dma_semaphore, #tpu.memory_space<semaphore_mem>>
        tpu.wait_indirect_dma semaphore(%dma_wait3A_245 : memref<!tpu.dma_semaphore, #tpu.memory_space<semaphore_mem>>) src(%dma_wait3A_237 : memref<80x128xf32, #tpu.memory_space<vmem>>) dst(%dma_wait3A_243 : memref<10000x128xf32, #tpu.memory_space<vmem_shared>>)
      } else {
      }
      %lt3A_227 = arith.constant 125 : i32
      %lt3A_228 = arith.cmpi slt, %add3A_211, %lt3A_227 : i32
      %convert_element_type3A_229 = arith.extui %lt3A_228 : i1 to i32
      %cond3A_230 = arith.constant 0 : i32
      %cond3A_231 = arith.cmpi ne, %convert_element_type3A_229, %cond3A_230 : i32
      scf.if %cond3A_231 {
        %dma_start3A_232 = arith.constant 0 : i32
        %dma_start3A_233 = arith.constant 0 : i32
        %dma_start3A_234 = tpu.memref_slice %arg9[%rem3A_213, %dma_start3A_232, %dma_start3A_233] : memref<4x80x128xf32, #tpu.memory_space<vmem>> -> memref<1x80x128xf32, #tpu.memory_space<vmem>>
        %dma_start3A_235 = tpu.memref_squeeze %dma_start3A_234 : memref<1x80x128xf32, #tpu.memory_space<vmem>> -> memref<80x128xf32, #tpu.memory_space<vmem>>
        %dma_start3A_236 = arith.constant 0 : i32
        %dma_start3A_237 = tpu.memref_slice %arg7[%rem3A_219, %rem3A_217, %dma_start3A_236] : memref<2x5x80xi32, #tpu.memory_space<vmem>> -> memref<1x1x80xi32, #tpu.memory_space<vmem>>
        %dma_start3A_238 = tpu.memref_squeeze %dma_start3A_237 : memref<1x1x80xi32, #tpu.memory_space<vmem>> -> memref<80xi32, #tpu.memory_space<vmem>>
        %dma_start3A_239 = arith.constant 0 : i32
        %dma_start3A_240 = arith.constant 0 : i32
        %dma_start3A_241 = tpu.memref_slice %arg2[%dma_start3A_239, %dma_start3A_240] : memref<10000x128xf32, #tpu.memory_space<hbm>> -> memref<10000x128xf32, #tpu.memory_space<hbm>>
        %dma_start3A_242 = tpu.memref_slice %arg11[%rem3A_213] : memref<4x!tpu.dma_semaphore, #tpu.memory_space<semaphore_mem>> -> memref<1x!tpu.dma_semaphore, #tpu.memory_space<semaphore_mem>>
        %dma_start3A_243 = tpu.memref_squeeze %dma_start3A_242 : memref<1x!tpu.dma_semaphore, #tpu.memory_space<semaphore_mem>> -> memref<!tpu.dma_semaphore, #tpu.memory_space<semaphore_mem>>
        tpu.enqueue_indirect_dma source(%dma_start3A_241 : memref<10000x128xf32, #tpu.memory_space<hbm>>) target(%dma_start3A_235 : memref<80x128xf32, #tpu.memory_space<vmem>>) offsets(%dma_start3A_238 : memref<80xi32, #tpu.memory_space<vmem>>) semaphore(%dma_start3A_243 : memref<!tpu.dma_semaphore, #tpu.memory_space<semaphore_mem>>)
      } else {
      }
    }
    %scan3A_84 = arith.constant 125 : i32
    %dma_wait3A = arith.constant 0 : i32
    %dma_wait3A_85 = arith.constant 0 : i32
    %dma_wait3A_86 = arith.constant 0 : i32
    %dma_wait3A_87 = arith.constant 0 : i32
    %dma_wait3A_88 = arith.constant 0 : i32
    %dma_wait3A_89 = arith.constant 0 : i32
    %dma_wait3A_90 = tpu.memref_slice %arg9[%dma_wait3A, %dma_wait3A_88, %dma_wait3A_89] : memref<4x80x128xf32, #tpu.memory_space<vmem>> -> memref<1x80x128xf32, #tpu.memory_space<vmem>>
    %dma_wait3A_91 = tpu.memref_squeeze %dma_wait3A_90 : memref<1x80x128xf32, #tpu.memory_space<vmem>> -> memref<80x128xf32, #tpu.memory_space<vmem>>
    %dma_wait3A_92 = arith.constant 0 : i32
    %dma_wait3A_93 = tpu.memref_slice %arg8[%dma_wait3A_85, %dma_wait3A_86, %dma_wait3A_92] : memref<2x5x80xi32, #tpu.memory_space<vmem>> -> memref<1x1x80xi32, #tpu.memory_space<vmem>>
    %dma_wait3A_94 = tpu.memref_squeeze %dma_wait3A_93 : memref<1x1x80xi32, #tpu.memory_space<vmem>> -> memref<80xi32, #tpu.memory_space<vmem>>
    %dma_wait3A_95 = arith.constant 0 : i32
    %dma_wait3A_96 = arith.constant 0 : i32
    %dma_wait3A_97 = tpu.memref_slice %arg10[%dma_wait3A_95, %dma_wait3A_96] : memref<10000x128xf32, #tpu.memory_space<vmem_shared>> -> memref<10000x128xf32, #tpu.memory_space<vmem_shared>>
    %dma_wait3A_98 = tpu.memref_slice %arg12[%dma_wait3A_87] : memref<4x!tpu.dma_semaphore, #tpu.memory_space<semaphore_mem>> -> memref<1x!tpu.dma_semaphore, #tpu.memory_space<semaphore_mem>>
    %dma_wait3A_99 = tpu.memref_squeeze %dma_wait3A_98 : memref<1x!tpu.dma_semaphore, #tpu.memory_space<semaphore_mem>> -> memref<!tpu.dma_semaphore, #tpu.memory_space<semaphore_mem>>
    tpu.wait_indirect_dma semaphore(%dma_wait3A_99 : memref<!tpu.dma_semaphore, #tpu.memory_space<semaphore_mem>>) src(%dma_wait3A_91 : memref<80x128xf32, #tpu.memory_space<vmem>>) dst(%dma_wait3A_97 : memref<10000x128xf32, #tpu.memory_space<vmem_shared>>)
    %dma_wait3A_100 = arith.constant 1 : i32
    %dma_wait3A_101 = arith.constant 0 : i32
    %dma_wait3A_102 = arith.constant 0 : i32
    %dma_wait3A_103 = arith.constant 1 : i32
    %dma_wait3A_104 = arith.constant 0 : i32
    %dma_wait3A_105 = arith.constant 0 : i32
    %dma_wait3A_106 = tpu.memref_slice %arg9[%dma_wait3A_100, %dma_wait3A_104, %dma_wait3A_105] : memref<4x80x128xf32, #tpu.memory_space<vmem>> -> memref<1x80x128xf32, #tpu.memory_space<vmem>>
    %dma_wait3A_107 = tpu.memref_squeeze %dma_wait3A_106 : memref<1x80x128xf32, #tpu.memory_space<vmem>> -> memref<80x128xf32, #tpu.memory_space<vmem>>
    %dma_wait3A_108 = arith.constant 0 : i32
    %dma_wait3A_109 = tpu.memref_slice %arg8[%dma_wait3A_101, %dma_wait3A_102, %dma_wait3A_108] : memref<2x5x80xi32, #tpu.memory_space<vmem>> -> memref<1x1x80xi32, #tpu.memory_space<vmem>>
    %dma_wait3A_110 = tpu.memref_squeeze %dma_wait3A_109 : memref<1x1x80xi32, #tpu.memory_space<vmem>> -> memref<80xi32, #tpu.memory_space<vmem>>
    %dma_wait3A_111 = arith.constant 0 : i32
    %dma_wait3A_112 = arith.constant 0 : i32
    %dma_wait3A_113 = tpu.memref_slice %arg10[%dma_wait3A_111, %dma_wait3A_112] : memref<10000x128xf32, #tpu.memory_space<vmem_shared>> -> memref<10000x128xf32, #tpu.memory_space<vmem_shared>>
    %dma_wait3A_114 = tpu.memref_slice %arg12[%dma_wait3A_103] : memref<4x!tpu.dma_semaphore, #tpu.memory_space<semaphore_mem>> -> memref<1x!tpu.dma_semaphore, #tpu.memory_space<semaphore_mem>>
    %dma_wait3A_115 = tpu.memref_squeeze %dma_wait3A_114 : memref<1x!tpu.dma_semaphore, #tpu.memory_space<semaphore_mem>> -> memref<!tpu.dma_semaphore, #tpu.memory_space<semaphore_mem>>
    tpu.wait_indirect_dma semaphore(%dma_wait3A_115 : memref<!tpu.dma_semaphore, #tpu.memory_space<semaphore_mem>>) src(%dma_wait3A_107 : memref<80x128xf32, #tpu.memory_space<vmem>>) dst(%dma_wait3A_113 : memref<10000x128xf32, #tpu.memory_space<vmem_shared>>)
    %dma_wait3A_116 = arith.constant 2 : i32
    %dma_wait3A_117 = arith.constant 0 : i32
    %dma_wait3A_118 = arith.constant 0 : i32
    %dma_wait3A_119 = arith.constant 2 : i32
    %dma_wait3A_120 = arith.constant 0 : i32
    %dma_wait3A_121 = arith.constant 0 : i32
    %dma_wait3A_122 = tpu.memref_slice %arg9[%dma_wait3A_116, %dma_wait3A_120, %dma_wait3A_121] : memref<4x80x128xf32, #tpu.memory_space<vmem>> -> memref<1x80x128xf32, #tpu.memory_space<vmem>>
    %dma_wait3A_123 = tpu.memref_squeeze %dma_wait3A_122 : memref<1x80x128xf32, #tpu.memory_space<vmem>> -> memref<80x128xf32, #tpu.memory_space<vmem>>
    %dma_wait3A_124 = arith.constant 0 : i32
    %dma_wait3A_125 = tpu.memref_slice %arg8[%dma_wait3A_117, %dma_wait3A_118, %dma_wait3A_124] : memref<2x5x80xi32, #tpu.memory_space<vmem>> -> memref<1x1x80xi32, #tpu.memory_space<vmem>>
    %dma_wait3A_126 = tpu.memref_squeeze %dma_wait3A_125 : memref<1x1x80xi32, #tpu.memory_space<vmem>> -> memref<80xi32, #tpu.memory_space<vmem>>
    %dma_wait3A_127 = arith.constant 0 : i32
    %dma_wait3A_128 = arith.constant 0 : i32
    %dma_wait3A_129 = tpu.memref_slice %arg10[%dma_wait3A_127, %dma_wait3A_128] : memref<10000x128xf32, #tpu.memory_space<vmem_shared>> -> memref<10000x128xf32, #tpu.memory_space<vmem_shared>>
    %dma_wait3A_130 = tpu.memref_slice %arg12[%dma_wait3A_119] : memref<4x!tpu.dma_semaphore, #tpu.memory_space<semaphore_mem>> -> memref<1x!tpu.dma_semaphore, #tpu.memory_space<semaphore_mem>>
    %dma_wait3A_131 = tpu.memref_squeeze %dma_wait3A_130 : memref<1x!tpu.dma_semaphore, #tpu.memory_space<semaphore_mem>> -> memref<!tpu.dma_semaphore, #tpu.memory_space<semaphore_mem>>
    tpu.wait_indirect_dma semaphore(%dma_wait3A_131 : memref<!tpu.dma_semaphore, #tpu.memory_space<semaphore_mem>>) src(%dma_wait3A_123 : memref<80x128xf32, #tpu.memory_space<vmem>>) dst(%dma_wait3A_129 : memref<10000x128xf32, #tpu.memory_space<vmem_shared>>)
    %dma_wait3A_132 = arith.constant 3 : i32
    %dma_wait3A_133 = arith.constant 0 : i32
    %dma_wait3A_134 = arith.constant 0 : i32
    %dma_wait3A_135 = arith.constant 3 : i32
    %dma_wait3A_136 = arith.constant 0 : i32
    %dma_wait3A_137 = arith.constant 0 : i32
    %dma_wait3A_138 = tpu.memref_slice %arg9[%dma_wait3A_132, %dma_wait3A_136, %dma_wait3A_137] : memref<4x80x128xf32, #tpu.memory_space<vmem>> -> memref<1x80x128xf32, #tpu.memory_space<vmem>>
    %dma_wait3A_139 = tpu.memref_squeeze %dma_wait3A_138 : memref<1x80x128xf32, #tpu.memory_space<vmem>> -> memref<80x128xf32, #tpu.memory_space<vmem>>
    %dma_wait3A_140 = arith.constant 0 : i32
    %dma_wait3A_141 = tpu.memref_slice %arg8[%dma_wait3A_133, %dma_wait3A_134, %dma_wait3A_140] : memref<2x5x80xi32, #tpu.memory_space<vmem>> -> memref<1x1x80xi32, #tpu.memory_space<vmem>>
    %dma_wait3A_142 = tpu.memref_squeeze %dma_wait3A_141 : memref<1x1x80xi32, #tpu.memory_space<vmem>> -> memref<80xi32, #tpu.memory_space<vmem>>
    %dma_wait3A_143 = arith.constant 0 : i32
    %dma_wait3A_144 = arith.constant 0 : i32
    %dma_wait3A_145 = tpu.memref_slice %arg10[%dma_wait3A_143, %dma_wait3A_144] : memref<10000x128xf32, #tpu.memory_space<vmem_shared>> -> memref<10000x128xf32, #tpu.memory_space<vmem_shared>>
    %dma_wait3A_146 = tpu.memref_slice %arg12[%dma_wait3A_135] : memref<4x!tpu.dma_semaphore, #tpu.memory_space<semaphore_mem>> -> memref<1x!tpu.dma_semaphore, #tpu.memory_space<semaphore_mem>>
    %dma_wait3A_147 = tpu.memref_squeeze %dma_wait3A_146 : memref<1x!tpu.dma_semaphore, #tpu.memory_space<semaphore_mem>> -> memref<!tpu.dma_semaphore, #tpu.memory_space<semaphore_mem>>
    tpu.wait_indirect_dma semaphore(%dma_wait3A_147 : memref<!tpu.dma_semaphore, #tpu.memory_space<semaphore_mem>>) src(%dma_wait3A_139 : memref<80x128xf32, #tpu.memory_space<vmem>>) dst(%dma_wait3A_145 : memref<10000x128xf32, #tpu.memory_space<vmem_shared>>)
    %barrier3A_148 = arith.constant 0 : index
    tpu.barrier barrier_id(%barrier3A_148)
    %lt3A_149 = arith.constant 15 : i32
    %lt3A_150 = arith.cmpi slt, %arg1, %lt3A_149 : i32
    %convert_element_type3A_151 = arith.extui %lt3A_150 : i1 to i32
    %cond3A_152 = arith.constant 0 : i32
    %cond3A_153 = arith.cmpi ne, %convert_element_type3A_151, %cond3A_152 : i32
    scf.if %cond3A_153 {
      "tpu.region"() ({
        %run_scoped3A_159 = tpu.sem_alloc : memref<!tpu.dma_semaphore, #tpu.memory_space<semaphore_mem>>
        %dma_start3A_160 = arith.constant 0 : i32
        %dma_start3A_161 = arith.constant 0 : i32
        %dma_start3A_162 = tpu.memref_slice %arg6[%arg0, %dma_start3A_160, %dma_start3A_161] : memref<2x10000x128xf32, #tpu.memory_space<hbm>> -> memref<1x10000x128xf32, #tpu.memory_space<hbm>>
        %dma_start3A_163 = tpu.memref_squeeze %dma_start3A_162 : memref<1x10000x128xf32, #tpu.memory_space<hbm>> -> memref<10000x128xf32, #tpu.memory_space<hbm>>
        %dma_start3A_164 = arith.constant 0 : i32
        %dma_start3A_165 = tpu.memref_slice %dma_start3A_163[%multiple_of3A, %dma_start3A_164] : memref<10000x128xf32, #tpu.memory_space<hbm>> -> memref<640x128xf32, #tpu.memory_space<hbm>>
        %dma_start3A_166 = arith.constant 0 : i32
        %dma_start3A_167 = tpu.memref_slice %arg10[%multiple_of3A, %dma_start3A_166] : memref<10000x128xf32, #tpu.memory_space<vmem_shared>> -> memref<640x128xf32, #tpu.memory_space<vmem_shared>>
        tpu.enqueue_dma source(%dma_start3A_167 : memref<640x128xf32, #tpu.memory_space<vmem_shared>>) target(%dma_start3A_165 : memref<640x128xf32, #tpu.memory_space<hbm>>) target_semaphore(%run_scoped3A_159 : memref<!tpu.dma_semaphore, #tpu.memory_space<semaphore_mem>>)
        %dma_wait3A_168 = arith.constant 0 : i32
        %dma_wait3A_169 = arith.constant 0 : i32
        %dma_wait3A_170 = tpu.memref_slice %arg6[%arg0, %dma_wait3A_168, %dma_wait3A_169] : memref<2x10000x128xf32, #tpu.memory_space<hbm>> -> memref<1x10000x128xf32, #tpu.memory_space<hbm>>
        %dma_wait3A_171 = tpu.memref_squeeze %dma_wait3A_170 : memref<1x10000x128xf32, #tpu.memory_space<hbm>> -> memref<10000x128xf32, #tpu.memory_space<hbm>>
        %dma_wait3A_172 = arith.constant 0 : i32
        %dma_wait3A_173 = tpu.memref_slice %dma_wait3A_171[%multiple_of3A, %dma_wait3A_172] : memref<10000x128xf32, #tpu.memory_space<hbm>> -> memref<640x128xf32, #tpu.memory_space<hbm>>
        %dma_wait3A_174 = arith.constant 0 : i32
        %dma_wait3A_175 = tpu.memref_slice %arg10[%multiple_of3A, %dma_wait3A_174] : memref<10000x128xf32, #tpu.memory_space<vmem_shared>> -> memref<640x128xf32, #tpu.memory_space<vmem_shared>>
        tpu.wait_dma2 semaphore(%run_scoped3A_159 : memref<!tpu.dma_semaphore, #tpu.memory_space<semaphore_mem>>) src(%dma_wait3A_175 : memref<640x128xf32, #tpu.memory_space<vmem_shared>>) dst(%dma_wait3A_173 : memref<640x128xf32, #tpu.memory_space<hbm>>)
        tpu.yield
      }) : () -> ()
    } else {
    }
    %eq3A_154 = arith.constant 15 : i32
    %eq3A_155 = arith.cmpi eq, %arg1, %eq3A_154 : i32
    %convert_element_type3A_156 = arith.extui %eq3A_155 : i1 to i32
    %cond3A_157 = arith.constant 0 : i32
    %cond3A_158 = arith.cmpi ne, %convert_element_type3A_156, %cond3A_157 : i32
    scf.if %cond3A_158 {
      "tpu.region"() ({
        %run_scoped3A_159 = tpu.sem_alloc : memref<!tpu.dma_semaphore, #tpu.memory_space<semaphore_mem>>
        %dma_start3A_160 = arith.constant 0 : i32
        %dma_start3A_161 = arith.constant 0 : i32
        %dma_start3A_162 = tpu.memref_slice %arg6[%arg0, %dma_start3A_160, %dma_start3A_161] : memref<2x10000x128xf32, #tpu.memory_space<hbm>> -> memref<1x10000x128xf32, #tpu.memory_space<hbm>>
        %dma_start3A_163 = tpu.memref_squeeze %dma_start3A_162 : memref<1x10000x128xf32, #tpu.memory_space<hbm>> -> memref<10000x128xf32, #tpu.memory_space<hbm>>
        %dma_start3A_164 = arith.constant 9600 : i32
        %dma_start3A_165 = arith.constant 0 : i32
        %dma_start3A_166 = tpu.memref_slice %dma_start3A_163[%dma_start3A_164, %dma_start3A_165] : memref<10000x128xf32, #tpu.memory_space<hbm>> -> memref<400x128xf32, #tpu.memory_space<hbm>>
        %dma_start3A_167 = arith.constant 9600 : i32
        %dma_start3A_168 = arith.constant 0 : i32
        %dma_start3A_169 = tpu.memref_slice %arg10[%dma_start3A_167, %dma_start3A_168] : memref<10000x128xf32, #tpu.memory_space<vmem_shared>> -> memref<400x128xf32, #tpu.memory_space<vmem_shared>>
        tpu.enqueue_dma source(%dma_start3A_169 : memref<400x128xf32, #tpu.memory_space<vmem_shared>>) target(%dma_start3A_166 : memref<400x128xf32, #tpu.memory_space<hbm>>) target_semaphore(%run_scoped3A_159 : memref<!tpu.dma_semaphore, #tpu.memory_space<semaphore_mem>>)
        %dma_wait3A_170 = arith.constant 0 : i32
        %dma_wait3A_171 = arith.constant 0 : i32
        %dma_wait3A_172 = tpu.memref_slice %arg6[%arg0, %dma_wait3A_170, %dma_wait3A_171] : memref<2x10000x128xf32, #tpu.memory_space<hbm>> -> memref<1x10000x128xf32, #tpu.memory_space<hbm>>
        %dma_wait3A_173 = tpu.memref_squeeze %dma_wait3A_172 : memref<1x10000x128xf32, #tpu.memory_space<hbm>> -> memref<10000x128xf32, #tpu.memory_space<hbm>>
        %dma_wait3A_174 = arith.constant 9600 : i32
        %dma_wait3A_175 = arith.constant 0 : i32
        %dma_wait3A_176 = tpu.memref_slice %dma_wait3A_173[%dma_wait3A_174, %dma_wait3A_175] : memref<10000x128xf32, #tpu.memory_space<hbm>> -> memref<400x128xf32, #tpu.memory_space<hbm>>
        %dma_wait3A_177 = arith.constant 9600 : i32
        %dma_wait3A_178 = arith.constant 0 : i32
        %dma_wait3A_179 = tpu.memref_slice %arg10[%dma_wait3A_177, %dma_wait3A_178] : memref<10000x128xf32, #tpu.memory_space<vmem_shared>> -> memref<400x128xf32, #tpu.memory_space<vmem_shared>>
        tpu.wait_dma2 semaphore(%run_scoped3A_159 : memref<!tpu.dma_semaphore, #tpu.memory_space<semaphore_mem>>) src(%dma_wait3A_179 : memref<400x128xf32, #tpu.memory_space<vmem_shared>>) dst(%dma_wait3A_176 : memref<400x128xf32, #tpu.memory_space<hbm>>)
        tpu.yield
      }) : () -> ()
    } else {
    }
    return
  }
}

#map = affine_map<(d0, d1) -> (0, 0, 0)>
#map1 = affine_map<(d0, d1) -> (0)>
module attributes {stable_mosaic.version = 14 : i64} {
  func.func @deg_kernel(%arg0: i32, %arg1: i32, %arg2: memref<32x125x80xi32, #tpu.memory_space<hbm>>, %arg3: memref<10000xf32, #tpu.memory_space<hbm>>, %arg4: memref<2x1x10000xf32, #tpu.memory_space<hbm>>, %arg5: memref<125x80xi32, #tpu.memory_space<vmem>>, %arg6: memref<80xf32, #tpu.memory_space<vmem>>, %arg7: memref<10000xf32, #tpu.memory_space<vmem_shared>>, %arg8: memref<!tpu.dma_semaphore, #tpu.memory_space<semaphore_mem>>) attributes {dimension_semantics = [#tpu.dimension_semantics<core_parallel>, #tpu.dimension_semantics<subcore_parallel>], iteration_bounds = array<i64: 2, 16>, scalar_prefetch = 0 : i64, scratch_operands = 4 : i64, tpu.core_type = #tpu.core_type<sc_vector_subcore>, window_params = [{transform_indices = #map}, {transform_indices = #map1}, {transform_indices = #map}]} {
    %mul3A = arith.constant 2 : i32
    %mul3A_0 = arith.muli %arg1, %mul3A : i32
    %add3A = arith.addi %mul3A_0, %arg0 : i32
    %broadcast_in_dim3A = arith.constant 1.000000e+00 : f32
    %broadcast_in_dim3A_1 = vector.broadcast %broadcast_in_dim3A : f32 to vector<16xf32>
    %swap3A = arith.constant 0 : index
    %swap3A_2 = tpu.vector_load %arg6[%swap3A] {strides = array<i32>} : memref<80xf32, #tpu.memory_space<vmem>>, vector<16xf32>,
    %swap3A_3 = vector.shape_cast %swap3A_2 : vector<16xf32> to vector<16xf32>
    %swap3A_4 = vector.shape_cast %broadcast_in_dim3A_1 : vector<16xf32> to vector<16xf32>
    tpu.vector_store %arg6[%swap3A], %swap3A_4 {strides = array<i32>} : memref<80xf32, #tpu.memory_space<vmem>>, vector<16xf32>,
    %broadcast_in_dim3A_5 = arith.constant 1.000000e+00 : f32
    %broadcast_in_dim3A_6 = vector.broadcast %broadcast_in_dim3A_5 : f32 to vector<16xf32>
    %swap3A_7 = arith.constant 16 : index
    %swap3A_8 = tpu.vector_load %arg6[%swap3A_7] {strides = array<i32>} : memref<80xf32, #tpu.memory_space<vmem>>, vector<16xf32>,
    %swap3A_9 = vector.shape_cast %swap3A_8 : vector<16xf32> to vector<16xf32>
    %swap3A_10 = vector.shape_cast %broadcast_in_dim3A_6 : vector<16xf32> to vector<16xf32>
    tpu.vector_store %arg6[%swap3A_7], %swap3A_10 {strides = array<i32>} : memref<80xf32, #tpu.memory_space<vmem>>, vector<16xf32>,
    %broadcast_in_dim3A_11 = arith.constant 1.000000e+00 : f32
    %broadcast_in_dim3A_12 = vector.broadcast %broadcast_in_dim3A_11 : f32 to vector<16xf32>
    %swap3A_13 = arith.constant 32 : index
    %swap3A_14 = tpu.vector_load %arg6[%swap3A_13] {strides = array<i32>} : memref<80xf32, #tpu.memory_space<vmem>>, vector<16xf32>,
    %swap3A_15 = vector.shape_cast %swap3A_14 : vector<16xf32> to vector<16xf32>
    %swap3A_16 = vector.shape_cast %broadcast_in_dim3A_12 : vector<16xf32> to vector<16xf32>
    tpu.vector_store %arg6[%swap3A_13], %swap3A_16 {strides = array<i32>} : memref<80xf32, #tpu.memory_space<vmem>>, vector<16xf32>,
    %broadcast_in_dim3A_17 = arith.constant 1.000000e+00 : f32
    %broadcast_in_dim3A_18 = vector.broadcast %broadcast_in_dim3A_17 : f32 to vector<16xf32>
    %swap3A_19 = arith.constant 48 : index
    %swap3A_20 = tpu.vector_load %arg6[%swap3A_19] {strides = array<i32>} : memref<80xf32, #tpu.memory_space<vmem>>, vector<16xf32>,
    %swap3A_21 = vector.shape_cast %swap3A_20 : vector<16xf32> to vector<16xf32>
    %swap3A_22 = vector.shape_cast %broadcast_in_dim3A_18 : vector<16xf32> to vector<16xf32>
    tpu.vector_store %arg6[%swap3A_19], %swap3A_22 {strides = array<i32>} : memref<80xf32, #tpu.memory_space<vmem>>, vector<16xf32>,
    %broadcast_in_dim3A_23 = arith.constant 1.000000e+00 : f32
    %broadcast_in_dim3A_24 = vector.broadcast %broadcast_in_dim3A_23 : f32 to vector<16xf32>
    %swap3A_25 = arith.constant 64 : index
    %swap3A_26 = tpu.vector_load %arg6[%swap3A_25] {strides = array<i32>} : memref<80xf32, #tpu.memory_space<vmem>>, vector<16xf32>,
    %swap3A_27 = vector.shape_cast %swap3A_26 : vector<16xf32> to vector<16xf32>
    %swap3A_28 = vector.shape_cast %broadcast_in_dim3A_24 : vector<16xf32> to vector<16xf32>
    tpu.vector_store %arg6[%swap3A_25], %swap3A_28 {strides = array<i32>} : memref<80xf32, #tpu.memory_space<vmem>>, vector<16xf32>,
    %eq3A = arith.constant 0 : i32
    %eq3A_29 = arith.cmpi eq, %arg1, %eq3A : i32
    %convert_element_type3A = arith.extui %eq3A_29 : i1 to i32
    %cond3A = arith.constant 0 : i32
    %cond3A_30 = arith.cmpi ne, %convert_element_type3A, %cond3A : i32
    scf.if %cond3A_30 {
      "tpu.region"() ({
        %run_scoped3A = tpu.sem_alloc : memref<!tpu.dma_semaphore, #tpu.memory_space<semaphore_mem>>
        tpu.enqueue_dma source(%arg3 : memref<10000xf32, #tpu.memory_space<hbm>>) target(%arg7 : memref<10000xf32, #tpu.memory_space<vmem_shared>>) target_semaphore(%run_scoped3A : memref<!tpu.dma_semaphore, #tpu.memory_space<semaphore_mem>>)
        tpu.wait_dma2 semaphore(%run_scoped3A : memref<!tpu.dma_semaphore, #tpu.memory_space<semaphore_mem>>) src(%arg3 : memref<10000xf32, #tpu.memory_space<hbm>>) dst(%arg7 : memref<10000xf32, #tpu.memory_space<vmem_shared>>)
        tpu.yield
      }) : () -> ()
    } else {
    }
    "tpu.region"() ({
      %run_scoped3A = tpu.sem_alloc : memref<!tpu.dma_semaphore, #tpu.memory_space<semaphore_mem>>
      %dma_start3A = arith.constant 0 : i32
      %dma_start3A_89 = arith.constant 0 : i32
      %dma_start3A_90 = tpu.memref_slice %arg2[%add3A, %dma_start3A, %dma_start3A_89] : memref<32x125x80xi32, #tpu.memory_space<hbm>> -> memref<1x125x80xi32, #tpu.memory_space<hbm>>
      %dma_start3A_91 = tpu.memref_squeeze %dma_start3A_90 : memref<1x125x80xi32, #tpu.memory_space<hbm>> -> memref<125x80xi32, #tpu.memory_space<hbm>>
      %dma_start3A_92 = arith.constant 0 : i32
      %dma_start3A_93 = arith.constant 0 : i32
      %dma_start3A_94 = tpu.memref_slice %arg2[%add3A, %dma_start3A_92, %dma_start3A_93] : memref<32x125x80xi32, #tpu.memory_space<hbm>> -> memref<1x125x80xi32, #tpu.memory_space<hbm>>
      %dma_start3A_95 = tpu.memref_squeeze %dma_start3A_94 : memref<1x125x80xi32, #tpu.memory_space<hbm>> -> memref<125x80xi32, #tpu.memory_space<hbm>>
      tpu.enqueue_dma source(%dma_start3A_95 : memref<125x80xi32, #tpu.memory_space<hbm>>) target(%arg5 : memref<125x80xi32, #tpu.memory_space<vmem>>) target_semaphore(%run_scoped3A : memref<!tpu.dma_semaphore, #tpu.memory_space<semaphore_mem>>)
      %dma_wait3A_96 = arith.constant 0 : i32
      %dma_wait3A_97 = arith.constant 0 : i32
      %dma_wait3A_98 = tpu.memref_slice %arg2[%add3A, %dma_wait3A_96, %dma_wait3A_97] : memref<32x125x80xi32, #tpu.memory_space<hbm>> -> memref<1x125x80xi32, #tpu.memory_space<hbm>>
      %dma_wait3A_99 = tpu.memref_squeeze %dma_wait3A_98 : memref<1x125x80xi32, #tpu.memory_space<hbm>> -> memref<125x80xi32, #tpu.memory_space<hbm>>
      %dma_wait3A_100 = arith.constant 0 : i32
      %dma_wait3A_101 = arith.constant 0 : i32
      %dma_wait3A_102 = tpu.memref_slice %arg2[%add3A, %dma_wait3A_100, %dma_wait3A_101] : memref<32x125x80xi32, #tpu.memory_space<hbm>> -> memref<1x125x80xi32, #tpu.memory_space<hbm>>
      %dma_wait3A_103 = tpu.memref_squeeze %dma_wait3A_102 : memref<1x125x80xi32, #tpu.memory_space<hbm>> -> memref<125x80xi32, #tpu.memory_space<hbm>>
      tpu.wait_dma2 semaphore(%run_scoped3A : memref<!tpu.dma_semaphore, #tpu.memory_space<semaphore_mem>>) src(%dma_wait3A_103 : memref<125x80xi32, #tpu.memory_space<hbm>>) dst(%arg5 : memref<125x80xi32, #tpu.memory_space<vmem>>)
      tpu.yield
    }) : () -> ()
    %barrier3A = arith.constant 0 : index
    tpu.barrier barrier_id(%barrier3A)
    %scan3A = arith.constant 0 : i32
    %scan3A_31 = arith.constant 0 : i32
    %scan3A_32 = arith.constant 125 : i32
    %scan3A_33 = arith.addi %scan3A_31, %scan3A_32 : i32
    %scan3A_34 = arith.constant 1 : i32
    scf.for %scan3A_89 = %scan3A_31 to %scan3A_33 step %scan3A_34  : i32 {
      %ge3A = arith.constant 8 : i32
      %ge3A_90 = arith.cmpi sge, %scan3A_89, %ge3A : i32
      %convert_element_type3A_91 = arith.extui %ge3A_90 : i1 to i32
      %cond3A_92 = arith.constant 0 : i32
      %cond3A_93 = arith.cmpi ne, %convert_element_type3A_91, %cond3A_92 : i32
      scf.if %cond3A_93 {
        %dma_wait3A_98 = arith.constant 0 : i32
        %dma_wait3A_99 = arith.constant 0 : i32
        %dma_wait3A_100 = tpu.memref_slice %arg5[%dma_wait3A_98, %dma_wait3A_99] : memref<125x80xi32, #tpu.memory_space<vmem>> -> memref<1x80xi32, #tpu.memory_space<vmem>>
        %dma_wait3A_101 = tpu.memref_squeeze %dma_wait3A_100 : memref<1x80xi32, #tpu.memory_space<vmem>> -> memref<80xi32, #tpu.memory_space<vmem>>
        %dma_wait3A_102 = arith.constant 0 : i32
        %dma_wait3A_103 = tpu.memref_slice %arg7[%dma_wait3A_102] : memref<10000xf32, #tpu.memory_space<vmem_shared>> -> memref<10000xf32, #tpu.memory_space<vmem_shared>>
        tpu.wait_indirect_dma semaphore(%arg8 : memref<!tpu.dma_semaphore, #tpu.memory_space<semaphore_mem>>) src(%arg6 : memref<80xf32, #tpu.memory_space<vmem>>) dst(%dma_wait3A_103 : memref<10000xf32, #tpu.memory_space<vmem_shared>>)
      } else {
      }
      %dma_start3A = arith.constant 0 : i32
      %dma_start3A_94 = tpu.memref_slice %arg5[%scan3A_89, %dma_start3A] : memref<125x80xi32, #tpu.memory_space<vmem>> -> memref<1x80xi32, #tpu.memory_space<vmem>>
      %dma_start3A_95 = tpu.memref_squeeze %dma_start3A_94 : memref<1x80xi32, #tpu.memory_space<vmem>> -> memref<80xi32, #tpu.memory_space<vmem>>
      %dma_start3A_96 = arith.constant 0 : i32
      %dma_start3A_97 = tpu.memref_slice %arg7[%dma_start3A_96] : memref<10000xf32, #tpu.memory_space<vmem_shared>> -> memref<10000xf32, #tpu.memory_space<vmem_shared>>
      tpu.enqueue_indirect_dma source(%arg6 : memref<80xf32, #tpu.memory_space<vmem>>) target(%dma_start3A_97 : memref<10000xf32, #tpu.memory_space<vmem_shared>>) offsets(%dma_start3A_95 : memref<80xi32, #tpu.memory_space<vmem>>) semaphore(%arg8 : memref<!tpu.dma_semaphore, #tpu.memory_space<semaphore_mem>>) {add = true}
    }
    %scan3A_35 = arith.constant 125 : i32
    %dma_wait3A = arith.constant 0 : i32
    %dma_wait3A_36 = arith.constant 0 : i32
    %dma_wait3A_37 = tpu.memref_slice %arg5[%dma_wait3A, %dma_wait3A_36] : memref<125x80xi32, #tpu.memory_space<vmem>> -> memref<1x80xi32, #tpu.memory_space<vmem>>
    %dma_wait3A_38 = tpu.memref_squeeze %dma_wait3A_37 : memref<1x80xi32, #tpu.memory_space<vmem>> -> memref<80xi32, #tpu.memory_space<vmem>>
    %dma_wait3A_39 = arith.constant 0 : i32
    %dma_wait3A_40 = tpu.memref_slice %arg7[%dma_wait3A_39] : memref<10000xf32, #tpu.memory_space<vmem_shared>> -> memref<10000xf32, #tpu.memory_space<vmem_shared>>
    tpu.wait_indirect_dma semaphore(%arg8 : memref<!tpu.dma_semaphore, #tpu.memory_space<semaphore_mem>>) src(%arg6 : memref<80xf32, #tpu.memory_space<vmem>>) dst(%dma_wait3A_40 : memref<10000xf32, #tpu.memory_space<vmem_shared>>)
    %dma_wait3A_41 = arith.constant 0 : i32
    %dma_wait3A_42 = arith.constant 0 : i32
    %dma_wait3A_43 = tpu.memref_slice %arg5[%dma_wait3A_41, %dma_wait3A_42] : memref<125x80xi32, #tpu.memory_space<vmem>> -> memref<1x80xi32, #tpu.memory_space<vmem>>
    %dma_wait3A_44 = tpu.memref_squeeze %dma_wait3A_43 : memref<1x80xi32, #tpu.memory_space<vmem>> -> memref<80xi32, #tpu.memory_space<vmem>>
    %dma_wait3A_45 = arith.constant 0 : i32
    %dma_wait3A_46 = tpu.memref_slice %arg7[%dma_wait3A_45] : memref<10000xf32, #tpu.memory_space<vmem_shared>> -> memref<10000xf32, #tpu.memory_space<vmem_shared>>
    tpu.wait_indirect_dma semaphore(%arg8 : memref<!tpu.dma_semaphore, #tpu.memory_space<semaphore_mem>>) src(%arg6 : memref<80xf32, #tpu.memory_space<vmem>>) dst(%dma_wait3A_46 : memref<10000xf32, #tpu.memory_space<vmem_shared>>)
    %dma_wait3A_47 = arith.constant 0 : i32
    %dma_wait3A_48 = arith.constant 0 : i32
    %dma_wait3A_49 = tpu.memref_slice %arg5[%dma_wait3A_47, %dma_wait3A_48] : memref<125x80xi32, #tpu.memory_space<vmem>> -> memref<1x80xi32, #tpu.memory_space<vmem>>
    %dma_wait3A_50 = tpu.memref_squeeze %dma_wait3A_49 : memref<1x80xi32, #tpu.memory_space<vmem>> -> memref<80xi32, #tpu.memory_space<vmem>>
    %dma_wait3A_51 = arith.constant 0 : i32
    %dma_wait3A_52 = tpu.memref_slice %arg7[%dma_wait3A_51] : memref<10000xf32, #tpu.memory_space<vmem_shared>> -> memref<10000xf32, #tpu.memory_space<vmem_shared>>
    tpu.wait_indirect_dma semaphore(%arg8 : memref<!tpu.dma_semaphore, #tpu.memory_space<semaphore_mem>>) src(%arg6 : memref<80xf32, #tpu.memory_space<vmem>>) dst(%dma_wait3A_52 : memref<10000xf32, #tpu.memory_space<vmem_shared>>)
    %dma_wait3A_53 = arith.constant 0 : i32
    %dma_wait3A_54 = arith.constant 0 : i32
    %dma_wait3A_55 = tpu.memref_slice %arg5[%dma_wait3A_53, %dma_wait3A_54] : memref<125x80xi32, #tpu.memory_space<vmem>> -> memref<1x80xi32, #tpu.memory_space<vmem>>
    %dma_wait3A_56 = tpu.memref_squeeze %dma_wait3A_55 : memref<1x80xi32, #tpu.memory_space<vmem>> -> memref<80xi32, #tpu.memory_space<vmem>>
    %dma_wait3A_57 = arith.constant 0 : i32
    %dma_wait3A_58 = tpu.memref_slice %arg7[%dma_wait3A_57] : memref<10000xf32, #tpu.memory_space<vmem_shared>> -> memref<10000xf32, #tpu.memory_space<vmem_shared>>
    tpu.wait_indirect_dma semaphore(%arg8 : memref<!tpu.dma_semaphore, #tpu.memory_space<semaphore_mem>>) src(%arg6 : memref<80xf32, #tpu.memory_space<vmem>>) dst(%dma_wait3A_58 : memref<10000xf32, #tpu.memory_space<vmem_shared>>)
    %dma_wait3A_59 = arith.constant 0 : i32
    %dma_wait3A_60 = arith.constant 0 : i32
    %dma_wait3A_61 = tpu.memref_slice %arg5[%dma_wait3A_59, %dma_wait3A_60] : memref<125x80xi32, #tpu.memory_space<vmem>> -> memref<1x80xi32, #tpu.memory_space<vmem>>
    %dma_wait3A_62 = tpu.memref_squeeze %dma_wait3A_61 : memref<1x80xi32, #tpu.memory_space<vmem>> -> memref<80xi32, #tpu.memory_space<vmem>>
    %dma_wait3A_63 = arith.constant 0 : i32
    %dma_wait3A_64 = tpu.memref_slice %arg7[%dma_wait3A_63] : memref<10000xf32, #tpu.memory_space<vmem_shared>> -> memref<10000xf32, #tpu.memory_space<vmem_shared>>
    tpu.wait_indirect_dma semaphore(%arg8 : memref<!tpu.dma_semaphore, #tpu.memory_space<semaphore_mem>>) src(%arg6 : memref<80xf32, #tpu.memory_space<vmem>>) dst(%dma_wait3A_64 : memref<10000xf32, #tpu.memory_space<vmem_shared>>)
    %dma_wait3A_65 = arith.constant 0 : i32
    %dma_wait3A_66 = arith.constant 0 : i32
    %dma_wait3A_67 = tpu.memref_slice %arg5[%dma_wait3A_65, %dma_wait3A_66] : memref<125x80xi32, #tpu.memory_space<vmem>> -> memref<1x80xi32, #tpu.memory_space<vmem>>
    %dma_wait3A_68 = tpu.memref_squeeze %dma_wait3A_67 : memref<1x80xi32, #tpu.memory_space<vmem>> -> memref<80xi32, #tpu.memory_space<vmem>>
    %dma_wait3A_69 = arith.constant 0 : i32
    %dma_wait3A_70 = tpu.memref_slice %arg7[%dma_wait3A_69] : memref<10000xf32, #tpu.memory_space<vmem_shared>> -> memref<10000xf32, #tpu.memory_space<vmem_shared>>
    tpu.wait_indirect_dma semaphore(%arg8 : memref<!tpu.dma_semaphore, #tpu.memory_space<semaphore_mem>>) src(%arg6 : memref<80xf32, #tpu.memory_space<vmem>>) dst(%dma_wait3A_70 : memref<10000xf32, #tpu.memory_space<vmem_shared>>)
    %dma_wait3A_71 = arith.constant 0 : i32
    %dma_wait3A_72 = arith.constant 0 : i32
    %dma_wait3A_73 = tpu.memref_slice %arg5[%dma_wait3A_71, %dma_wait3A_72] : memref<125x80xi32, #tpu.memory_space<vmem>> -> memref<1x80xi32, #tpu.memory_space<vmem>>
    %dma_wait3A_74 = tpu.memref_squeeze %dma_wait3A_73 : memref<1x80xi32, #tpu.memory_space<vmem>> -> memref<80xi32, #tpu.memory_space<vmem>>
    %dma_wait3A_75 = arith.constant 0 : i32
    %dma_wait3A_76 = tpu.memref_slice %arg7[%dma_wait3A_75] : memref<10000xf32, #tpu.memory_space<vmem_shared>> -> memref<10000xf32, #tpu.memory_space<vmem_shared>>
    tpu.wait_indirect_dma semaphore(%arg8 : memref<!tpu.dma_semaphore, #tpu.memory_space<semaphore_mem>>) src(%arg6 : memref<80xf32, #tpu.memory_space<vmem>>) dst(%dma_wait3A_76 : memref<10000xf32, #tpu.memory_space<vmem_shared>>)
    %dma_wait3A_77 = arith.constant 0 : i32
    %dma_wait3A_78 = arith.constant 0 : i32
    %dma_wait3A_79 = tpu.memref_slice %arg5[%dma_wait3A_77, %dma_wait3A_78] : memref<125x80xi32, #tpu.memory_space<vmem>> -> memref<1x80xi32, #tpu.memory_space<vmem>>
    %dma_wait3A_80 = tpu.memref_squeeze %dma_wait3A_79 : memref<1x80xi32, #tpu.memory_space<vmem>> -> memref<80xi32, #tpu.memory_space<vmem>>
    %dma_wait3A_81 = arith.constant 0 : i32
    %dma_wait3A_82 = tpu.memref_slice %arg7[%dma_wait3A_81] : memref<10000xf32, #tpu.memory_space<vmem_shared>> -> memref<10000xf32, #tpu.memory_space<vmem_shared>>
    tpu.wait_indirect_dma semaphore(%arg8 : memref<!tpu.dma_semaphore, #tpu.memory_space<semaphore_mem>>) src(%arg6 : memref<80xf32, #tpu.memory_space<vmem>>) dst(%dma_wait3A_82 : memref<10000xf32, #tpu.memory_space<vmem_shared>>)
    %barrier3A_83 = arith.constant 0 : index
    tpu.barrier barrier_id(%barrier3A_83)
    %eq3A_84 = arith.constant 0 : i32
    %eq3A_85 = arith.cmpi eq, %arg1, %eq3A_84 : i32
    %convert_element_type3A_86 = arith.extui %eq3A_85 : i1 to i32
    %cond3A_87 = arith.constant 0 : i32
    %cond3A_88 = arith.cmpi ne, %convert_element_type3A_86, %cond3A_87 : i32
    scf.if %cond3A_88 {
      %run_scoped3A = arith.constant 0 : i32
      "tpu.region"() ({
        %run_scoped3A_89 = tpu.sem_alloc : memref<!tpu.dma_semaphore, #tpu.memory_space<semaphore_mem>>
        %dma_start3A = arith.constant 0 : i32
        %dma_start3A_90 = tpu.memref_slice %arg4[%arg0, %run_scoped3A, %dma_start3A] : memref<2x1x10000xf32, #tpu.memory_space<hbm>> -> memref<1x1x10000xf32, #tpu.memory_space<hbm>>
        %dma_start3A_91 = tpu.memref_squeeze %dma_start3A_90 : memref<1x1x10000xf32, #tpu.memory_space<hbm>> -> memref<10000xf32, #tpu.memory_space<hbm>>
        tpu.enqueue_dma source(%arg7 : memref<10000xf32, #tpu.memory_space<vmem_shared>>) target(%dma_start3A_91 : memref<10000xf32, #tpu.memory_space<hbm>>) target_semaphore(%run_scoped3A_89 : memref<!tpu.dma_semaphore, #tpu.memory_space<semaphore_mem>>)
        %dma_wait3A_92 = arith.constant 0 : i32
        %dma_wait3A_93 = tpu.memref_slice %arg4[%arg0, %run_scoped3A, %dma_wait3A_92] : memref<2x1x10000xf32, #tpu.memory_space<hbm>> -> memref<1x1x10000xf32, #tpu.memory_space<hbm>>
        %dma_wait3A_94 = tpu.memref_squeeze %dma_wait3A_93 : memref<1x1x10000xf32, #tpu.memory_space<hbm>> -> memref<10000xf32, #tpu.memory_space<hbm>>
        tpu.wait_dma2 semaphore(%run_scoped3A_89 : memref<!tpu.dma_semaphore, #tpu.memory_space<semaphore_mem>>) src(%arg7 : memref<10000xf32, #tpu.memory_space<vmem_shared>>) dst(%dma_wait3A_94 : memref<10000xf32, #tpu.memory_space<hbm>>)
        tpu.yield
      }) : () -> ()
    } else {
    }
    return
  }
}

#map = affine_map<(d0, d1) -> (0, 0)>
#map1 = affine_map<(d0, d1) -> (0, 0, 0, 0)>
#map2 = affine_map<(d0, d1) -> (0, 0, 0)>
module attributes {stable_mosaic.version = 14 : i64} {
  func.func @edge_kernel(%arg0: i32, %arg1: i32, %arg2: memref<10000x128xf32, #tpu.memory_space<hbm>>, %arg3: memref<32x25x5x80xi32, #tpu.memory_space<hbm>>, %arg4: memref<32x25x5x80xi32, #tpu.memory_space<hbm>>, %arg5: memref<10000x128xf32, #tpu.memory_space<hbm>>, %arg6: memref<2x10000x128xf32, #tpu.memory_space<hbm>>, %arg7: memref<2x5x80xi32, #tpu.memory_space<vmem>>, %arg8: memref<2x5x80xi32, #tpu.memory_space<vmem>>, %arg9: memref<4x80x128xf32, #tpu.memory_space<vmem>>, %arg10: memref<10000x128xf32, #tpu.memory_space<vmem_shared>>, %arg11: memref<4x!tpu.dma_semaphore, #tpu.memory_space<semaphore_mem>>, %arg12: memref<4x!tpu.dma_semaphore, #tpu.memory_space<semaphore_mem>>, %arg13: memref<!tpu.dma_semaphore, #tpu.memory_space<semaphore_mem>>) attributes {dimension_semantics = [#tpu.dimension_semantics<core_parallel>, #tpu.dimension_semantics<subcore_parallel>], iteration_bounds = array<i64: 2, 16>, scalar_prefetch = 0 : i64, scratch_operands = 7 : i64, tpu.core_type = #tpu.core_type<sc_vector_subcore>, window_params = [{transform_indices = #map}, {transform_indices = #map1}, {transform_indices = #map1}, {transform_indices = #map}, {transform_indices = #map2}]} {
    %mul3A = arith.constant 2 : i32
    %mul3A_0 = arith.muli %arg1, %mul3A : i32
    %add3A = arith.addi %mul3A_0, %arg0 : i32
    %run_scoped3A = arith.constant 0 : i32
    %run_scoped3A_1 = arith.constant 0 : i32
    "tpu.region"() ({
      %run_scoped3A_159 = tpu.sem_alloc : memref<!tpu.dma_semaphore, #tpu.memory_space<semaphore_mem>>
      %dma_start3A_160 = arith.constant 0 : i32
      %dma_start3A_161 = arith.constant 0 : i32
      %dma_start3A_162 = tpu.memref_slice %arg7[%run_scoped3A_1, %dma_start3A_160, %dma_start3A_161] : memref<2x5x80xi32, #tpu.memory_space<vmem>> -> memref<1x5x80xi32, #tpu.memory_space<vmem>>
      %dma_start3A_163 = tpu.memref_squeeze %dma_start3A_162 : memref<1x5x80xi32, #tpu.memory_space<vmem>> -> memref<5x80xi32, #tpu.memory_space<vmem>>
      %dma_start3A_164 = arith.constant 0 : i32
      %dma_start3A_165 = arith.constant 0 : i32
      %dma_start3A_166 = tpu.memref_slice %arg3[%add3A, %run_scoped3A, %dma_start3A_164, %dma_start3A_165] : memref<32x25x5x80xi32, #tpu.memory_space<hbm>> -> memref<1x1x5x80xi32, #tpu.memory_space<hbm>>
      %dma_start3A_167 = tpu.memref_squeeze %dma_start3A_166 : memref<1x1x5x80xi32, #tpu.memory_space<hbm>> -> memref<5x80xi32, #tpu.memory_space<hbm>>
      %dma_start3A_168 = arith.constant 0 : i32
      %dma_start3A_169 = arith.constant 0 : i32
      %dma_start3A_170 = tpu.memref_slice %arg7[%run_scoped3A_1, %dma_start3A_168, %dma_start3A_169] : memref<2x5x80xi32, #tpu.memory_space<vmem>> -> memref<1x5x80xi32, #tpu.memory_space<vmem>>
      %dma_start3A_171 = tpu.memref_squeeze %dma_start3A_170 : memref<1x5x80xi32, #tpu.memory_space<vmem>> -> memref<5x80xi32, #tpu.memory_space<vmem>>
      %dma_start3A_172 = arith.constant 0 : i32
      %dma_start3A_173 = arith.constant 0 : i32
      %dma_start3A_174 = tpu.memref_slice %arg3[%add3A, %run_scoped3A, %dma_start3A_172, %dma_start3A_173] : memref<32x25x5x80xi32, #tpu.memory_space<hbm>> -> memref<1x1x5x80xi32, #tpu.memory_space<hbm>>
      %dma_start3A_175 = tpu.memref_squeeze %dma_start3A_174 : memref<1x1x5x80xi32, #tpu.memory_space<hbm>> -> memref<5x80xi32, #tpu.memory_space<hbm>>
      tpu.enqueue_dma source(%dma_start3A_175 : memref<5x80xi32, #tpu.memory_space<hbm>>) target(%dma_start3A_171 : memref<5x80xi32, #tpu.memory_space<vmem>>) target_semaphore(%run_scoped3A_159 : memref<!tpu.dma_semaphore, #tpu.memory_space<semaphore_mem>>)
      %dma_wait3A_176 = arith.constant 0 : i32
      %dma_wait3A_177 = arith.constant 0 : i32
      %dma_wait3A_178 = tpu.memref_slice %arg7[%run_scoped3A_1, %dma_wait3A_176, %dma_wait3A_177] : memref<2x5x80xi32, #tpu.memory_space<vmem>> -> memref<1x5x80xi32, #tpu.memory_space<vmem>>
      %dma_wait3A_179 = tpu.memref_squeeze %dma_wait3A_178 : memref<1x5x80xi32, #tpu.memory_space<vmem>> -> memref<5x80xi32, #tpu.memory_space<vmem>>
      %dma_wait3A_180 = arith.constant 0 : i32
      %dma_wait3A_181 = arith.constant 0 : i32
      %dma_wait3A_182 = tpu.memref_slice %arg3[%add3A, %run_scoped3A, %dma_wait3A_180, %dma_wait3A_181] : memref<32x25x5x80xi32, #tpu.memory_space<hbm>> -> memref<1x1x5x80xi32, #tpu.memory_space<hbm>>
      %dma_wait3A_183 = tpu.memref_squeeze %dma_wait3A_182 : memref<1x1x5x80xi32, #tpu.memory_space<hbm>> -> memref<5x80xi32, #tpu.memory_space<hbm>>
      %dma_wait3A_184 = arith.constant 0 : i32
      %dma_wait3A_185 = arith.constant 0 : i32
      %dma_wait3A_186 = tpu.memref_slice %arg7[%run_scoped3A_1, %dma_wait3A_184, %dma_wait3A_185] : memref<2x5x80xi32, #tpu.memory_space<vmem>> -> memref<1x5x80xi32, #tpu.memory_space<vmem>>
      %dma_wait3A_187 = tpu.memref_squeeze %dma_wait3A_186 : memref<1x5x80xi32, #tpu.memory_space<vmem>> -> memref<5x80xi32, #tpu.memory_space<vmem>>
      %dma_wait3A_188 = arith.constant 0 : i32
      %dma_wait3A_189 = arith.constant 0 : i32
      %dma_wait3A_190 = tpu.memref_slice %arg3[%add3A, %run_scoped3A, %dma_wait3A_188, %dma_wait3A_189] : memref<32x25x5x80xi32, #tpu.memory_space<hbm>> -> memref<1x1x5x80xi32, #tpu.memory_space<hbm>>
      %dma_wait3A_191 = tpu.memref_squeeze %dma_wait3A_190 : memref<1x1x5x80xi32, #tpu.memory_space<hbm>> -> memref<5x80xi32, #tpu.memory_space<hbm>>
      tpu.wait_dma2 semaphore(%run_scoped3A_159 : memref<!tpu.dma_semaphore, #tpu.memory_space<semaphore_mem>>) src(%dma_wait3A_191 : memref<5x80xi32, #tpu.memory_space<hbm>>) dst(%dma_wait3A_187 : memref<5x80xi32, #tpu.memory_space<vmem>>)
      tpu.yield
    }) : () -> ()
    %run_scoped3A_2 = arith.constant 0 : i32
    %run_scoped3A_3 = arith.constant 0 : i32
    "tpu.region"() ({
      %run_scoped3A_159 = tpu.sem_alloc : memref<!tpu.dma_semaphore, #tpu.memory_space<semaphore_mem>>
      %dma_start3A_160 = arith.constant 0 : i32
      %dma_start3A_161 = arith.constant 0 : i32
      %dma_start3A_162 = tpu.memref_slice %arg8[%run_scoped3A_3, %dma_start3A_160, %dma_start3A_161] : memref<2x5x80xi32, #tpu.memory_space<vmem>> -> memref<1x5x80xi32, #tpu.memory_space<vmem>>
      %dma_start3A_163 = tpu.memref_squeeze %dma_start3A_162 : memref<1x5x80xi32, #tpu.memory_space<vmem>> -> memref<5x80xi32, #tpu.memory_space<vmem>>
      %dma_start3A_164 = arith.constant 0 : i32
      %dma_start3A_165 = arith.constant 0 : i32
      %dma_start3A_166 = tpu.memref_slice %arg4[%add3A, %run_scoped3A_2, %dma_start3A_164, %dma_start3A_165] : memref<32x25x5x80xi32, #tpu.memory_space<hbm>> -> memref<1x1x5x80xi32, #tpu.memory_space<hbm>>
      %dma_start3A_167 = tpu.memref_squeeze %dma_start3A_166 : memref<1x1x5x80xi32, #tpu.memory_space<hbm>> -> memref<5x80xi32, #tpu.memory_space<hbm>>
      %dma_start3A_168 = arith.constant 0 : i32
      %dma_start3A_169 = arith.constant 0 : i32
      %dma_start3A_170 = tpu.memref_slice %arg8[%run_scoped3A_3, %dma_start3A_168, %dma_start3A_169] : memref<2x5x80xi32, #tpu.memory_space<vmem>> -> memref<1x5x80xi32, #tpu.memory_space<vmem>>
      %dma_start3A_171 = tpu.memref_squeeze %dma_start3A_170 : memref<1x5x80xi32, #tpu.memory_space<vmem>> -> memref<5x80xi32, #tpu.memory_space<vmem>>
      %dma_start3A_172 = arith.constant 0 : i32
      %dma_start3A_173 = arith.constant 0 : i32
      %dma_start3A_174 = tpu.memref_slice %arg4[%add3A, %run_scoped3A_2, %dma_start3A_172, %dma_start3A_173] : memref<32x25x5x80xi32, #tpu.memory_space<hbm>> -> memref<1x1x5x80xi32, #tpu.memory_space<hbm>>
      %dma_start3A_175 = tpu.memref_squeeze %dma_start3A_174 : memref<1x1x5x80xi32, #tpu.memory_space<hbm>> -> memref<5x80xi32, #tpu.memory_space<hbm>>
      tpu.enqueue_dma source(%dma_start3A_175 : memref<5x80xi32, #tpu.memory_space<hbm>>) target(%dma_start3A_171 : memref<5x80xi32, #tpu.memory_space<vmem>>) target_semaphore(%run_scoped3A_159 : memref<!tpu.dma_semaphore, #tpu.memory_space<semaphore_mem>>)
      %dma_wait3A_176 = arith.constant 0 : i32
      %dma_wait3A_177 = arith.constant 0 : i32
      %dma_wait3A_178 = tpu.memref_slice %arg8[%run_scoped3A_3, %dma_wait3A_176, %dma_wait3A_177] : memref<2x5x80xi32, #tpu.memory_space<vmem>> -> memref<1x5x80xi32, #tpu.memory_space<vmem>>
      %dma_wait3A_179 = tpu.memref_squeeze %dma_wait3A_178 : memref<1x5x80xi32, #tpu.memory_space<vmem>> -> memref<5x80xi32, #tpu.memory_space<vmem>>
      %dma_wait3A_180 = arith.constant 0 : i32
      %dma_wait3A_181 = arith.constant 0 : i32
      %dma_wait3A_182 = tpu.memref_slice %arg4[%add3A, %run_scoped3A_2, %dma_wait3A_180, %dma_wait3A_181] : memref<32x25x5x80xi32, #tpu.memory_space<hbm>> -> memref<1x1x5x80xi32, #tpu.memory_space<hbm>>
      %dma_wait3A_183 = tpu.memref_squeeze %dma_wait3A_182 : memref<1x1x5x80xi32, #tpu.memory_space<hbm>> -> memref<5x80xi32, #tpu.memory_space<hbm>>
      %dma_wait3A_184 = arith.constant 0 : i32
      %dma_wait3A_185 = arith.constant 0 : i32
      %dma_wait3A_186 = tpu.memref_slice %arg8[%run_scoped3A_3, %dma_wait3A_184, %dma_wait3A_185] : memref<2x5x80xi32, #tpu.memory_space<vmem>> -> memref<1x5x80xi32, #tpu.memory_space<vmem>>
      %dma_wait3A_187 = tpu.memref_squeeze %dma_wait3A_186 : memref<1x5x80xi32, #tpu.memory_space<vmem>> -> memref<5x80xi32, #tpu.memory_space<vmem>>
      %dma_wait3A_188 = arith.constant 0 : i32
      %dma_wait3A_189 = arith.constant 0 : i32
      %dma_wait3A_190 = tpu.memref_slice %arg4[%add3A, %run_scoped3A_2, %dma_wait3A_188, %dma_wait3A_189] : memref<32x25x5x80xi32, #tpu.memory_space<hbm>> -> memref<1x1x5x80xi32, #tpu.memory_space<hbm>>
      %dma_wait3A_191 = tpu.memref_squeeze %dma_wait3A_190 : memref<1x1x5x80xi32, #tpu.memory_space<hbm>> -> memref<5x80xi32, #tpu.memory_space<hbm>>
      tpu.wait_dma2 semaphore(%run_scoped3A_159 : memref<!tpu.dma_semaphore, #tpu.memory_space<semaphore_mem>>) src(%dma_wait3A_191 : memref<5x80xi32, #tpu.memory_space<hbm>>) dst(%dma_wait3A_187 : memref<5x80xi32, #tpu.memory_space<vmem>>)
      tpu.yield
    }) : () -> ()
    %dma_start3A = arith.constant 0 : i32
    %dma_start3A_4 = arith.constant 0 : i32
    %dma_start3A_5 = arith.constant 0 : i32
    %dma_start3A_6 = arith.constant 0 : i32
    %dma_start3A_7 = arith.constant 0 : i32
    %dma_start3A_8 = arith.constant 0 : i32
    %dma_start3A_9 = tpu.memref_slice %arg9[%dma_start3A_5, %dma_start3A_7, %dma_start3A_8] : memref<4x80x128xf32, #tpu.memory_space<vmem>> -> memref<1x80x128xf32, #tpu.memory_space<vmem>>
    %dma_start3A_10 = tpu.memref_squeeze %dma_start3A_9 : memref<1x80x128xf32, #tpu.memory_space<vmem>> -> memref<80x128xf32, #tpu.memory_space<vmem>>
    %dma_start3A_11 = arith.constant 0 : i32
    %dma_start3A_12 = tpu.memref_slice %arg7[%dma_start3A, %dma_start3A_4, %dma_start3A_11] : memref<2x5x80xi32, #tpu.memory_space<vmem>> -> memref<1x1x80xi32, #tpu.memory_space<vmem>>
    %dma_start3A_13 = tpu.memref_squeeze %dma_start3A_12 : memref<1x1x80xi32, #tpu.memory_space<vmem>> -> memref<80xi32, #tpu.memory_space<vmem>>
    %dma_start3A_14 = arith.constant 0 : i32
    %dma_start3A_15 = arith.constant 0 : i32
    %dma_start3A_16 = tpu.memref_slice %arg2[%dma_start3A_14, %dma_start3A_15] : memref<10000x128xf32, #tpu.memory_space<hbm>> -> memref<10000x128xf32, #tpu.memory_space<hbm>>
    %dma_start3A_17 = tpu.memref_slice %arg11[%dma_start3A_6] : memref<4x!tpu.dma_semaphore, #tpu.memory_space<semaphore_mem>> -> memref<1x!tpu.dma_semaphore, #tpu.memory_space<semaphore_mem>>
    %dma_start3A_18 = tpu.memref_squeeze %dma_start3A_17 : memref<1x!tpu.dma_semaphore, #tpu.memory_space<semaphore_mem>> -> memref<!tpu.dma_semaphore, #tpu.memory_space<semaphore_mem>>
    tpu.enqueue_indirect_dma source(%dma_start3A_16 : memref<10000x128xf32, #tpu.memory_space<hbm>>) target(%dma_start3A_10 : memref<80x128xf32, #tpu.memory_space<vmem>>) offsets(%dma_start3A_13 : memref<80xi32, #tpu.memory_space<vmem>>) semaphore(%dma_start3A_18 : memref<!tpu.dma_semaphore, #tpu.memory_space<semaphore_mem>>)
    %dma_start3A_19 = arith.constant 0 : i32
    %dma_start3A_20 = arith.constant 1 : i32
    %dma_start3A_21 = arith.constant 1 : i32
    %dma_start3A_22 = arith.constant 1 : i32
    %dma_start3A_23 = arith.constant 0 : i32
    %dma_start3A_24 = arith.constant 0 : i32
    %dma_start3A_25 = tpu.memref_slice %arg9[%dma_start3A_21, %dma_start3A_23, %dma_start3A_24] : memref<4x80x128xf32, #tpu.memory_space<vmem>> -> memref<1x80x128xf32, #tpu.memory_space<vmem>>
    %dma_start3A_26 = tpu.memref_squeeze %dma_start3A_25 : memref<1x80x128xf32, #tpu.memory_space<vmem>> -> memref<80x128xf32, #tpu.memory_space<vmem>>
    %dma_start3A_27 = arith.constant 0 : i32
    %dma_start3A_28 = tpu.memref_slice %arg7[%dma_start3A_19, %dma_start3A_20, %dma_start3A_27] : memref<2x5x80xi32, #tpu.memory_space<vmem>> -> memref<1x1x80xi32, #tpu.memory_space<vmem>>
    %dma_start3A_29 = tpu.memref_squeeze %dma_start3A_28 : memref<1x1x80xi32, #tpu.memory_space<vmem>> -> memref<80xi32, #tpu.memory_space<vmem>>
    %dma_start3A_30 = arith.constant 0 : i32
    %dma_start3A_31 = arith.constant 0 : i32
    %dma_start3A_32 = tpu.memref_slice %arg2[%dma_start3A_30, %dma_start3A_31] : memref<10000x128xf32, #tpu.memory_space<hbm>> -> memref<10000x128xf32, #tpu.memory_space<hbm>>
    %dma_start3A_33 = tpu.memref_slice %arg11[%dma_start3A_22] : memref<4x!tpu.dma_semaphore, #tpu.memory_space<semaphore_mem>> -> memref<1x!tpu.dma_semaphore, #tpu.memory_space<semaphore_mem>>
    %dma_start3A_34 = tpu.memref_squeeze %dma_start3A_33 : memref<1x!tpu.dma_semaphore, #tpu.memory_space<semaphore_mem>> -> memref<!tpu.dma_semaphore, #tpu.memory_space<semaphore_mem>>
    tpu.enqueue_indirect_dma source(%dma_start3A_32 : memref<10000x128xf32, #tpu.memory_space<hbm>>) target(%dma_start3A_26 : memref<80x128xf32, #tpu.memory_space<vmem>>) offsets(%dma_start3A_29 : memref<80xi32, #tpu.memory_space<vmem>>) semaphore(%dma_start3A_34 : memref<!tpu.dma_semaphore, #tpu.memory_space<semaphore_mem>>)
    %dma_start3A_35 = arith.constant 0 : i32
    %dma_start3A_36 = arith.constant 2 : i32
    %dma_start3A_37 = arith.constant 2 : i32
    %dma_start3A_38 = arith.constant 2 : i32
    %dma_start3A_39 = arith.constant 0 : i32
    %dma_start3A_40 = arith.constant 0 : i32
    %dma_start3A_41 = tpu.memref_slice %arg9[%dma_start3A_37, %dma_start3A_39, %dma_start3A_40] : memref<4x80x128xf32, #tpu.memory_space<vmem>> -> memref<1x80x128xf32, #tpu.memory_space<vmem>>
    %dma_start3A_42 = tpu.memref_squeeze %dma_start3A_41 : memref<1x80x128xf32, #tpu.memory_space<vmem>> -> memref<80x128xf32, #tpu.memory_space<vmem>>
    %dma_start3A_43 = arith.constant 0 : i32
    %dma_start3A_44 = tpu.memref_slice %arg7[%dma_start3A_35, %dma_start3A_36, %dma_start3A_43] : memref<2x5x80xi32, #tpu.memory_space<vmem>> -> memref<1x1x80xi32, #tpu.memory_space<vmem>>
    %dma_start3A_45 = tpu.memref_squeeze %dma_start3A_44 : memref<1x1x80xi32, #tpu.memory_space<vmem>> -> memref<80xi32, #tpu.memory_space<vmem>>
    %dma_start3A_46 = arith.constant 0 : i32
    %dma_start3A_47 = arith.constant 0 : i32
    %dma_start3A_48 = tpu.memref_slice %arg2[%dma_start3A_46, %dma_start3A_47] : memref<10000x128xf32, #tpu.memory_space<hbm>> -> memref<10000x128xf32, #tpu.memory_space<hbm>>
    %dma_start3A_49 = tpu.memref_slice %arg11[%dma_start3A_38] : memref<4x!tpu.dma_semaphore, #tpu.memory_space<semaphore_mem>> -> memref<1x!tpu.dma_semaphore, #tpu.memory_space<semaphore_mem>>
    %dma_start3A_50 = tpu.memref_squeeze %dma_start3A_49 : memref<1x!tpu.dma_semaphore, #tpu.memory_space<semaphore_mem>> -> memref<!tpu.dma_semaphore, #tpu.memory_space<semaphore_mem>>
    tpu.enqueue_indirect_dma source(%dma_start3A_48 : memref<10000x128xf32, #tpu.memory_space<hbm>>) target(%dma_start3A_42 : memref<80x128xf32, #tpu.memory_space<vmem>>) offsets(%dma_start3A_45 : memref<80xi32, #tpu.memory_space<vmem>>) semaphore(%dma_start3A_50 : memref<!tpu.dma_semaphore, #tpu.memory_space<semaphore_mem>>)
    %mul3A_51 = arith.constant 640 : i32
    %mul3A_52 = arith.muli %arg1, %mul3A_51 : i32
    %multiple_of3A = tpu.assume_multiple %mul3A_52, 8 : i32
    %lt3A = arith.constant 15 : i32
    %lt3A_53 = arith.cmpi slt, %arg1, %lt3A : i32
    %eq3A = arith.constant 0 : i32
    %eq3A_54 = arith.cmpi eq, %arg0, %eq3A : i32
    %and3A = arith.andi %lt3A_53, %eq3A_54 : i1
    %convert_element_type3A = arith.extui %and3A : i1 to i32
    %cond3A = arith.constant 0 : i32
    %cond3A_55 = arith.cmpi ne, %convert_element_type3A, %cond3A : i32
    scf.if %cond3A_55 {
      "tpu.region"() ({
        %run_scoped3A_159 = tpu.sem_alloc : memref<!tpu.dma_semaphore, #tpu.memory_space<semaphore_mem>>
        %dma_start3A_160 = arith.constant 0 : i32
        %dma_start3A_161 = tpu.memref_slice %arg10[%multiple_of3A, %dma_start3A_160] : memref<10000x128xf32, #tpu.memory_space<vmem_shared>> -> memref<640x128xf32, #tpu.memory_space<vmem_shared>>
        %dma_start3A_162 = arith.constant 0 : i32
        %dma_start3A_163 = tpu.memref_slice %arg2[%multiple_of3A, %dma_start3A_162] : memref<10000x128xf32, #tpu.memory_space<hbm>> -> memref<640x128xf32, #tpu.memory_space<hbm>>
        tpu.enqueue_dma source(%dma_start3A_163 : memref<640x128xf32, #tpu.memory_space<hbm>>) target(%dma_start3A_161 : memref<640x128xf32, #tpu.memory_space<vmem_shared>>) target_semaphore(%run_scoped3A_159 : memref<!tpu.dma_semaphore, #tpu.memory_space<semaphore_mem>>)
        %dma_wait3A_164 = arith.constant 0 : i32
        %dma_wait3A_165 = tpu.memref_slice %arg10[%multiple_of3A, %dma_wait3A_164] : memref<10000x128xf32, #tpu.memory_space<vmem_shared>> -> memref<640x128xf32, #tpu.memory_space<vmem_shared>>
        %dma_wait3A_166 = arith.constant 0 : i32
        %dma_wait3A_167 = tpu.memref_slice %arg2[%multiple_of3A, %dma_wait3A_166] : memref<10000x128xf32, #tpu.memory_space<hbm>> -> memref<640x128xf32, #tpu.memory_space<hbm>>
        tpu.wait_dma2 semaphore(%run_scoped3A_159 : memref<!tpu.dma_semaphore, #tpu.memory_space<semaphore_mem>>) src(%dma_wait3A_167 : memref<640x128xf32, #tpu.memory_space<hbm>>) dst(%dma_wait3A_165 : memref<640x128xf32, #tpu.memory_space<vmem_shared>>)
        tpu.yield
      }) : () -> ()
    } else {
    }
    %eq3A_56 = arith.constant 15 : i32
    %eq3A_57 = arith.cmpi eq, %arg1, %eq3A_56 : i32
    %eq3A_58 = arith.constant 0 : i32
    %eq3A_59 = arith.cmpi eq, %arg0, %eq3A_58 : i32
    %and3A_60 = arith.andi %eq3A_57, %eq3A_59 : i1
    %convert_element_type3A_61 = arith.extui %and3A_60 : i1 to i32
    %cond3A_62 = arith.constant 0 : i32
    %cond3A_63 = arith.cmpi ne, %convert_element_type3A_61, %cond3A_62 : i32
    scf.if %cond3A_63 {
      "tpu.region"() ({
        %run_scoped3A_159 = tpu.sem_alloc : memref<!tpu.dma_semaphore, #tpu.memory_space<semaphore_mem>>
        %dma_start3A_160 = arith.constant 9600 : i32
        %dma_start3A_161 = arith.constant 0 : i32
        %dma_start3A_162 = tpu.memref_slice %arg10[%dma_start3A_160, %dma_start3A_161] : memref<10000x128xf32, #tpu.memory_space<vmem_shared>> -> memref<400x128xf32, #tpu.memory_space<vmem_shared>>
        %dma_start3A_163 = arith.constant 9600 : i32
        %dma_start3A_164 = arith.constant 0 : i32
        %dma_start3A_165 = tpu.memref_slice %arg2[%dma_start3A_163, %dma_start3A_164] : memref<10000x128xf32, #tpu.memory_space<hbm>> -> memref<400x128xf32, #tpu.memory_space<hbm>>
        tpu.enqueue_dma source(%dma_start3A_165 : memref<400x128xf32, #tpu.memory_space<hbm>>) target(%dma_start3A_162 : memref<400x128xf32, #tpu.memory_space<vmem_shared>>) target_semaphore(%run_scoped3A_159 : memref<!tpu.dma_semaphore, #tpu.memory_space<semaphore_mem>>)
        %dma_wait3A_166 = arith.constant 9600 : i32
        %dma_wait3A_167 = arith.constant 0 : i32
        %dma_wait3A_168 = tpu.memref_slice %arg10[%dma_wait3A_166, %dma_wait3A_167] : memref<10000x128xf32, #tpu.memory_space<vmem_shared>> -> memref<400x128xf32, #tpu.memory_space<vmem_shared>>
        %dma_wait3A_169 = arith.constant 9600 : i32
        %dma_wait3A_170 = arith.constant 0 : i32
        %dma_wait3A_171 = tpu.memref_slice %arg2[%dma_wait3A_169, %dma_wait3A_170] : memref<10000x128xf32, #tpu.memory_space<hbm>> -> memref<400x128xf32, #tpu.memory_space<hbm>>
        tpu.wait_dma2 semaphore(%run_scoped3A_159 : memref<!tpu.dma_semaphore, #tpu.memory_space<semaphore_mem>>) src(%dma_wait3A_171 : memref<400x128xf32, #tpu.memory_space<hbm>>) dst(%dma_wait3A_168 : memref<400x128xf32, #tpu.memory_space<vmem_shared>>)
        tpu.yield
      }) : () -> ()
    } else {
    }
    %lt3A_64 = arith.constant 15 : i32
    %lt3A_65 = arith.cmpi slt, %arg1, %lt3A_64 : i32
    %eq3A_66 = arith.constant 1 : i32
    %eq3A_67 = arith.cmpi eq, %arg0, %eq3A_66 : i32
    %and3A_68 = arith.andi %lt3A_65, %eq3A_67 : i1
    %convert_element_type3A_69 = arith.extui %and3A_68 : i1 to i32
    %cond3A_70 = arith.constant 0 : i32
    %cond3A_71 = arith.cmpi ne, %convert_element_type3A_69, %cond3A_70 : i32
    scf.if %cond3A_71 {
      "tpu.region"() ({
        %run_scoped3A_159 = tpu.sem_alloc : memref<!tpu.dma_semaphore, #tpu.memory_space<semaphore_mem>>
        %dma_start3A_160 = arith.constant 0 : i32
        %dma_start3A_161 = tpu.memref_slice %arg10[%multiple_of3A, %dma_start3A_160] : memref<10000x128xf32, #tpu.memory_space<vmem_shared>> -> memref<640x128xf32, #tpu.memory_space<vmem_shared>>
        %dma_start3A_162 = arith.constant 0 : i32
        %dma_start3A_163 = tpu.memref_slice %arg5[%multiple_of3A, %dma_start3A_162] : memref<10000x128xf32, #tpu.memory_space<hbm>> -> memref<640x128xf32, #tpu.memory_space<hbm>>
        tpu.enqueue_dma source(%dma_start3A_163 : memref<640x128xf32, #tpu.memory_space<hbm>>) target(%dma_start3A_161 : memref<640x128xf32, #tpu.memory_space<vmem_shared>>) target_semaphore(%run_scoped3A_159 : memref<!tpu.dma_semaphore, #tpu.memory_space<semaphore_mem>>)
        %dma_wait3A_164 = arith.constant 0 : i32
        %dma_wait3A_165 = tpu.memref_slice %arg10[%multiple_of3A, %dma_wait3A_164] : memref<10000x128xf32, #tpu.memory_space<vmem_shared>> -> memref<640x128xf32, #tpu.memory_space<vmem_shared>>
        %dma_wait3A_166 = arith.constant 0 : i32
        %dma_wait3A_167 = tpu.memref_slice %arg5[%multiple_of3A, %dma_wait3A_166] : memref<10000x128xf32, #tpu.memory_space<hbm>> -> memref<640x128xf32, #tpu.memory_space<hbm>>
        tpu.wait_dma2 semaphore(%run_scoped3A_159 : memref<!tpu.dma_semaphore, #tpu.memory_space<semaphore_mem>>) src(%dma_wait3A_167 : memref<640x128xf32, #tpu.memory_space<hbm>>) dst(%dma_wait3A_165 : memref<640x128xf32, #tpu.memory_space<vmem_shared>>)
        tpu.yield
      }) : () -> ()
    } else {
    }
    %eq3A_72 = arith.constant 15 : i32
    %eq3A_73 = arith.cmpi eq, %arg1, %eq3A_72 : i32
    %eq3A_74 = arith.constant 1 : i32
    %eq3A_75 = arith.cmpi eq, %arg0, %eq3A_74 : i32
    %and3A_76 = arith.andi %eq3A_73, %eq3A_75 : i1
    %convert_element_type3A_77 = arith.extui %and3A_76 : i1 to i32
    %cond3A_78 = arith.constant 0 : i32
    %cond3A_79 = arith.cmpi ne, %convert_element_type3A_77, %cond3A_78 : i32
    scf.if %cond3A_79 {
      "tpu.region"() ({
        %run_scoped3A_159 = tpu.sem_alloc : memref<!tpu.dma_semaphore, #tpu.memory_space<semaphore_mem>>
        %dma_start3A_160 = arith.constant 9600 : i32
        %dma_start3A_161 = arith.constant 0 : i32
        %dma_start3A_162 = tpu.memref_slice %arg10[%dma_start3A_160, %dma_start3A_161] : memref<10000x128xf32, #tpu.memory_space<vmem_shared>> -> memref<400x128xf32, #tpu.memory_space<vmem_shared>>
        %dma_start3A_163 = arith.constant 9600 : i32
        %dma_start3A_164 = arith.constant 0 : i32
        %dma_start3A_165 = tpu.memref_slice %arg5[%dma_start3A_163, %dma_start3A_164] : memref<10000x128xf32, #tpu.memory_space<hbm>> -> memref<400x128xf32, #tpu.memory_space<hbm>>
        tpu.enqueue_dma source(%dma_start3A_165 : memref<400x128xf32, #tpu.memory_space<hbm>>) target(%dma_start3A_162 : memref<400x128xf32, #tpu.memory_space<vmem_shared>>) target_semaphore(%run_scoped3A_159 : memref<!tpu.dma_semaphore, #tpu.memory_space<semaphore_mem>>)
        %dma_wait3A_166 = arith.constant 9600 : i32
        %dma_wait3A_167 = arith.constant 0 : i32
        %dma_wait3A_168 = tpu.memref_slice %arg10[%dma_wait3A_166, %dma_wait3A_167] : memref<10000x128xf32, #tpu.memory_space<vmem_shared>> -> memref<400x128xf32, #tpu.memory_space<vmem_shared>>
        %dma_wait3A_169 = arith.constant 9600 : i32
        %dma_wait3A_170 = arith.constant 0 : i32
        %dma_wait3A_171 = tpu.memref_slice %arg5[%dma_wait3A_169, %dma_wait3A_170] : memref<10000x128xf32, #tpu.memory_space<hbm>> -> memref<400x128xf32, #tpu.memory_space<hbm>>
        tpu.wait_dma2 semaphore(%run_scoped3A_159 : memref<!tpu.dma_semaphore, #tpu.memory_space<semaphore_mem>>) src(%dma_wait3A_171 : memref<400x128xf32, #tpu.memory_space<hbm>>) dst(%dma_wait3A_168 : memref<400x128xf32, #tpu.memory_space<vmem_shared>>)
        tpu.yield
      }) : () -> ()
    } else {
    }
    %barrier3A = arith.constant 0 : index
    tpu.barrier barrier_id(%barrier3A)
    %scan3A = arith.constant 0 : i32
    %scan3A_80 = arith.constant 0 : i32
    %scan3A_81 = arith.constant 125 : i32
    %scan3A_82 = arith.addi %scan3A_80, %scan3A_81 : i32
    %scan3A_83 = arith.constant 1 : i32
    scf.for %scan3A_159 = %scan3A_80 to %scan3A_82 step %scan3A_83  : i32 {
      %div3A = arith.constant 5 : i32
      %div3A_160 = arith.divsi %scan3A_159, %div3A : i32
      %rem3A = arith.constant 5 : i32
      %rem3A_161 = arith.remsi %scan3A_159, %rem3A : i32
      %rem3A_162 = arith.constant 2 : i32
      %rem3A_163 = arith.remsi %div3A_160, %rem3A_162 : i32
      %rem3A_164 = arith.constant 4 : i32
      %rem3A_165 = arith.remsi %scan3A_159, %rem3A_164 : i32
      %eq3A_166 = arith.constant 1 : i32
      %eq3A_167 = arith.cmpi eq, %rem3A_161, %eq3A_166 : i32
      %add3A_168 = arith.constant 1 : i32
      %add3A_169 = arith.addi %div3A_160, %add3A_168 : i32
      %lt3A_170 = arith.constant 25 : i32
      %lt3A_171 = arith.cmpi slt, %add3A_169, %lt3A_170 : i32
      %and3A_172 = arith.andi %eq3A_167, %lt3A_171 : i1
      %convert_element_type3A_173 = arith.extui %and3A_172 : i1 to i32
      %cond3A_174 = arith.constant 0 : i32
      %cond3A_175 = arith.cmpi ne, %convert_element_type3A_173, %cond3A_174 : i32
      scf.if %cond3A_175 {
        %add3A_232 = arith.constant 1 : i32
        %add3A_233 = arith.addi %div3A_160, %add3A_232 : i32
        %sub3A = arith.constant 1 : i32
        %sub3A_234 = arith.subi %sub3A, %rem3A_163 : i32
        %dma_start3A_235 = arith.constant 0 : i32
        %dma_start3A_236 = arith.constant 0 : i32
        %dma_start3A_237 = tpu.memref_slice %arg7[%sub3A_234, %dma_start3A_235, %dma_start3A_236] : memref<2x5x80xi32, #tpu.memory_space<vmem>> -> memref<1x5x80xi32, #tpu.memory_space<vmem>>
        %dma_start3A_238 = tpu.memref_squeeze %dma_start3A_237 : memref<1x5x80xi32, #tpu.memory_space<vmem>> -> memref<5x80xi32, #tpu.memory_space<vmem>>
        %dma_start3A_239 = arith.constant 0 : i32
        %dma_start3A_240 = arith.constant 0 : i32
        %dma_start3A_241 = tpu.memref_slice %arg3[%add3A, %add3A_233, %dma_start3A_239, %dma_start3A_240] : memref<32x25x5x80xi32, #tpu.memory_space<hbm>> -> memref<1x1x5x80xi32, #tpu.memory_space<hbm>>
        %dma_start3A_242 = tpu.memref_squeeze %dma_start3A_241 : memref<1x1x5x80xi32, #tpu.memory_space<hbm>> -> memref<5x80xi32, #tpu.memory_space<hbm>>
        %dma_start3A_243 = arith.constant 0 : i32
        %dma_start3A_244 = arith.constant 0 : i32
        %dma_start3A_245 = tpu.memref_slice %arg7[%sub3A_234, %dma_start3A_243, %dma_start3A_244] : memref<2x5x80xi32, #tpu.memory_space<vmem>> -> memref<1x5x80xi32, #tpu.memory_space<vmem>>
        %dma_start3A_246 = tpu.memref_squeeze %dma_start3A_245 : memref<1x5x80xi32, #tpu.memory_space<vmem>> -> memref<5x80xi32, #tpu.memory_space<vmem>>
        %dma_start3A_247 = arith.constant 0 : i32
        %dma_start3A_248 = arith.constant 0 : i32
        %dma_start3A_249 = tpu.memref_slice %arg3[%add3A, %add3A_233, %dma_start3A_247, %dma_start3A_248] : memref<32x25x5x80xi32, #tpu.memory_space<hbm>> -> memref<1x1x5x80xi32, #tpu.memory_space<hbm>>
        %dma_start3A_250 = tpu.memref_squeeze %dma_start3A_249 : memref<1x1x5x80xi32, #tpu.memory_space<hbm>> -> memref<5x80xi32, #tpu.memory_space<hbm>>
        tpu.enqueue_dma source(%dma_start3A_250 : memref<5x80xi32, #tpu.memory_space<hbm>>) target(%dma_start3A_246 : memref<5x80xi32, #tpu.memory_space<vmem>>) target_semaphore(%arg13 : memref<!tpu.dma_semaphore, #tpu.memory_space<semaphore_mem>>)
        %add3A_251 = arith.constant 1 : i32
        %add3A_252 = arith.addi %div3A_160, %add3A_251 : i32
        %sub3A_253 = arith.constant 1 : i32
        %sub3A_254 = arith.subi %sub3A_253, %rem3A_163 : i32
        %dma_start3A_255 = arith.constant 0 : i32
        %dma_start3A_256 = arith.constant 0 : i32
        %dma_start3A_257 = tpu.memref_slice %arg8[%sub3A_254, %dma_start3A_255, %dma_start3A_256] : memref<2x5x80xi32, #tpu.memory_space<vmem>> -> memref<1x5x80xi32, #tpu.memory_space<vmem>>
        %dma_start3A_258 = tpu.memref_squeeze %dma_start3A_257 : memref<1x5x80xi32, #tpu.memory_space<vmem>> -> memref<5x80xi32, #tpu.memory_space<vmem>>
        %dma_start3A_259 = arith.constant 0 : i32
        %dma_start3A_260 = arith.constant 0 : i32
        %dma_start3A_261 = tpu.memref_slice %arg4[%add3A, %add3A_252, %dma_start3A_259, %dma_start3A_260] : memref<32x25x5x80xi32, #tpu.memory_space<hbm>> -> memref<1x1x5x80xi32, #tpu.memory_space<hbm>>
        %dma_start3A_262 = tpu.memref_squeeze %dma_start3A_261 : memref<1x1x5x80xi32, #tpu.memory_space<hbm>> -> memref<5x80xi32, #tpu.memory_space<hbm>>
        %dma_start3A_263 = arith.constant 0 : i32
        %dma_start3A_264 = arith.constant 0 : i32
        %dma_start3A_265 = tpu.memref_slice %arg8[%sub3A_254, %dma_start3A_263, %dma_start3A_264] : memref<2x5x80xi32, #tpu.memory_space<vmem>> -> memref<1x5x80xi32, #tpu.memory_space<vmem>>
        %dma_start3A_266 = tpu.memref_squeeze %dma_start3A_265 : memref<1x5x80xi32, #tpu.memory_space<vmem>> -> memref<5x80xi32, #tpu.memory_space<vmem>>
        %dma_start3A_267 = arith.constant 0 : i32
        %dma_start3A_268 = arith.constant 0 : i32
        %dma_start3A_269 = tpu.memref_slice %arg4[%add3A, %add3A_252, %dma_start3A_267, %dma_start3A_268] : memref<32x25x5x80xi32, #tpu.memory_space<hbm>> -> memref<1x1x5x80xi32, #tpu.memory_space<hbm>>
        %dma_start3A_270 = tpu.memref_squeeze %dma_start3A_269 : memref<1x1x5x80xi32, #tpu.memory_space<hbm>> -> memref<5x80xi32, #tpu.memory_space<hbm>>
        tpu.enqueue_dma source(%dma_start3A_270 : memref<5x80xi32, #tpu.memory_space<hbm>>) target(%dma_start3A_266 : memref<5x80xi32, #tpu.memory_space<vmem>>) target_semaphore(%arg13 : memref<!tpu.dma_semaphore, #tpu.memory_space<semaphore_mem>>)
      } else {
      }
      %eq3A_176 = arith.constant 2 : i32
      %eq3A_177 = arith.cmpi eq, %rem3A_161, %eq3A_176 : i32
      %add3A_178 = arith.constant 1 : i32
      %add3A_179 = arith.addi %div3A_160, %add3A_178 : i32
      %lt3A_180 = arith.constant 25 : i32
      %lt3A_181 = arith.cmpi slt, %add3A_179, %lt3A_180 : i32
      %and3A_182 = arith.andi %eq3A_177, %lt3A_181 : i1
      %convert_element_type3A_183 = arith.extui %and3A_182 : i1 to i32
      %cond3A_184 = arith.constant 0 : i32
      %cond3A_185 = arith.cmpi ne, %convert_element_type3A_183, %cond3A_184 : i32
      scf.if %cond3A_185 {
        %add3A_232 = arith.constant 1 : i32
        %add3A_233 = arith.addi %div3A_160, %add3A_232 : i32
        %sub3A = arith.constant 1 : i32
        %sub3A_234 = arith.subi %sub3A, %rem3A_163 : i32
        %dma_wait3A_235 = arith.constant 0 : i32
        %dma_wait3A_236 = arith.constant 0 : i32
        %dma_wait3A_237 = tpu.memref_slice %arg7[%sub3A_234, %dma_wait3A_235, %dma_wait3A_236] : memref<2x5x80xi32, #tpu.memory_space<vmem>> -> memref<1x5x80xi32, #tpu.memory_space<vmem>>
        %dma_wait3A_238 = tpu.memref_squeeze %dma_wait3A_237 : memref<1x5x80xi32, #tpu.memory_space<vmem>> -> memref<5x80xi32, #tpu.memory_space<vmem>>
        %dma_wait3A_239 = arith.constant 0 : i32
        %dma_wait3A_240 = arith.constant 0 : i32
        %dma_wait3A_241 = tpu.memref_slice %arg3[%add3A, %add3A_233, %dma_wait3A_239, %dma_wait3A_240] : memref<32x25x5x80xi32, #tpu.memory_space<hbm>> -> memref<1x1x5x80xi32, #tpu.memory_space<hbm>>
        %dma_wait3A_242 = tpu.memref_squeeze %dma_wait3A_241 : memref<1x1x5x80xi32, #tpu.memory_space<hbm>> -> memref<5x80xi32, #tpu.memory_space<hbm>>
        %dma_wait3A_243 = arith.constant 0 : i32
        %dma_wait3A_244 = arith.constant 0 : i32
        %dma_wait3A_245 = tpu.memref_slice %arg7[%sub3A_234, %dma_wait3A_243, %dma_wait3A_244] : memref<2x5x80xi32, #tpu.memory_space<vmem>> -> memref<1x5x80xi32, #tpu.memory_space<vmem>>
        %dma_wait3A_246 = tpu.memref_squeeze %dma_wait3A_245 : memref<1x5x80xi32, #tpu.memory_space<vmem>> -> memref<5x80xi32, #tpu.memory_space<vmem>>
        %dma_wait3A_247 = arith.constant 0 : i32
        %dma_wait3A_248 = arith.constant 0 : i32
        %dma_wait3A_249 = tpu.memref_slice %arg3[%add3A, %add3A_233, %dma_wait3A_247, %dma_wait3A_248] : memref<32x25x5x80xi32, #tpu.memory_space<hbm>> -> memref<1x1x5x80xi32, #tpu.memory_space<hbm>>
        %dma_wait3A_250 = tpu.memref_squeeze %dma_wait3A_249 : memref<1x1x5x80xi32, #tpu.memory_space<hbm>> -> memref<5x80xi32, #tpu.memory_space<hbm>>
        tpu.wait_dma2 semaphore(%arg13 : memref<!tpu.dma_semaphore, #tpu.memory_space<semaphore_mem>>) src(%dma_wait3A_250 : memref<5x80xi32, #tpu.memory_space<hbm>>) dst(%dma_wait3A_246 : memref<5x80xi32, #tpu.memory_space<vmem>>)
        %add3A_251 = arith.constant 1 : i32
        %add3A_252 = arith.addi %div3A_160, %add3A_251 : i32
        %sub3A_253 = arith.constant 1 : i32
        %sub3A_254 = arith.subi %sub3A_253, %rem3A_163 : i32
        %dma_wait3A_255 = arith.constant 0 : i32
        %dma_wait3A_256 = arith.constant 0 : i32
        %dma_wait3A_257 = tpu.memref_slice %arg8[%sub3A_254, %dma_wait3A_255, %dma_wait3A_256] : memref<2x5x80xi32, #tpu.memory_space<vmem>> -> memref<1x5x80xi32, #tpu.memory_space<vmem>>
        %dma_wait3A_258 = tpu.memref_squeeze %dma_wait3A_257 : memref<1x5x80xi32, #tpu.memory_space<vmem>> -> memref<5x80xi32, #tpu.memory_space<vmem>>
        %dma_wait3A_259 = arith.constant 0 : i32
        %dma_wait3A_260 = arith.constant 0 : i32
        %dma_wait3A_261 = tpu.memref_slice %arg4[%add3A, %add3A_252, %dma_wait3A_259, %dma_wait3A_260] : memref<32x25x5x80xi32, #tpu.memory_space<hbm>> -> memref<1x1x5x80xi32, #tpu.memory_space<hbm>>
        %dma_wait3A_262 = tpu.memref_squeeze %dma_wait3A_261 : memref<1x1x5x80xi32, #tpu.memory_space<hbm>> -> memref<5x80xi32, #tpu.memory_space<hbm>>
        %dma_wait3A_263 = arith.constant 0 : i32
        %dma_wait3A_264 = arith.constant 0 : i32
        %dma_wait3A_265 = tpu.memref_slice %arg8[%sub3A_254, %dma_wait3A_263, %dma_wait3A_264] : memref<2x5x80xi32, #tpu.memory_space<vmem>> -> memref<1x5x80xi32, #tpu.memory_space<vmem>>
        %dma_wait3A_266 = tpu.memref_squeeze %dma_wait3A_265 : memref<1x5x80xi32, #tpu.memory_space<vmem>> -> memref<5x80xi32, #tpu.memory_space<vmem>>
        %dma_wait3A_267 = arith.constant 0 : i32
        %dma_wait3A_268 = arith.constant 0 : i32
        %dma_wait3A_269 = tpu.memref_slice %arg4[%add3A, %add3A_252, %dma_wait3A_267, %dma_wait3A_268] : memref<32x25x5x80xi32, #tpu.memory_space<hbm>> -> memref<1x1x5x80xi32, #tpu.memory_space<hbm>>
        %dma_wait3A_270 = tpu.memref_squeeze %dma_wait3A_269 : memref<1x1x5x80xi32, #tpu.memory_space<hbm>> -> memref<5x80xi32, #tpu.memory_space<hbm>>
        tpu.wait_dma2 semaphore(%arg13 : memref<!tpu.dma_semaphore, #tpu.memory_space<semaphore_mem>>) src(%dma_wait3A_270 : memref<5x80xi32, #tpu.memory_space<hbm>>) dst(%dma_wait3A_266 : memref<5x80xi32, #tpu.memory_space<vmem>>)
      } else {
      }
      %dma_wait3A_186 = arith.constant 0 : i32
      %dma_wait3A_187 = arith.constant 0 : i32
      %dma_wait3A_188 = tpu.memref_slice %arg9[%rem3A_165, %dma_wait3A_186, %dma_wait3A_187] : memref<4x80x128xf32, #tpu.memory_space<vmem>> -> memref<1x80x128xf32, #tpu.memory_space<vmem>>
      %dma_wait3A_189 = tpu.memref_squeeze %dma_wait3A_188 : memref<1x80x128xf32, #tpu.memory_space<vmem>> -> memref<80x128xf32, #tpu.memory_space<vmem>>
      %dma_wait3A_190 = arith.constant 0 : i32
      %dma_wait3A_191 = tpu.memref_slice %arg7[%rem3A_163, %rem3A_161, %dma_wait3A_190] : memref<2x5x80xi32, #tpu.memory_space<vmem>> -> memref<1x1x80xi32, #tpu.memory_space<vmem>>
      %dma_wait3A_192 = tpu.memref_squeeze %dma_wait3A_191 : memref<1x1x80xi32, #tpu.memory_space<vmem>> -> memref<80xi32, #tpu.memory_space<vmem>>
      %dma_wait3A_193 = arith.constant 0 : i32
      %dma_wait3A_194 = arith.constant 0 : i32
      %dma_wait3A_195 = tpu.memref_slice %arg2[%dma_wait3A_193, %dma_wait3A_194] : memref<10000x128xf32, #tpu.memory_space<hbm>> -> memref<10000x128xf32, #tpu.memory_space<hbm>>
      %dma_wait3A_196 = tpu.memref_slice %arg11[%rem3A_165] : memref<4x!tpu.dma_semaphore, #tpu.memory_space<semaphore_mem>> -> memref<1x!tpu.dma_semaphore, #tpu.memory_space<semaphore_mem>>
      %dma_wait3A_197 = tpu.memref_squeeze %dma_wait3A_196 : memref<1x!tpu.dma_semaphore, #tpu.memory_space<semaphore_mem>> -> memref<!tpu.dma_semaphore, #tpu.memory_space<semaphore_mem>>
      tpu.wait_indirect_dma semaphore(%dma_wait3A_197 : memref<!tpu.dma_semaphore, #tpu.memory_space<semaphore_mem>>) src(%dma_wait3A_195 : memref<10000x128xf32, #tpu.memory_space<hbm>>) dst(%dma_wait3A_189 : memref<80x128xf32, #tpu.memory_space<vmem>>)
      %dma_start3A_198 = arith.constant 0 : i32
      %dma_start3A_199 = arith.constant 0 : i32
      %dma_start3A_200 = tpu.memref_slice %arg9[%rem3A_165, %dma_start3A_198, %dma_start3A_199] : memref<4x80x128xf32, #tpu.memory_space<vmem>> -> memref<1x80x128xf32, #tpu.memory_space<vmem>>
      %dma_start3A_201 = tpu.memref_squeeze %dma_start3A_200 : memref<1x80x128xf32, #tpu.memory_space<vmem>> -> memref<80x128xf32, #tpu.memory_space<vmem>>
      %dma_start3A_202 = arith.constant 0 : i32
      %dma_start3A_203 = tpu.memref_slice %arg8[%rem3A_163, %rem3A_161, %dma_start3A_202] : memref<2x5x80xi32, #tpu.memory_space<vmem>> -> memref<1x1x80xi32, #tpu.memory_space<vmem>>
      %dma_start3A_204 = tpu.memref_squeeze %dma_start3A_203 : memref<1x1x80xi32, #tpu.memory_space<vmem>> -> memref<80xi32, #tpu.memory_space<vmem>>
      %dma_start3A_205 = arith.constant 0 : i32
      %dma_start3A_206 = arith.constant 0 : i32
      %dma_start3A_207 = tpu.memref_slice %arg10[%dma_start3A_205, %dma_start3A_206] : memref<10000x128xf32, #tpu.memory_space<vmem_shared>> -> memref<10000x128xf32, #tpu.memory_space<vmem_shared>>
      %dma_start3A_208 = tpu.memref_slice %arg12[%rem3A_165] : memref<4x!tpu.dma_semaphore, #tpu.memory_space<semaphore_mem>> -> memref<1x!tpu.dma_semaphore, #tpu.memory_space<semaphore_mem>>
      %dma_start3A_209 = tpu.memref_squeeze %dma_start3A_208 : memref<1x!tpu.dma_semaphore, #tpu.memory_space<semaphore_mem>> -> memref<!tpu.dma_semaphore, #tpu.memory_space<semaphore_mem>>
      tpu.enqueue_indirect_dma source(%dma_start3A_201 : memref<80x128xf32, #tpu.memory_space<vmem>>) target(%dma_start3A_207 : memref<10000x128xf32, #tpu.memory_space<vmem_shared>>) offsets(%dma_start3A_204 : memref<80xi32, #tpu.memory_space<vmem>>) semaphore(%dma_start3A_209 : memref<!tpu.dma_semaphore, #tpu.memory_space<semaphore_mem>>) {add = true}
      %add3A_210 = arith.constant 3 : i32
      %add3A_211 = arith.addi %scan3A_159, %add3A_210 : i32
      %rem3A_212 = arith.constant 4 : i32
      %rem3A_213 = arith.remsi %add3A_211, %rem3A_212 : i32
      %div3A_214 = arith.constant 5 : i32
      %div3A_215 = arith.divsi %add3A_211, %div3A_214 : i32
      %rem3A_216 = arith.constant 5 : i32
      %rem3A_217 = arith.remsi %add3A_211, %rem3A_216 : i32
      %rem3A_218 = arith.constant 2 : i32
      %rem3A_219 = arith.remsi %div3A_215, %rem3A_218 : i32
      %ge3A = arith.constant 1 : i32
      %ge3A_220 = arith.cmpi sge, %scan3A_159, %ge3A : i32
      %lt3A_221 = arith.constant 125 : i32
      %lt3A_222 = arith.cmpi slt, %add3A_211, %lt3A_221 : i32
      %and3A_223 = arith.andi %ge3A_220, %lt3A_222 : i1
      %convert_element_type3A_224 = arith.extui %and3A_223 : i1 to i32
      %cond3A_225 = arith.constant 0 : i32
      %cond3A_226 = arith.cmpi ne, %convert_element_type3A_224, %cond3A_225 : i32
      scf.if %cond3A_226 {
        %dma_wait3A_232 = arith.constant 0 : i32
        %dma_wait3A_233 = arith.constant 0 : i32
        %dma_wait3A_234 = arith.constant 0 : i32
        %dma_wait3A_235 = arith.constant 0 : i32
        %dma_wait3A_236 = tpu.memref_slice %arg9[%rem3A_213, %dma_wait3A_234, %dma_wait3A_235] : memref<4x80x128xf32, #tpu.memory_space<vmem>> -> memref<1x80x128xf32, #tpu.memory_space<vmem>>
        %dma_wait3A_237 = tpu.memref_squeeze %dma_wait3A_236 : memref<1x80x128xf32, #tpu.memory_space<vmem>> -> memref<80x128xf32, #tpu.memory_space<vmem>>
        %dma_wait3A_238 = arith.constant 0 : i32
        %dma_wait3A_239 = tpu.memref_slice %arg8[%dma_wait3A_232, %dma_wait3A_233, %dma_wait3A_238] : memref<2x5x80xi32, #tpu.memory_space<vmem>> -> memref<1x1x80xi32, #tpu.memory_space<vmem>>
        %dma_wait3A_240 = tpu.memref_squeeze %dma_wait3A_239 : memref<1x1x80xi32, #tpu.memory_space<vmem>> -> memref<80xi32, #tpu.memory_space<vmem>>
        %dma_wait3A_241 = arith.constant 0 : i32
        %dma_wait3A_242 = arith.constant 0 : i32
        %dma_wait3A_243 = tpu.memref_slice %arg10[%dma_wait3A_241, %dma_wait3A_242] : memref<10000x128xf32, #tpu.memory_space<vmem_shared>> -> memref<10000x128xf32, #tpu.memory_space<vmem_shared>>
        %dma_wait3A_244 = tpu.memref_slice %arg12[%rem3A_213] : memref<4x!tpu.dma_semaphore, #tpu.memory_space<semaphore_mem>> -> memref<1x!tpu.dma_semaphore, #tpu.memory_space<semaphore_mem>>
        %dma_wait3A_245 = tpu.memref_squeeze %dma_wait3A_244 : memref<1x!tpu.dma_semaphore, #tpu.memory_space<semaphore_mem>> -> memref<!tpu.dma_semaphore, #tpu.memory_space<semaphore_mem>>
        tpu.wait_indirect_dma semaphore(%dma_wait3A_245 : memref<!tpu.dma_semaphore, #tpu.memory_space<semaphore_mem>>) src(%dma_wait3A_237 : memref<80x128xf32, #tpu.memory_space<vmem>>) dst(%dma_wait3A_243 : memref<10000x128xf32, #tpu.memory_space<vmem_shared>>)
      } else {
      }
      %lt3A_227 = arith.constant 125 : i32
      %lt3A_228 = arith.cmpi slt, %add3A_211, %lt3A_227 : i32
      %convert_element_type3A_229 = arith.extui %lt3A_228 : i1 to i32
      %cond3A_230 = arith.constant 0 : i32
      %cond3A_231 = arith.cmpi ne, %convert_element_type3A_229, %cond3A_230 : i32
      scf.if %cond3A_231 {
        %dma_start3A_232 = arith.constant 0 : i32
        %dma_start3A_233 = arith.constant 0 : i32
        %dma_start3A_234 = tpu.memref_slice %arg9[%rem3A_213, %dma_start3A_232, %dma_start3A_233] : memref<4x80x128xf32, #tpu.memory_space<vmem>> -> memref<1x80x128xf32, #tpu.memory_space<vmem>>
        %dma_start3A_235 = tpu.memref_squeeze %dma_start3A_234 : memref<1x80x128xf32, #tpu.memory_space<vmem>> -> memref<80x128xf32, #tpu.memory_space<vmem>>
        %dma_start3A_236 = arith.constant 0 : i32
        %dma_start3A_237 = tpu.memref_slice %arg7[%rem3A_219, %rem3A_217, %dma_start3A_236] : memref<2x5x80xi32, #tpu.memory_space<vmem>> -> memref<1x1x80xi32, #tpu.memory_space<vmem>>
        %dma_start3A_238 = tpu.memref_squeeze %dma_start3A_237 : memref<1x1x80xi32, #tpu.memory_space<vmem>> -> memref<80xi32, #tpu.memory_space<vmem>>
        %dma_start3A_239 = arith.constant 0 : i32
        %dma_start3A_240 = arith.constant 0 : i32
        %dma_start3A_241 = tpu.memref_slice %arg2[%dma_start3A_239, %dma_start3A_240] : memref<10000x128xf32, #tpu.memory_space<hbm>> -> memref<10000x128xf32, #tpu.memory_space<hbm>>
        %dma_start3A_242 = tpu.memref_slice %arg11[%rem3A_213] : memref<4x!tpu.dma_semaphore, #tpu.memory_space<semaphore_mem>> -> memref<1x!tpu.dma_semaphore, #tpu.memory_space<semaphore_mem>>
        %dma_start3A_243 = tpu.memref_squeeze %dma_start3A_242 : memref<1x!tpu.dma_semaphore, #tpu.memory_space<semaphore_mem>> -> memref<!tpu.dma_semaphore, #tpu.memory_space<semaphore_mem>>
        tpu.enqueue_indirect_dma source(%dma_start3A_241 : memref<10000x128xf32, #tpu.memory_space<hbm>>) target(%dma_start3A_235 : memref<80x128xf32, #tpu.memory_space<vmem>>) offsets(%dma_start3A_238 : memref<80xi32, #tpu.memory_space<vmem>>) semaphore(%dma_start3A_243 : memref<!tpu.dma_semaphore, #tpu.memory_space<semaphore_mem>>)
      } else {
      }
    }
    %scan3A_84 = arith.constant 125 : i32
    %dma_wait3A = arith.constant 0 : i32
    %dma_wait3A_85 = arith.constant 0 : i32
    %dma_wait3A_86 = arith.constant 0 : i32
    %dma_wait3A_87 = arith.constant 0 : i32
    %dma_wait3A_88 = arith.constant 0 : i32
    %dma_wait3A_89 = arith.constant 0 : i32
    %dma_wait3A_90 = tpu.memref_slice %arg9[%dma_wait3A, %dma_wait3A_88, %dma_wait3A_89] : memref<4x80x128xf32, #tpu.memory_space<vmem>> -> memref<1x80x128xf32, #tpu.memory_space<vmem>>
    %dma_wait3A_91 = tpu.memref_squeeze %dma_wait3A_90 : memref<1x80x128xf32, #tpu.memory_space<vmem>> -> memref<80x128xf32, #tpu.memory_space<vmem>>
    %dma_wait3A_92 = arith.constant 0 : i32
    %dma_wait3A_93 = tpu.memref_slice %arg8[%dma_wait3A_85, %dma_wait3A_86, %dma_wait3A_92] : memref<2x5x80xi32, #tpu.memory_space<vmem>> -> memref<1x1x80xi32, #tpu.memory_space<vmem>>
    %dma_wait3A_94 = tpu.memref_squeeze %dma_wait3A_93 : memref<1x1x80xi32, #tpu.memory_space<vmem>> -> memref<80xi32, #tpu.memory_space<vmem>>
    %dma_wait3A_95 = arith.constant 0 : i32
    %dma_wait3A_96 = arith.constant 0 : i32
    %dma_wait3A_97 = tpu.memref_slice %arg10[%dma_wait3A_95, %dma_wait3A_96] : memref<10000x128xf32, #tpu.memory_space<vmem_shared>> -> memref<10000x128xf32, #tpu.memory_space<vmem_shared>>
    %dma_wait3A_98 = tpu.memref_slice %arg12[%dma_wait3A_87] : memref<4x!tpu.dma_semaphore, #tpu.memory_space<semaphore_mem>> -> memref<1x!tpu.dma_semaphore, #tpu.memory_space<semaphore_mem>>
    %dma_wait3A_99 = tpu.memref_squeeze %dma_wait3A_98 : memref<1x!tpu.dma_semaphore, #tpu.memory_space<semaphore_mem>> -> memref<!tpu.dma_semaphore, #tpu.memory_space<semaphore_mem>>
    tpu.wait_indirect_dma semaphore(%dma_wait3A_99 : memref<!tpu.dma_semaphore, #tpu.memory_space<semaphore_mem>>) src(%dma_wait3A_91 : memref<80x128xf32, #tpu.memory_space<vmem>>) dst(%dma_wait3A_97 : memref<10000x128xf32, #tpu.memory_space<vmem_shared>>)
    %dma_wait3A_100 = arith.constant 1 : i32
    %dma_wait3A_101 = arith.constant 0 : i32
    %dma_wait3A_102 = arith.constant 0 : i32
    %dma_wait3A_103 = arith.constant 1 : i32
    %dma_wait3A_104 = arith.constant 0 : i32
    %dma_wait3A_105 = arith.constant 0 : i32
    %dma_wait3A_106 = tpu.memref_slice %arg9[%dma_wait3A_100, %dma_wait3A_104, %dma_wait3A_105] : memref<4x80x128xf32, #tpu.memory_space<vmem>> -> memref<1x80x128xf32, #tpu.memory_space<vmem>>
    %dma_wait3A_107 = tpu.memref_squeeze %dma_wait3A_106 : memref<1x80x128xf32, #tpu.memory_space<vmem>> -> memref<80x128xf32, #tpu.memory_space<vmem>>
    %dma_wait3A_108 = arith.constant 0 : i32
    %dma_wait3A_109 = tpu.memref_slice %arg8[%dma_wait3A_101, %dma_wait3A_102, %dma_wait3A_108] : memref<2x5x80xi32, #tpu.memory_space<vmem>> -> memref<1x1x80xi32, #tpu.memory_space<vmem>>
    %dma_wait3A_110 = tpu.memref_squeeze %dma_wait3A_109 : memref<1x1x80xi32, #tpu.memory_space<vmem>> -> memref<80xi32, #tpu.memory_space<vmem>>
    %dma_wait3A_111 = arith.constant 0 : i32
    %dma_wait3A_112 = arith.constant 0 : i32
    %dma_wait3A_113 = tpu.memref_slice %arg10[%dma_wait3A_111, %dma_wait3A_112] : memref<10000x128xf32, #tpu.memory_space<vmem_shared>> -> memref<10000x128xf32, #tpu.memory_space<vmem_shared>>
    %dma_wait3A_114 = tpu.memref_slice %arg12[%dma_wait3A_103] : memref<4x!tpu.dma_semaphore, #tpu.memory_space<semaphore_mem>> -> memref<1x!tpu.dma_semaphore, #tpu.memory_space<semaphore_mem>>
    %dma_wait3A_115 = tpu.memref_squeeze %dma_wait3A_114 : memref<1x!tpu.dma_semaphore, #tpu.memory_space<semaphore_mem>> -> memref<!tpu.dma_semaphore, #tpu.memory_space<semaphore_mem>>
    tpu.wait_indirect_dma semaphore(%dma_wait3A_115 : memref<!tpu.dma_semaphore, #tpu.memory_space<semaphore_mem>>) src(%dma_wait3A_107 : memref<80x128xf32, #tpu.memory_space<vmem>>) dst(%dma_wait3A_113 : memref<10000x128xf32, #tpu.memory_space<vmem_shared>>)
    %dma_wait3A_116 = arith.constant 2 : i32
    %dma_wait3A_117 = arith.constant 0 : i32
    %dma_wait3A_118 = arith.constant 0 : i32
    %dma_wait3A_119 = arith.constant 2 : i32
    %dma_wait3A_120 = arith.constant 0 : i32
    %dma_wait3A_121 = arith.constant 0 : i32
    %dma_wait3A_122 = tpu.memref_slice %arg9[%dma_wait3A_116, %dma_wait3A_120, %dma_wait3A_121] : memref<4x80x128xf32, #tpu.memory_space<vmem>> -> memref<1x80x128xf32, #tpu.memory_space<vmem>>
    %dma_wait3A_123 = tpu.memref_squeeze %dma_wait3A_122 : memref<1x80x128xf32, #tpu.memory_space<vmem>> -> memref<80x128xf32, #tpu.memory_space<vmem>>
    %dma_wait3A_124 = arith.constant 0 : i32
    %dma_wait3A_125 = tpu.memref_slice %arg8[%dma_wait3A_117, %dma_wait3A_118, %dma_wait3A_124] : memref<2x5x80xi32, #tpu.memory_space<vmem>> -> memref<1x1x80xi32, #tpu.memory_space<vmem>>
    %dma_wait3A_126 = tpu.memref_squeeze %dma_wait3A_125 : memref<1x1x80xi32, #tpu.memory_space<vmem>> -> memref<80xi32, #tpu.memory_space<vmem>>
    %dma_wait3A_127 = arith.constant 0 : i32
    %dma_wait3A_128 = arith.constant 0 : i32
    %dma_wait3A_129 = tpu.memref_slice %arg10[%dma_wait3A_127, %dma_wait3A_128] : memref<10000x128xf32, #tpu.memory_space<vmem_shared>> -> memref<10000x128xf32, #tpu.memory_space<vmem_shared>>
    %dma_wait3A_130 = tpu.memref_slice %arg12[%dma_wait3A_119] : memref<4x!tpu.dma_semaphore, #tpu.memory_space<semaphore_mem>> -> memref<1x!tpu.dma_semaphore, #tpu.memory_space<semaphore_mem>>
    %dma_wait3A_131 = tpu.memref_squeeze %dma_wait3A_130 : memref<1x!tpu.dma_semaphore, #tpu.memory_space<semaphore_mem>> -> memref<!tpu.dma_semaphore, #tpu.memory_space<semaphore_mem>>
    tpu.wait_indirect_dma semaphore(%dma_wait3A_131 : memref<!tpu.dma_semaphore, #tpu.memory_space<semaphore_mem>>) src(%dma_wait3A_123 : memref<80x128xf32, #tpu.memory_space<vmem>>) dst(%dma_wait3A_129 : memref<10000x128xf32, #tpu.memory_space<vmem_shared>>)
    %dma_wait3A_132 = arith.constant 3 : i32
    %dma_wait3A_133 = arith.constant 0 : i32
    %dma_wait3A_134 = arith.constant 0 : i32
    %dma_wait3A_135 = arith.constant 3 : i32
    %dma_wait3A_136 = arith.constant 0 : i32
    %dma_wait3A_137 = arith.constant 0 : i32
    %dma_wait3A_138 = tpu.memref_slice %arg9[%dma_wait3A_132, %dma_wait3A_136, %dma_wait3A_137] : memref<4x80x128xf32, #tpu.memory_space<vmem>> -> memref<1x80x128xf32, #tpu.memory_space<vmem>>
    %dma_wait3A_139 = tpu.memref_squeeze %dma_wait3A_138 : memref<1x80x128xf32, #tpu.memory_space<vmem>> -> memref<80x128xf32, #tpu.memory_space<vmem>>
    %dma_wait3A_140 = arith.constant 0 : i32
    %dma_wait3A_141 = tpu.memref_slice %arg8[%dma_wait3A_133, %dma_wait3A_134, %dma_wait3A_140] : memref<2x5x80xi32, #tpu.memory_space<vmem>> -> memref<1x1x80xi32, #tpu.memory_space<vmem>>
    %dma_wait3A_142 = tpu.memref_squeeze %dma_wait3A_141 : memref<1x1x80xi32, #tpu.memory_space<vmem>> -> memref<80xi32, #tpu.memory_space<vmem>>
    %dma_wait3A_143 = arith.constant 0 : i32
    %dma_wait3A_144 = arith.constant 0 : i32
    %dma_wait3A_145 = tpu.memref_slice %arg10[%dma_wait3A_143, %dma_wait3A_144] : memref<10000x128xf32, #tpu.memory_space<vmem_shared>> -> memref<10000x128xf32, #tpu.memory_space<vmem_shared>>
    %dma_wait3A_146 = tpu.memref_slice %arg12[%dma_wait3A_135] : memref<4x!tpu.dma_semaphore, #tpu.memory_space<semaphore_mem>> -> memref<1x!tpu.dma_semaphore, #tpu.memory_space<semaphore_mem>>
    %dma_wait3A_147 = tpu.memref_squeeze %dma_wait3A_146 : memref<1x!tpu.dma_semaphore, #tpu.memory_space<semaphore_mem>> -> memref<!tpu.dma_semaphore, #tpu.memory_space<semaphore_mem>>
    tpu.wait_indirect_dma semaphore(%dma_wait3A_147 : memref<!tpu.dma_semaphore, #tpu.memory_space<semaphore_mem>>) src(%dma_wait3A_139 : memref<80x128xf32, #tpu.memory_space<vmem>>) dst(%dma_wait3A_145 : memref<10000x128xf32, #tpu.memory_space<vmem_shared>>)
    %barrier3A_148 = arith.constant 0 : index
    tpu.barrier barrier_id(%barrier3A_148)
    %lt3A_149 = arith.constant 15 : i32
    %lt3A_150 = arith.cmpi slt, %arg1, %lt3A_149 : i32
    %convert_element_type3A_151 = arith.extui %lt3A_150 : i1 to i32
    %cond3A_152 = arith.constant 0 : i32
    %cond3A_153 = arith.cmpi ne, %convert_element_type3A_151, %cond3A_152 : i32
    scf.if %cond3A_153 {
      "tpu.region"() ({
        %run_scoped3A_159 = tpu.sem_alloc : memref<!tpu.dma_semaphore, #tpu.memory_space<semaphore_mem>>
        %dma_start3A_160 = arith.constant 0 : i32
        %dma_start3A_161 = arith.constant 0 : i32
        %dma_start3A_162 = tpu.memref_slice %arg6[%arg0, %dma_start3A_160, %dma_start3A_161] : memref<2x10000x128xf32, #tpu.memory_space<hbm>> -> memref<1x10000x128xf32, #tpu.memory_space<hbm>>
        %dma_start3A_163 = tpu.memref_squeeze %dma_start3A_162 : memref<1x10000x128xf32, #tpu.memory_space<hbm>> -> memref<10000x128xf32, #tpu.memory_space<hbm>>
        %dma_start3A_164 = arith.constant 0 : i32
        %dma_start3A_165 = tpu.memref_slice %dma_start3A_163[%multiple_of3A, %dma_start3A_164] : memref<10000x128xf32, #tpu.memory_space<hbm>> -> memref<640x128xf32, #tpu.memory_space<hbm>>
        %dma_start3A_166 = arith.constant 0 : i32
        %dma_start3A_167 = tpu.memref_slice %arg10[%multiple_of3A, %dma_start3A_166] : memref<10000x128xf32, #tpu.memory_space<vmem_shared>> -> memref<640x128xf32, #tpu.memory_space<vmem_shared>>
        tpu.enqueue_dma source(%dma_start3A_167 : memref<640x128xf32, #tpu.memory_space<vmem_shared>>) target(%dma_start3A_165 : memref<640x128xf32, #tpu.memory_space<hbm>>) target_semaphore(%run_scoped3A_159 : memref<!tpu.dma_semaphore, #tpu.memory_space<semaphore_mem>>)
        %dma_wait3A_168 = arith.constant 0 : i32
        %dma_wait3A_169 = arith.constant 0 : i32
        %dma_wait3A_170 = tpu.memref_slice %arg6[%arg0, %dma_wait3A_168, %dma_wait3A_169] : memref<2x10000x128xf32, #tpu.memory_space<hbm>> -> memref<1x10000x128xf32, #tpu.memory_space<hbm>>
        %dma_wait3A_171 = tpu.memref_squeeze %dma_wait3A_170 : memref<1x10000x128xf32, #tpu.memory_space<hbm>> -> memref<10000x128xf32, #tpu.memory_space<hbm>>
        %dma_wait3A_172 = arith.constant 0 : i32
        %dma_wait3A_173 = tpu.memref_slice %dma_wait3A_171[%multiple_of3A, %dma_wait3A_172] : memref<10000x128xf32, #tpu.memory_space<hbm>> -> memref<640x128xf32, #tpu.memory_space<hbm>>
        %dma_wait3A_174 = arith.constant 0 : i32
        %dma_wait3A_175 = tpu.memref_slice %arg10[%multiple_of3A, %dma_wait3A_174] : memref<10000x128xf32, #tpu.memory_space<vmem_shared>> -> memref<640x128xf32, #tpu.memory_space<vmem_shared>>
        tpu.wait_dma2 semaphore(%run_scoped3A_159 : memref<!tpu.dma_semaphore, #tpu.memory_space<semaphore_mem>>) src(%dma_wait3A_175 : memref<640x128xf32, #tpu.memory_space<vmem_shared>>) dst(%dma_wait3A_173 : memref<640x128xf32, #tpu.memory_space<hbm>>)
        tpu.yield
      }) : () -> ()
    } else {
    }
    %eq3A_154 = arith.constant 15 : i32
    %eq3A_155 = arith.cmpi eq, %arg1, %eq3A_154 : i32
    %convert_element_type3A_156 = arith.extui %eq3A_155 : i1 to i32
    %cond3A_157 = arith.constant 0 : i32
    %cond3A_158 = arith.cmpi ne, %convert_element_type3A_156, %cond3A_157 : i32
    scf.if %cond3A_158 {
      "tpu.region"() ({
        %run_scoped3A_159 = tpu.sem_alloc : memref<!tpu.dma_semaphore, #tpu.memory_space<semaphore_mem>>
        %dma_start3A_160 = arith.constant 0 : i32
        %dma_start3A_161 = arith.constant 0 : i32
        %dma_start3A_162 = tpu.memref_slice %arg6[%arg0, %dma_start3A_160, %dma_start3A_161] : memref<2x10000x128xf32, #tpu.memory_space<hbm>> -> memref<1x10000x128xf32, #tpu.memory_space<hbm>>
        %dma_start3A_163 = tpu.memref_squeeze %dma_start3A_162 : memref<1x10000x128xf32, #tpu.memory_space<hbm>> -> memref<10000x128xf32, #tpu.memory_space<hbm>>
        %dma_start3A_164 = arith.constant 9600 : i32
        %dma_start3A_165 = arith.constant 0 : i32
        %dma_start3A_166 = tpu.memref_slice %dma_start3A_163[%dma_start3A_164, %dma_start3A_165] : memref<10000x128xf32, #tpu.memory_space<hbm>> -> memref<400x128xf32, #tpu.memory_space<hbm>>
        %dma_start3A_167 = arith.constant 9600 : i32
        %dma_start3A_168 = arith.constant 0 : i32
        %dma_start3A_169 = tpu.memref_slice %arg10[%dma_start3A_167, %dma_start3A_168] : memref<10000x128xf32, #tpu.memory_space<vmem_shared>> -> memref<400x128xf32, #tpu.memory_space<vmem_shared>>
        tpu.enqueue_dma source(%dma_start3A_169 : memref<400x128xf32, #tpu.memory_space<vmem_shared>>) target(%dma_start3A_166 : memref<400x128xf32, #tpu.memory_space<hbm>>) target_semaphore(%run_scoped3A_159 : memref<!tpu.dma_semaphore, #tpu.memory_space<semaphore_mem>>)
        %dma_wait3A_170 = arith.constant 0 : i32
        %dma_wait3A_171 = arith.constant 0 : i32
        %dma_wait3A_172 = tpu.memref_slice %arg6[%arg0, %dma_wait3A_170, %dma_wait3A_171] : memref<2x10000x128xf32, #tpu.memory_space<hbm>> -> memref<1x10000x128xf32, #tpu.memory_space<hbm>>
        %dma_wait3A_173 = tpu.memref_squeeze %dma_wait3A_172 : memref<1x10000x128xf32, #tpu.memory_space<hbm>> -> memref<10000x128xf32, #tpu.memory_space<hbm>>
        %dma_wait3A_174 = arith.constant 9600 : i32
        %dma_wait3A_175 = arith.constant 0 : i32
        %dma_wait3A_176 = tpu.memref_slice %dma_wait3A_173[%dma_wait3A_174, %dma_wait3A_175] : memref<10000x128xf32, #tpu.memory_space<hbm>> -> memref<400x128xf32, #tpu.memory_space<hbm>>
        %dma_wait3A_177 = arith.constant 9600 : i32
        %dma_wait3A_178 = arith.constant 0 : i32
        %dma_wait3A_179 = tpu.memref_slice %arg10[%dma_wait3A_177, %dma_wait3A_178] : memref<10000x128xf32, #tpu.memory_space<vmem_shared>> -> memref<400x128xf32, #tpu.memory_space<vmem_shared>>
        tpu.wait_dma2 semaphore(%run_scoped3A_159 : memref<!tpu.dma_semaphore, #tpu.memory_space<semaphore_mem>>) src(%dma_wait3A_179 : memref<400x128xf32, #tpu.memory_space<vmem_shared>>) dst(%dma_wait3A_176 : memref<400x128xf32, #tpu.memory_space<hbm>>)
        tpu.yield
      }) : () -> ()
    } else {
    }
    return
  }
}

module attributes {stable_mosaic.version = 14 : i64} {
  func.func @tc1_body(%arg0: i32, %arg1: memref<5000x1xf32, #tpu.memory_space<vmem>>, %arg2: memref<5000x1xf32, #tpu.memory_space<vmem>>, %arg3: memref<5000x128xf32, #tpu.memory_space<vmem>>, %arg4: memref<128x128xf32, #tpu.memory_space<vmem>>, %arg5: memref<1x128xf32, #tpu.memory_space<vmem>>, %arg6: memref<5000x1xf32, #tpu.memory_space<vmem>>, %arg7: memref<5000x128xf32, #tpu.memory_space<vmem>>) attributes {dimension_semantics = [#tpu.dimension_semantics<arbitrary>], iteration_bounds = array<i64: 2>, scalar_prefetch = 0 : i64, scratch_operands = 0 : i64, tpu.core_type = #tpu.core_type<tc>, window_params = [{transform_indices = @transform_0, window_bounds = array<i64: 5000, 1>}, {transform_indices = @transform_1, window_bounds = array<i64: 5000, 1>}, {transform_indices = @transform_2, window_bounds = array<i64: 5000, 128>}, {pipeline_mode = #tpu.pipeline_mode<synchronous>, transform_indices = @transform_3, window_bounds = array<i64: 128, 128>}, {pipeline_mode = #tpu.pipeline_mode<synchronous>, transform_indices = @transform_4, window_bounds = array<i64: 1, 128>}, {transform_indices = @transform_5, window_bounds = array<i64: 5000, 1>}, {transform_indices = @transform_6, window_bounds = array<i64: 5000, 128>}]} {
    %get3A = arith.constant 0 : index
    %get3A_0 = arith.constant 0 : index
    %get3A_1 = vector.load %arg1[%get3A, %get3A_0] : memref<5000x1xf32, #tpu.memory_space<vmem>>, vector<5000x1xf32>
    %get3A_2 = arith.constant 0 : index
    %get3A_3 = arith.constant 0 : index
    %get3A_4 = vector.load %arg2[%get3A_2, %get3A_3] : memref<5000x1xf32, #tpu.memory_space<vmem>>, vector<5000x1xf32>
    %add3A = arith.addf %get3A_1, %get3A_4 : vector<5000x1xf32>
    %add3A_5 = arith.constant 1.000000e+00 : f32
    %add3A_6 = vector.broadcast %add3A_5 : f32 to vector<5000x1xf32>
    %add3A_7 = arith.addf %add3A, %add3A_6 : vector<5000x1xf32>
    %sqrt3A = math.sqrt %add3A_7 : vector<5000x1xf32>
    %div3A = arith.constant 1.000000e+00 : f32
    %div3A_8 = vector.broadcast %div3A : f32 to vector<5000x1xf32>
    %div3A_9 = arith.divf %div3A_8, %sqrt3A : vector<5000x1xf32>
    %swap3A = arith.constant 0 : index
    %swap3A_10 = arith.constant 0 : index
    %swap3A_11 = vector.load %arg6[%swap3A, %swap3A_10] : memref<5000x1xf32, #tpu.memory_space<vmem>>, vector<5000x1xf32>
    tpu.vector_store %arg6[%swap3A, %swap3A_10], %div3A_9 {strides = array<i32>} : memref<5000x1xf32, #tpu.memory_space<vmem>>, vector<5000x1xf32>,
    %get3A_12 = arith.constant 0 : index
    %get3A_13 = arith.constant 0 : index
    %get3A_14 = vector.load %arg3[%get3A_12, %get3A_13] : memref<5000x128xf32, #tpu.memory_space<vmem>>, vector<5000x128xf32>
    %get3A_15 = arith.constant 0 : index
    %get3A_16 = arith.constant 0 : index
    %get3A_17 = vector.load %arg4[%get3A_15, %get3A_16] : memref<128x128xf32, #tpu.memory_space<vmem>>, vector<128x128xf32>
    %dot_general3A = arith.constant dense<0.000000e+00> : vector<5000x128xf32>
    %dot_general3A_18 = tpu.matmul %get3A_14, %get3A_17, %dot_general3A {dimension_numbers = #tpu.dot_dimension_numbers<[1], [1], [0], [0], [0, 0, 1, 0], [], []>, transpose_lhs_hint = false} : vector<5000x128xf32>, vector<128x128xf32>, vector<5000x128xf32> -> vector<5000x128xf32>
    %get3A_19 = arith.constant 0 : index
    %get3A_20 = arith.constant 0 : index
    %get3A_21 = vector.load %arg5[%get3A_19, %get3A_20] : memref<1x128xf32, #tpu.memory_space<vmem>>, vector<1x128xf32>
    %add3A_22 = vector.broadcast %get3A_21 : vector<1x128xf32> to vector<5000x128xf32>
    %add3A_23 = arith.addf %dot_general3A_18, %add3A_22 : vector<5000x128xf32>
    %mul3A = vector.broadcast %div3A_9 : vector<5000x1xf32> to vector<5000x128xf32>
    %mul3A_24 = arith.mulf %mul3A, %add3A_23 : vector<5000x128xf32>
    %swap3A_25 = arith.constant 0 : index
    %swap3A_26 = arith.constant 0 : index
    %swap3A_27 = vector.load %arg7[%swap3A_25, %swap3A_26] : memref<5000x128xf32, #tpu.memory_space<vmem>>, vector<5000x128xf32>
    tpu.vector_store %arg7[%swap3A_25, %swap3A_26], %mul3A_24 {strides = array<i32>} : memref<5000x128xf32, #tpu.memory_space<vmem>>, vector<5000x128xf32>,
    return
  }
  func.func @transform_0(%arg0: i32) -> (i32, i32) {
    %c0_i32 = arith.constant 0 : i32
    %c0_i32_0 = arith.constant 0 : i32
    return %arg0, %c0_i32 : i32, i32
  }
  func.func @transform_1(%arg0: i32) -> (i32, i32) {
    %c0_i32 = arith.constant 0 : i32
    %c0_i32_0 = arith.constant 0 : i32
    return %arg0, %c0_i32 : i32, i32
  }
  func.func @transform_2(%arg0: i32) -> (i32, i32) {
    %c0_i32 = arith.constant 0 : i32
    %c0_i32_0 = arith.constant 0 : i32
    return %arg0, %c0_i32 : i32, i32
  }
  func.func @transform_3(%arg0: i32) -> (i32, i32) {
    %c0_i32 = arith.constant 0 : i32
    %c0_i32_0 = arith.constant 0 : i32
    %c0_i32_1 = arith.constant 0 : i32
    return %c0_i32, %c0_i32_0 : i32, i32
  }
  func.func @transform_4(%arg0: i32) -> (i32, i32) {
    %c0_i32 = arith.constant 0 : i32
    %c0_i32_0 = arith.constant 0 : i32
    %c0_i32_1 = arith.constant 0 : i32
    return %c0_i32, %c0_i32_0 : i32, i32
  }
  func.func @transform_5(%arg0: i32) -> (i32, i32) {
    %c0_i32 = arith.constant 0 : i32
    %c0_i32_0 = arith.constant 0 : i32
    return %arg0, %c0_i32 : i32, i32
  }
  func.func @transform_6(%arg0: i32) -> (i32, i32) {
    %c0_i32 = arith.constant 0 : i32
    %c0_i32_0 = arith.constant 0 : i32
    return %arg0, %c0_i32 : i32, i32
  }
}

module attributes {stable_mosaic.version = 14 : i64} {
  func.func @tc2_body(%arg0: i32, %arg1: memref<5000x128xf32, #tpu.memory_space<vmem>>, %arg2: memref<5000x128xf32, #tpu.memory_space<vmem>>, %arg3: memref<5000x1xf32, #tpu.memory_space<vmem>>, %arg4: memref<128x128xf32, #tpu.memory_space<vmem>>, %arg5: memref<1x128xf32, #tpu.memory_space<vmem>>, %arg6: memref<5000x128xf32, #tpu.memory_space<vmem>>) attributes {dimension_semantics = [#tpu.dimension_semantics<arbitrary>], iteration_bounds = array<i64: 2>, scalar_prefetch = 0 : i64, scratch_operands = 0 : i64, tpu.core_type = #tpu.core_type<tc>, window_params = [{transform_indices = @transform_0, window_bounds = array<i64: 5000, 128>}, {transform_indices = @transform_1, window_bounds = array<i64: 5000, 128>}, {transform_indices = @transform_2, window_bounds = array<i64: 5000, 1>}, {pipeline_mode = #tpu.pipeline_mode<synchronous>, transform_indices = @transform_3, window_bounds = array<i64: 128, 128>}, {pipeline_mode = #tpu.pipeline_mode<synchronous>, transform_indices = @transform_4, window_bounds = array<i64: 1, 128>}, {transform_indices = @transform_5, window_bounds = array<i64: 5000, 128>}]} {
    %get3A = arith.constant 0 : index
    %get3A_0 = arith.constant 0 : index
    %get3A_1 = vector.load %arg3[%get3A, %get3A_0] : memref<5000x1xf32, #tpu.memory_space<vmem>>, vector<5000x1xf32>
    %get3A_2 = arith.constant 0 : index
    %get3A_3 = arith.constant 0 : index
    %get3A_4 = vector.load %arg1[%get3A_2, %get3A_3] : memref<5000x128xf32, #tpu.memory_space<vmem>>, vector<5000x128xf32>
    %get3A_5 = arith.constant 0 : index
    %get3A_6 = arith.constant 0 : index
    %get3A_7 = vector.load %arg2[%get3A_5, %get3A_6] : memref<5000x128xf32, #tpu.memory_space<vmem>>, vector<5000x128xf32>
    %add3A = arith.addf %get3A_4, %get3A_7 : vector<5000x128xf32>
    %mul3A = vector.broadcast %get3A_1 : vector<5000x1xf32> to vector<5000x128xf32>
    %mul3A_8 = arith.mulf %mul3A, %add3A : vector<5000x128xf32>
    %max3A = arith.constant 0.000000e+00 : f32
    %max3A_9 = vector.broadcast %max3A : f32 to vector<5000x128xf32>
    %max3A_10 = arith.maximumf %mul3A_8, %max3A_9 : vector<5000x128xf32>
    %get3A_11 = arith.constant 0 : index
    %get3A_12 = arith.constant 0 : index
    %get3A_13 = vector.load %arg4[%get3A_11, %get3A_12] : memref<128x128xf32, #tpu.memory_space<vmem>>, vector<128x128xf32>
    %dot_general3A = arith.constant dense<0.000000e+00> : vector<5000x128xf32>
    %dot_general3A_14 = tpu.matmul %max3A_10, %get3A_13, %dot_general3A {dimension_numbers = #tpu.dot_dimension_numbers<[1], [1], [0], [0], [0, 0, 1, 0], [], []>, transpose_lhs_hint = false} : vector<5000x128xf32>, vector<128x128xf32>, vector<5000x128xf32> -> vector<5000x128xf32>
    %get3A_15 = arith.constant 0 : index
    %get3A_16 = arith.constant 0 : index
    %get3A_17 = vector.load %arg5[%get3A_15, %get3A_16] : memref<1x128xf32, #tpu.memory_space<vmem>>, vector<1x128xf32>
    %add3A_18 = vector.broadcast %get3A_17 : vector<1x128xf32> to vector<5000x128xf32>
    %add3A_19 = arith.addf %dot_general3A_14, %add3A_18 : vector<5000x128xf32>
    %mul3A_20 = vector.broadcast %get3A_1 : vector<5000x1xf32> to vector<5000x128xf32>
    %mul3A_21 = arith.mulf %mul3A_20, %add3A_19 : vector<5000x128xf32>
    %swap3A = arith.constant 0 : index
    %swap3A_22 = arith.constant 0 : index
    %swap3A_23 = vector.load %arg6[%swap3A, %swap3A_22] : memref<5000x128xf32, #tpu.memory_space<vmem>>, vector<5000x128xf32>
    tpu.vector_store %arg6[%swap3A, %swap3A_22], %mul3A_21 {strides = array<i32>} : memref<5000x128xf32, #tpu.memory_space<vmem>>, vector<5000x128xf32>,
    return
  }
  func.func @transform_0(%arg0: i32) -> (i32, i32) {
    %c0_i32 = arith.constant 0 : i32
    %c0_i32_0 = arith.constant 0 : i32
    return %arg0, %c0_i32 : i32, i32
  }
  func.func @transform_1(%arg0: i32) -> (i32, i32) {
    %c0_i32 = arith.constant 0 : i32
    %c0_i32_0 = arith.constant 0 : i32
    return %arg0, %c0_i32 : i32, i32
  }
  func.func @transform_2(%arg0: i32) -> (i32, i32) {
    %c0_i32 = arith.constant 0 : i32
    %c0_i32_0 = arith.constant 0 : i32
    return %arg0, %c0_i32 : i32, i32
  }
  func.func @transform_3(%arg0: i32) -> (i32, i32) {
    %c0_i32 = arith.constant 0 : i32
    %c0_i32_0 = arith.constant 0 : i32
    %c0_i32_1 = arith.constant 0 : i32
    return %c0_i32, %c0_i32_0 : i32, i32
  }
  func.func @transform_4(%arg0: i32) -> (i32, i32) {
    %c0_i32 = arith.constant 0 : i32
    %c0_i32_0 = arith.constant 0 : i32
    %c0_i32_1 = arith.constant 0 : i32
    return %c0_i32, %c0_i32_0 : i32, i32
  }
  func.func @transform_5(%arg0: i32) -> (i32, i32) {
    %c0_i32 = arith.constant 0 : i32
    %c0_i32_0 = arith.constant 0 : i32
    return %arg0, %c0_i32 : i32, i32
  }
}

module attributes {stable_mosaic.version = 14 : i64} {
  func.func @tc3_body(%arg0: i32, %arg1: memref<5000x128xf32, #tpu.memory_space<vmem>>, %arg2: memref<5000x128xf32, #tpu.memory_space<vmem>>, %arg3: memref<5000x1xf32, #tpu.memory_space<vmem>>, %arg4: memref<5000x128xf32, #tpu.memory_space<vmem>>) attributes {dimension_semantics = [#tpu.dimension_semantics<arbitrary>], iteration_bounds = array<i64: 2>, scalar_prefetch = 0 : i64, scratch_operands = 0 : i64, tpu.core_type = #tpu.core_type<tc>, window_params = [{transform_indices = @transform_0, window_bounds = array<i64: 5000, 128>}, {transform_indices = @transform_1, window_bounds = array<i64: 5000, 128>}, {transform_indices = @transform_2, window_bounds = array<i64: 5000, 1>}, {transform_indices = @transform_3, window_bounds = array<i64: 5000, 128>}]} {
    %get3A = arith.constant 0 : index
    %get3A_0 = arith.constant 0 : index
    %get3A_1 = vector.load %arg3[%get3A, %get3A_0] : memref<5000x1xf32, #tpu.memory_space<vmem>>, vector<5000x1xf32>
    %get3A_2 = arith.constant 0 : index
    %get3A_3 = arith.constant 0 : index
    %get3A_4 = vector.load %arg1[%get3A_2, %get3A_3] : memref<5000x128xf32, #tpu.memory_space<vmem>>, vector<5000x128xf32>
    %get3A_5 = arith.constant 0 : index
    %get3A_6 = arith.constant 0 : index
    %get3A_7 = vector.load %arg2[%get3A_5, %get3A_6] : memref<5000x128xf32, #tpu.memory_space<vmem>>, vector<5000x128xf32>
    %add3A = arith.addf %get3A_4, %get3A_7 : vector<5000x128xf32>
    %mul3A = vector.broadcast %get3A_1 : vector<5000x1xf32> to vector<5000x128xf32>
    %mul3A_8 = arith.mulf %mul3A, %add3A : vector<5000x128xf32>
    %max3A = arith.constant 0.000000e+00 : f32
    %max3A_9 = vector.broadcast %max3A : f32 to vector<5000x128xf32>
    %max3A_10 = arith.maximumf %mul3A_8, %max3A_9 : vector<5000x128xf32>
    %swap3A = arith.constant 0 : index
    %swap3A_11 = arith.constant 0 : index
    %swap3A_12 = vector.load %arg4[%swap3A, %swap3A_11] : memref<5000x128xf32, #tpu.memory_space<vmem>>, vector<5000x128xf32>
    tpu.vector_store %arg4[%swap3A, %swap3A_11], %max3A_10 {strides = array<i32>} : memref<5000x128xf32, #tpu.memory_space<vmem>>, vector<5000x128xf32>,
    return
  }
  func.func @transform_0(%arg0: i32) -> (i32, i32) {
    %c0_i32 = arith.constant 0 : i32
    %c0_i32_0 = arith.constant 0 : i32
    return %arg0, %c0_i32 : i32, i32
  }
  func.func @transform_1(%arg0: i32) -> (i32, i32) {
    %c0_i32 = arith.constant 0 : i32
    %c0_i32_0 = arith.constant 0 : i32
    return %arg0, %c0_i32 : i32, i32
  }
  func.func @transform_2(%arg0: i32) -> (i32, i32) {
    %c0_i32 = arith.constant 0 : i32
    %c0_i32_0 = arith.constant 0 : i32
    return %arg0, %c0_i32 : i32, i32
  }
  func.func @transform_3(%arg0: i32) -> (i32, i32) {
    %c0_i32 = arith.constant 0 : i32
    %c0_i32_0 = arith.constant 0 : i32
    return %arg0, %c0_i32 : i32, i32
  }
}

</mosaic_0001>

<sc_bundles>
// kernel: kernel.11.cloned.1.call-start
scs
__scs_entry_jumppad:
0x0: {  	(pc) =	sbr.rel $0x88, $3  }
0x1: {  	(tag) =	ssettag $0x0;
	lr =	simm.s32 $0x1  }
0x2: {  	[smem:$0x3F9B] =	sst lr;
	_ =	strace $0xD0000000  }
0x3: {  	_ = 	snop  }
0x4: {  	_ = 	snop  }
0x5: {  	_ = 	snop  }
0x6: {  	_ = 	snop  }
0x7: {  	_ = 	snop  }
__scs_overlays_trampoline_lowered:
0x8: {  	[smem:$0x3FAA] =	sst s0  }
0x9: {  	[smem:$0x3FAB] =	sst s1  }
0xa: {  	[smem:$0x3FAC] =	sst s2  }
0xb: {  	[smem:$0x3FAD] =	sst s3  }
0xc: {  	[smem:$0x3FAE] =	sst s4  }
0xd: {  	[smem:$0x3FAF] =	sst s5  }
0xe: {  	[smem:$0x3FB0] =	sst s6  }
0xf: {  	[smem:$0x3FB1] =	sst s7  }
0x10: {  	[smem:$0x3FB2] =	sst s8  }
0x11: {  	[smem:$0x3FB3] =	sst s9;
	s0 =	simm.s32 @!p0 $0x0  }
0x12: {  	s1 =	sld [smem:$0x3F99];
	s0 =	simm.s32 @p0 $0x1  }
0x13: {  	[smem:$0x3FB4] =	sst s0;
	s0 =	simm.s32 @!p1 $0x0  }
0x14: {  	s2 =	sld [smem:$0x3F98];
	s0 =	simm.s32 @p1 $0x1  }
0x15: {  	[smem:$0x3FB5] =	sst s0;
	s0 =	simm.s32 @!p2 $0x0  }
0x16: {  	s3 =	sld [smem:$0x3FDB];
	s0 =	simm.s32 @p2 $0x1  }
0x17: {  	s4 =	simm.s32 $0x1BF5;
	[smem:$0x3FB7] =	sst s0  }
0x18: {  	s0 =	sld [smem:$0x3F9A];
	_ =	swait.ge [sflag:s4], $0x0  }
0x19: {  	s7 =	sld [smem:$0x3F9B]  }
0x1a: {  	s8 =	sadd.s32 $0xFFFFE003, lr  }
0x1b: {  	s9 =	sadd.s32 $0xFFFFFEF7, lr;
	s5 =	simm.s32 $0xFFFFFFFF;
	p2 =	slt.u32 s8, $0xFFFFF086  }
0x1c: {  	p1 =	slt.u32 s9, $0xF7A;
	s5 =	simm.s32 @!p2 $0x0  }
0x1d: {  	s5 =	simm.s32 @p1 $0x1;
	p0 =	seq.s32 s7, s2  }
0x1e: {  	s7 =	smul.u32 @!p0 $0xF7A, s2;
	p2 =	seq.s32 @!p0 s5, $0x0  }
0x1f: {  	s9 =	smul.u32 $0xF7A, s1;
	s8 =	simm.s32 @!p0 $0x1BF5;
	p2 =	por !p2, p0  }
0x20: {  	[sflag:s8] =	ssyncset.s32 @!p0 $0xFFFFF086;
	s6 =	sadd.s32 @!p0 s3, s7;
	s7 =	simm.s32 @!p0 $0x108  }
0x21: {  	s3 =	sadd.s32 s3, s9;
	s6 =	sadd.s32 @!p0 $0x88, s6;
	s7 =	simm.s32 @p2 $0x1082  }
0x22: {  	[simem:s7], [sflag:s8] =	dma.local @!p0 [hbm:s6], $0xF7A  }
0x23: {  	s9 =	sor.u32 $0xD0000000, s2;
	s6 =	simm.s32 $0x108;
	_ =	swait.ge @!p0 [sflag:s8], $0x0  }
0x24: {  	s3 =	sadd.s32 $0x88, s3;
	s6 =	simm.s32 @!p1 $0x1082;
	[sflag:s4] =	ssyncset.s32 $0xFFFFF086  }
0x25: {  	[simem:s6], [sflag:s4] =	dma.local [hbm:s3], $0xF7A  }
0x26: {  	[smem:$0x3F9B] =	sst s1;
	(tag) =	ssettag s2;
	_ =	strace s9  }
0x27: {  	s1 =	sld [smem:$0x3FAB]  }
0x28: {  	s2 =	sld [smem:$0x3FAC]  }
0x29: {  	s4 =	sld [smem:$0x3FAE]  }
0x2a: {  	p0 =	seq.s32 s5, $0x0;
	s5 =	sld [smem:$0x3FAF]  }
0x2b: {  	s6 =	sld [smem:$0x3FB0]  }
0x2c: {  	s7 =	sld [smem:$0x3FB1]  }
0x2d: {  	s3 =	simm.s32 $0x108;
	s8 =	sld [smem:$0x3FB2]  }
0x2e: {  	s3 =	simm.s32 @!p0 $0x1082;
	s9 =	sld [smem:$0x3FB3]  }
0x2f: {  	lr =	sadd.s32 s0, s3;
	s0 =	sld [smem:$0x3FAA]  }
0x30: {  	s3 =	sld [smem:$0x3FAD]  }
0x31: {  	[smem:$0x3FB6] =	sst s10  }
0x32: {  	s10 =	sld [smem:$0x3FB4];
	_ =	sdelay $0x3  }
0x33: {  	p0 =	seq.s32 s10, $0x1;
	s10 =	sld [smem:$0x3FB6];
	_ =	sdelay $0x3  }
0x34: {  	[smem:$0x3FB6] =	sst s10  }
0x35: {  	s10 =	sld [smem:$0x3FB5];
	_ =	sdelay $0x3  }
0x36: {  	p1 =	seq.s32 s10, $0x1;
	s10 =	sld [smem:$0x3FB6];
	_ =	sdelay $0x3  }
0x37: {  	[smem:$0x3FB6] =	sst s10  }
0x38: {  	s10 =	sld [smem:$0x3FB7]  }
0x39: {  	_ = 	snop;
	(pc) =	sbr.ind lr, $3  }
0x3a: {  	_ = 	snop  }
0x3b: {  	_ = 	snop  }
0x3c: {  	p2 =	seq.s32 s10, $0x1;
	s10 =	sld [smem:$0x3FB6]  }
0x3d: {  	_ =	shalt  }
0x3e: {  	_ =	shalt  }
0x3f: {  	_ =	shalt  }
0x40: {  	_ =	shalt  }
0x41: {  	_ =	shalt  }
0x42: {  	_ =	shalt  }
0x43: {  	_ =	shalt  }
0x44: {  	_ =	shalt  }
0x45: {  	_ =	shalt  }
0x46: {  	_ =	shalt  }
0x47: {  	_ =	shalt  }
0x48: {  	_ =	shalt  }
0x49: {  	_ =	shalt  }
0x4a: {  	_ =	shalt  }
0x4b: {  	_ =	shalt  }
0x4c: {  	_ =	shalt  }
0x4d: {  	_ =	shalt  }
0x4e: {  	_ =	shalt  }
0x4f: {  	_ =	shalt  }
0x50: {  	_ =	shalt  }
0x51: {  	_ =	shalt  }
0x52: {  	_ =	shalt  }
0x53: {  	_ =	shalt  }
0x54: {  	_ =	shalt  }
0x55: {  	_ =	shalt  }
0x56: {  	_ =	shalt  }
0x57: {  	_ =	shalt  }
0x58: {  	_ =	shalt  }
0x59: {  	_ =	shalt  }
0x5a: {  	_ =	shalt  }
0x5b: {  	_ =	shalt  }
0x5c: {  	_ =	shalt  }
0x5d: {  	_ =	shalt  }
0x5e: {  	_ =	shalt  }
0x5f: {  	_ =	shalt  }
0x60: {  	_ =	shalt  }
0x61: {  	_ =	shalt  }
0x62: {  	_ =	shalt  }
0x63: {  	_ =	shalt  }
0x64: {  	_ =	shalt  }
0x65: {  	_ =	shalt  }
0x66: {  	_ =	shalt  }
0x67: {  	_ =	shalt  }
0x68: {  	_ =	shalt  }
0x69: {  	_ =	shalt  }
0x6a: {  	_ =	shalt  }
0x6b: {  	_ =	shalt  }
0x6c: {  	_ =	shalt  }
0x6d: {  	_ =	shalt  }
0x6e: {  	_ =	shalt  }
0x6f: {  	_ =	shalt  }
0x70: {  	_ =	shalt  }
0x71: {  	_ =	shalt  }
0x72: {  	_ =	shalt  }
0x73: {  	_ =	shalt  }
0x74: {  	_ =	shalt  }
0x75: {  	_ =	shalt  }
0x76: {  	_ =	shalt  }
0x77: {  	_ =	shalt  }
0x78: {  	_ =	shalt  }
0x79: {  	_ =	shalt  }
0x7a: {  	_ =	shalt  }
0x7b: {  	_ =	shalt  }
0x7c: {  	_ =	shalt  }
0x7d: {  	_ =	shalt  }
0x7e: {  	_ =	shalt  }
0x7f: {  	_ =	shalt  }
0x80: {  	_ =	shalt  }
0x81: {  	_ =	shalt  }
0x82: {  	_ =	shalt  }
0x83: {  	_ =	shalt  }
0x84: {  	_ =	shalt  }
0x85: {  	_ =	shalt  }
0x86: {  	_ =	shalt  }
0x87: {  	_ =	shalt  }
.Lfunc_end0:
.L_simem_size_0:
called_computation.1_lowered:
.L_overlay_start_0:
0x88: {  	s2 =	sld [smem:$0x3FD9]  }
0x89: {  	s3 =	sld [smem:$0x3FFE];
	_ =	sdelay $0x1  }
0x8a: {  	s1 =	srdreg.scid  }
0x8b: {  	s0 =	sand.u32 $0x1, s1  }
0x8c: {  	s17 =	sshll.u32 s0, $0xA;
	s2 =	sadd.s32 s3, s2  }
0x8d: {  	s2 =	sadd.s32 s2, s17  }
0x8e: {  	[smem:$0x3FC2] =	sst s2  }
0x8f: {  	_ = 	snop  }
0x90: {  	s2 =	sld [smem:$0x3FD0];
	(tm) =	ssettm $0x1  }
0x91: {  	s18 =	sld [smem:$0x3FFB];
	_ =	sdelay $0x3  }
0x92: {  	_ =	strace s18  }
0x93: {  	s3 =	sld [smem:$0x3FFC];
	_ =	sdelay $0x3  }
0x94: {  	_ =	strace s3  }
0x95: {  	s3 =	sld [smem:$0x3FFD];
	_ =	sdelay $0x3  }
0x96: {  	_ =	strace s3  }
0x97: {  	_ =	strace $0x8FFFFFFF  }
0x98: {  	s19 =	sld [smem:$0x3FDB];
	_ =	sdelay $0x1  }
0x99: {  	s4 =	simm.s32 $_scs_section_size  }
0x9a: {  	s5 =	simm.s32 $_size__tile_overlayer_lowered;
	s6 =	simm.s32 $_tile_overlayer_lowered  }
0x9b: {  	s22 =	simm.s32 $0x1BFF;
	s21 =	sshll.u32 s6, $0x1;
	s3 =	sadd.s32 s4, s19  }
0x9c: {  	s7 =	simm.s32 $0x0;
	s20 =	sshll.u32 s5, $0x1;
	s5 =	sadd.s32 s21, s3  }
0x9d: {  	[timem:s7], [sflag:s22] =	dma.local [hbm:s5], s20  }
0x9e: {  	_ =	swait.ge [sflag:s22], s20  }
0x9f: {  	s4 =	ssub.s32 $0x0, s20;
	[sflag:s22] =	ssyncset.done $0x0  }
0xa0: {  	[sflag:s22] =	ssyncadd.s32 s4;
	_ =	sdelay $0x1  }
0xa1: {  	s23 =	simm.s32 $0x1B8B  }
0xa2: {  	_ =	swait.ge [sflag:s23], $0x1  }
0xa3: {  	[sflag:s23] =	ssyncset.done $0x0  }
0xa4: {  	s25 =	simm.s32 $0x1B8E;
	s24 =	sld [smem:$0x3FFE];
	[sflag:s23] =	ssyncadd.s32 $0xFFFFFFFF  }
0xa5: {  	s26 =	simm.s32 $execute0_lowered;
	[smem:$0x3FD2] =	sst s25  }
0xa6: {  	s5 =	sshll.u32 s26, $0x1;
	_ =	strace $0x80000049;
	[dreg:$0x1] =	wrdreg $0xFFFFFFFF  }
0xa7: {  	s28 =	simm.s32 $_size_execute0_lowered;
	s3 =	sadd.s32 s3, s5;
	[dreg:$0x0] =	wrdreg $0x0  }
0xa8: {  	s5 =	sshll.u32 s28, $0x1;
	[dreg:$0x2] =	wrdreg s3  }
0xa9: {  	[dreg:$0x3] =	wrdreg s5  }
0xaa: {  	[dreg:$0x4] =	wrdreg $0xC0  }
0xab: {  	_ =	task [dreg:s7], $0x5FFFF  }
0xac: {  	[dreg:$0x1] =	wrdreg $0xFFFFFFFF  }
0xad: {  	[dreg:$0x0] =	wrdreg $0x60  }
0xae: {  	[dreg:$0x2] =	wrdreg s2  }
0xaf: {  	[dreg:$0x3] =	wrdreg s24  }
0xb0: {  	[dreg:$0x4] =	wrdreg $0xB0000  }
0xb1: {  	[dreg:$0x5] =	wrdreg $0x9  }
0xb2: {  	_ =	task.clear_ibuf [dreg:s7], $0x6FFFF;
	_ =	strace $0x90000049  }
0xb3: {  	s29 =	simm.s32 $0x9;
	_ =	strace $0x8000004B  }
0xb4: {  	_ =	swait.ge [sflag:s29], $0x1  }
0xb5: {  	[sflag:s29] =	ssyncadd.s32 $0xFFFFFFFF  }
0xb6: {  	_ =	strace $0x9000004B  }
0xb7: {  	_ =	sfence  }
0xb8: {  	s30 =	sld [smem:$0x0];
	_ =	sdelay $0x2  }
0xb9: {  	s31 =	sshll.u32 s1, $0xD;
	s1 =	sshrl.u32 s1, $0x2  }
0xba: {  	s3 =	sand.u32 $0x4000, s31;
	s1 =	sadd.s32 s1, s30  }
0xbb: {  	s0 =	sor.u32 s3, s0;
	s1 =	sshll.u32 s1, $0x11  }
0xbc: {  	s0 =	sor.u32 s1, s0  }
0xbd: {  	s0 =	sadd.s32 $0x8F2B, s0  }
0xbe: {  	[sflag:s0] =	ssyncadd.remote.s32 $0x1  }
0xbf: {  	_ =	sfence.sel $0xFFFF  }
0xc0: {  	[dreg:$0x0] =	wrdreg $0xFFFFFFFF;
	(pc) =	sbr.abs _section_cstart, $3  }
0xc1: {  	[dreg:$0x1] =	wrdreg $0xFFFFFFFF  }
0xc2: {  	_ =	task.clear_ibuf [dreg:s7], $0x2FFFF;
	_ =	strace $0x9FFFFFFF  }
0xc3: {  	(tm) =	ssettm $0x7FFFFFFF  }
tec
execute0_lowered:
.L_overlay_start_1:
0x0: {  	(tag) =	ssettag $0x1  }
0x1: {  	s1 =	rddreg [dreg:$0x0]  }
0x2: {  	s0 =	rddreg [dreg:$0x1]  }
0x3: {  	s3 =	rddreg [dreg:$0x2]  }
0x4: {  	s5 =	srdreg.scid;
	s2 =	stileid.u32  }
0x5: {  	s4 =	simm.s32 $0x0;
	s18 =	simm.s32 $0xA;
	s20 =	simm.s32 $0x50  }
0x6: {  	s28 =	simm.s32 $0x6;
	s29 =	simm.s32 $0x7;
	s30 =	simm.s32 $0x8  }
0x7: {  	s31 =	simm.s32 $0x0;
	s12 =	sand.u32 $0x1, s5;
	s24 =	sshll.u32 s2, $0x1  }
0x8: {  	[smem:$0x7FF] =	sst s4;
	s5 =	sadd.s32 $0x1B800, s0;
	s7 =	sadd.s32 $0x34800, s0  }
0x9: {  	p4 =	sne.s32 s2, $0xF;
	p0 =	seq.s32 s2, $0xF;
	s14 =	smul.u32 $0x50000, s2  }
0xa: {  	s11 =	sadd.s32 $0x12C000, s3;
	s8 =	smul.u32 $0x27100, s12;
	s6 =	sor.u32 s12, s24  }
0xb: {  	_ =	strace $0x8000004A;
	s9 =	ssub.s32 $0x2, s12;
	p1 =	seq.s32 s12, $0x0  }
0xc: {  	s13 =	smul.u32 $0x6400, s6;
	s6 =	sadd.s32 $0x2800, s0;
	s25 =	sshrl.u32 s9, $0x1  }
0xd: {  	p2 =	por !p4, !p1;
	p3 =	por !p0, !p1;
	s14 =	sshrl.u32 s14, $0x2  }
0xe: {  	s0 =	sadd.s32 s8, s0;
	s17 =	ssub.s32 s9, s25;
	p1 =	por !p2, !p2  }
0xf: {  	p2 =	por !p3, !p3;
	p3 =	seq.s32 s12, $0x1;
	s10 =	sshrl.u32 s13, $0x3  }
0x10: {  	s8 =	sadd.s32 s5, s10;
	s9 =	sadd.s32 s6, s10;
	s10 =	simm.s32 @!p2 $0x0  }
.Ltmp0:
0x11: {  	s12 =	sadd.s32 s14, s3;
	s10 =	simm.s32 @p2 $0x1;
	(pc) =	sbr.rel .LBB2_1-.Ltmp0, $4  }
0x12: {  	s25 =	simm.s32 $0x6000;
	[smem:$0x7FD] =	sst s10;
	s10 =	smul.u32 $0x2800, s2  }
0x13: {  	p4 =	por !p4, !p3;
	s15 =	sadd.s32 $0x400, s13;
	s16 =	sadd.s32 $0x5BA00, s0  }
0x14: {  	s17 =	smax.u32 s17, $0x1;
	p4 =	por !p4, !p4;
	s26 =	sadd.s32 s1, s10  }
0x15: {  	s14 =	sadd.s32 s7, s10;
	[dreg:$0x4] =	wrdreg s26;
	s26 =	simm.s32 $0x5  }
.LBB2_16:
0x16: {  	_ =	swait.ge [sflag:s26], $0x2800  }
0x17: {  	[sflag:s26] =	ssyncset.done $0x0  }
0x18: {  	[sflag:s26] =	ssyncadd.s32 $0xFFFFD800  }
0x19: {  	_ =	swait.ge [sflag:s28], $0x2800  }
0x1a: {  	[sflag:s28] =	ssyncset.done $0x0  }
0x1b: {  	[sflag:s28] =	ssyncadd.s32 $0xFFFFD800  }
0x1c: {  	_ =	swait.ge [sflag:s29], $0x2800  }
0x1d: {  	[sflag:s29] =	ssyncset.done $0x0  }
0x1e: {  	[sflag:s29] =	ssyncadd.s32 $0xFFFFD800  }
0x1f: {  	_ =	swait.ge [sflag:s30], $0x2800  }
0x20: {  	[sflag:s30] =	ssyncset.done $0x0  }
0x21: {  	s0 =	sshll.u32 @!p0 s2, $0x6;
	s13 =	sadd.s32 @!p0 s10, s16;
	[sflag:s30] =	ssyncadd.s32 $0xFFFFD800  }
0x22: {  	s19 =	sshrl.u32 @!p0 s12, $0x3;
	s0 =	sor.u32 @!p0 $0x1C0A, s0;
	[bflag:$0x0] =	sbarrier.arrive $0xFFFF  }
0x23: {  	[hbm:s13], [sflag:s0] =	dma.local @!p0 [spmem:s19], $0x2800  }
0x24: {  	s0 =	simm.s32 @!p0 $0xA  }
0x25: {  	_ =	swait.ge @!p0 [sflag:s0], $0x2800  }
0x26: {  	s31 =	sadd.s32 $0x1, s31;
	[sflag:s0] =	ssyncset.done @!p0 $0x0  }
0x27: {  	p2 =	sne.s32 s31, s17;
	[sflag:s0] =	ssyncadd.s32 @!p0 $0xFFFFD800;
	s0 =	sshll.u32 @p5 s2, $0x6  }
0x28: {  	s13 =	sadd.s32 @p5 $0x25800, s16;
	s19 =	sshrl.u32 @p5 s11, $0x3;
	s0 =	sor.u32 @p5 $0x1C0A, s0  }
0x29: {  	[hbm:s13], [sflag:s0] =	dma.local @p5 [spmem:s19], $0x1900  }
.Ltmp1:
0x2a: {  	_ = 	snop;
	(pc) =	sbr.rel @!p2 .LBB2_17-.Ltmp1, $4  }
0x2b: {  	s0 =	simm.s32 @p5 $0xA  }
0x2c: {  	_ =	swait.ge @p5 [sflag:s0], $0x1900  }
0x2d: {  	[sflag:s0] =	ssyncset.done @p5 $0x0  }
0x2e: {  	[sflag:s0] =	ssyncadd.s32 @p5 $0xFFFFE700  }
.LBB2_1:
0x2f: {  	[tilespmem:s4], [sflag:$0xA] =	stream.linear.gather [hbm4b:s8+s4], $0x280, $0x38;
	[tilespmem:$0x1E880] =	vst v63  }
0x30: {  	_ =	swait.ge [sflag:s18], $0x280  }
0x31: {  	[sflag:s18] =	ssyncset.done $0x0  }
0x32: {  	s0 =	simm.s32 $0x800;
	[sflag:s18] =	ssyncadd.s32 $0xFFFFFD80  }
0x33: {  	[tilespmem:s0], [sflag:$0xA] =	stream.linear.gather [hbm4b:s9+s4], $0x280, $0x38;
	[tilespmem:$0x1E880] =	vst v63  }
0x34: {  	_ =	swait.ge [sflag:s18], $0x280  }
0x35: {  	[sflag:s18] =	ssyncset.done $0x0  }
0x36: {  	s22 =	simm.s32 $0x1000;
	[sflag:s18] =	ssyncadd.s32 $0xFFFFFD80  }
0x37: {  	[tilespmem:s22], [sflag:$0x1] =	stream.indirect.gather [hbm4b:s1+s20], $0x80, s4, s20, $0xb8;
	[tilespmem:$0x1E880] =	vst v63  }
.Ltmp2:
0x38: {  	_ = 	snop;
	(pc) =	sbr.rel @!p1 .LBB2_4-.Ltmp2, $4  }
0x39: {  	s23 =	simm.s32 $0x80;
	s13 =	simm.s32 $0x3800  }
0x3a: {  	[tilespmem:s13], [sflag:$0x2] =	stream.indirect.gather [hbm4b:s1+s20], $0x80, s23, s20, $0xb8;
	[tilespmem:$0x1E880] =	vst v63  }
0x3b: {  	s24 =	simm.s32 $0x100  }
0x3c: {  	[tilespmem:s25], [sflag:$0x3] =	stream.indirect.gather [hbm4b:s1+s20], $0x80, s24, s20, $0xb8;
	[tilespmem:$0x1E880] =	vst v63  }
0x3d: {  	s0 =	sshll.u32 s2, $0x6;
	s13 =	sshrl.u32 s12, $0x3  }
.Ltmp3:
0x3e: {  	s19 =	rddreg [dreg:$0x4];
	s0 =	sor.u32 $0x1C0A, s0;
	(pc) =	sbr.rel .LBB2_3-.Ltmp3, $4  }
0x3f: {  	[spmem:s13], [sflag:s0] =	dma.local [hbm:s19], $0x2800  }
0x40: {  	_ =	swait.ge [sflag:s18], $0x2800  }
0x41: {  	[sflag:s18] =	ssyncset.done $0x0  }
0x42: {  	p5 =	por $0x0, $0x0;
	[sflag:s18] =	ssyncadd.s32 $0xFFFFD800  }
.LBB2_4:
0x43: {  	s0 =	sld [smem:$0x7FD];
	_ =	sdelay $0x2  }
0x44: {  	p2 =	seq.s32 s0, $0x1  }
.Ltmp4:
0x45: {  	_ = 	snop;
	(pc) =	sbr.rel @!p2 .LBB2_3-.Ltmp4, $2  }
0x46: {  	_ =	sdelay $0x2  }
0x47: {  	p5 =	por p0, p0  }
.Ltmp5:
0x48: {  	(pc) =	sbr.rel .LBB2_6-.Ltmp5, $2  }
0x49: {  	_ =	sdelay $0x2  }
0x4a: {  	p5 =	por $0x1, $0x1;
	s13 =	simm.s32 $0xF;
	s0 =	smov.u32 s1  }
.LBB2_3:
0x4b: {  	s0 =	sshll.u32 @p4 s2, $0x6;
	p6 =	por @p4 $0x1, $0x1  }
0x4c: {  	s13 =	sshrl.u32 @p4 s12, $0x3;
	s0 =	sor.u32 @p4 $0x1C0A, s0;
	p6 =	por @!p4 p3, p3  }
0x4d: {  	[spmem:s13], [sflag:s0] =	dma.local @p4 [hbm:s14], $0x2800  }
0x4e: {  	p6 =	por !p6, !p5  }
0x4f: {  	p6 =	por !p6, !p6  }
.Ltmp6:
0x50: {  	_ = 	snop;
	(pc) =	sbr.rel @!p6 .LBB2_7-.Ltmp6, $4  }
0x51: {  	s0 =	simm.s32 @p4 $0xA  }
0x52: {  	_ =	swait.ge @p4 [sflag:s0], $0x2800  }
0x53: {  	[sflag:s0] =	ssyncset.done @p4 $0x0  }
0x54: {  	s13 =	stileid.u32;
	[sflag:s0] =	ssyncadd.s32 @p4 $0xFFFFD800;
	s0 =	smov.u32 s7  }
.LBB2_6:
0x55: {  	s13 =	sshll.u32 s13, $0x6  }
0x56: {  	s0 =	sadd.s32 $0x25800, s0;
	s19 =	sshrl.u32 s11, $0x3;
	s13 =	sor.u32 $0x1C0A, s13  }
0x57: {  	[spmem:s19], [sflag:s13] =	dma.local [hbm:s0], $0x1900  }
0x58: {  	_ =	swait.ge [sflag:s18], $0x1900  }
0x59: {  	[sflag:s18] =	ssyncset.done $0x0  }
0x5a: {  	[sflag:s18] =	ssyncadd.s32 $0xFFFFE700  }
.LBB2_7:
.Ltmp7:
0x5b: {  	(pc) =	sbr.rel .LBB2_8-.Ltmp7, $3  }
0x5c: {  	_ =	sdelay $0x1  }
0x5d: {  	[bflag:$0x0] =	sbarrier.arrive $0xFFFF  }
0x5e: {  	s0 =	simm.s32 $0xFFFFFFFF  }
.LBB2_12:
0x5f: {  	s21 =	sadd.s32 $0x5, s0  }
0x60: {  	_ =	swait.ge [sflag:s21], $0x2800  }
0x61: {  	[sflag:s21] =	ssyncset.done $0x0  }
0x62: {  	[sflag:s21] =	ssyncadd.s32 $0xFFFFD800  }
.LBB2_14:
0x63: {  	s21 =	smul.u32 $0xCD, s19;
	_ =	sdelay $0x1  }
0x64: {  	s21 =	sshrl.u32 s21, $0xA  }
0x65: {  	s21 =	sand.u32 $0x3F, s21  }
0x66: {  	s22 =	smul.u32 $0x5, s21;
	_ =	sdelay $0x1  }
0x67: {  	s23 =	smul.u32 $0xA000, s0;
	s22 =	ssub.s32 s19, s22  }
0x68: {  	s21 =	sshll.u32 s21, $0xA;
	s19 =	sand.u32 $0xFF, s22  }
0x69: {  	s21 =	sand.u32 $0x400, s21;
	s22 =	sshrl.u32 s23, $0x2;
	s19 =	sshll.u32 s19, $0x7  }
0x6a: {  	s24 =	sadd.s32 $0x1, s0;
	s22 =	sadd.s32 $0x1000, s22;
	s19 =	sadd.s32 s19, s21  }
0x6b: {  	[tilespmem:s22], [sflag:s24] =	stream.indirect.gather [hbm4b:s1+s20], $0x80, s19, s20, $0xb8;
	[tilespmem:$0x1E880] =	vst v63  }
.LBB2_15:
0x6c: {  	p2 =	sne.s32 s13, $0x7C  }
.Ltmp8:
0x6d: {  	_ = 	snop;
	(pc) =	sbr.rel @!p2 .LBB2_16-.Ltmp8, $2  }
0x6e: {  	_ =	sdelay $0x2  }
0x6f: {  	s0 =	smov.u32 s13  }
.LBB2_8:
0x70: {  	s13 =	sadd.s32 $0x1, s0  }
0x71: {  	s19 =	smul.u32 $0xCD, s13;
	_ =	sdelay $0x1  }
0x72: {  	s19 =	sshrl.u32 s19, $0xA  }
0x73: {  	s22 =	sand.u32 $0x3F, s19  }
0x74: {  	s21 =	smul.u32 $0x5, s22;
	_ =	sdelay $0x1  }
0x75: {  	p6 =	sgt.u32 s13, $0x77;
	s21 =	ssub.s32 s13, s21  }
0x76: {  	s23 =	sand.u32 @!p6 $0xFF, s21  }
0x77: {  	p2 =	sne.s32 @!p6 s23, $0x1  }
0x78: {  	p2 =	por p6, p2  }
.Ltmp9:
0x79: {  	_ = 	snop;
	(pc) =	sbr.rel @p2 .LBB2_10-.Ltmp9, $3  }
0x7a: {  	_ =	sdelay $0x1  }
0x7b: {  	s19 =	sand.u32 $0x1, s19  }
0x7c: {  	s19 =	sshll.u32 s19, $0xA  }
0x7d: {  	s22 =	sshll.u32 s22, $0xA  }
0x7e: {  	s22 =	sadd.s32 s22, s15  }
.Ltmp10:
0x7f: {  	s22 =	sshrl.u32 s22, $0x3;
	(pc) =	sbr.rel .LBB2_11-.Ltmp10, $4  }
0x80: {  	s23 =	sxor.u32 $0x400, s19;
	s24 =	sadd.s32 s5, s22  }
0x81: {  	[tilespmem:s23], [sflag:$0x9] =	stream.linear.gather [hbm4b:s24+s4], $0x280, $0x38;
	[tilespmem:$0x1E880] =	vst v63  }
0x82: {  	s22 =	sadd.s32 s6, s22;
	s24 =	sxor.u32 $0xC00, s19  }
0x83: {  	[tilespmem:s24], [sflag:$0x9] =	stream.linear.gather [hbm4b:s22+s4], $0x280, $0x38;
	[tilespmem:$0x1E880] =	vst v63  }
.LBB2_10:
0x84: {  	p2 =	sne.s32 @!p6 s23, $0x2  }
0x85: {  	p2 =	por p2, p6  }
0x86: {  	s22 =	simm.s32 @!p2 $0x9  }
0x87: {  	_ =	swait.ge @!p2 [sflag:s22], $0x280  }
0x88: {  	[sflag:s22] =	ssyncset.done @!p2 $0x0  }
0x89: {  	[sflag:s22] =	ssyncadd.s32 @!p2 $0xFFFFFD80  }
0x8a: {  	_ =	swait.ge @!p2 [sflag:s22], $0x280  }
0x8b: {  	[sflag:s22] =	ssyncset.done @!p2 $0x0  }
0x8c: {  	[sflag:s22] =	ssyncadd.s32 @!p2 $0xFFFFFD80  }
.LBB2_11:
0x8d: {  	s22 =	sand.u32 $0x3, s13  }
0x8e: {  	s21 =	sand.u32 $0xFF, s21;
	s23 =	smul.u32 $0xA000, s22  }
0x8f: {  	p2 =	sgt.u32 s0, $0x78;
	s24 =	sadd.s32 $0x1, s22;
	s21 =	sshll.u32 s21, $0x7  }
0x90: {  	_ =	swait.ge [sflag:s24], $0x2800;
	s19 =	sadd.s32 s21, s19;
	s23 =	sshrl.u32 s23, $0x2  }
.Ltmp11:
0x91: {  	[sflag:s24] =	ssyncset.done $0x0;
	s19 =	sadd.s32 $0x800, s19;
	(pc) =	sbr.rel @!p2 .LBB2_12-.Ltmp11, $4  }
0x92: {  	s23 =	sadd.s32 $0x1000, s23;
	[sflag:s24] =	ssyncadd.s32 $0xFFFFD800;
	s24 =	sadd.s32 $0x5, s22  }
0x93: {  	[spmem:s3] =	stream.indirect.scatter.add.f32 [tilespmem:s23], [sflag:s24], $0x80, s19, s20, $0xb8;
	[tilespmem:$0x1E880] =	vst v63  }
0x94: {  	s19 =	sadd.s32 $0x4, s0  }
0x95: {  	s0 =	sand.u32 $0x3, s19  }
0x96: {  	p2 =	sgt.u32 s13, $0x79  }
.Ltmp12:
0x97: {  	_ = 	snop;
	(pc) =	sbr.rel @p2 .LBB2_15-.Ltmp12, $4  }
.Ltmp13:
0x98: {  	_ = 	snop;
	(pc) =	sbr.rel @!p2 .LBB2_14-.Ltmp13, $4  }
0x99: {  	_ = 	snop  }
0x9a: {  	_ = 	snop  }
0x9b: {  	_ = 	snop  }
0x9c: {  	_ = 	snop  }
.LBB2_17:
0x9d: {  	_ =	sfence.sel $0x180000  }
0x9e: {  	[bflag:$0x0] =	sbarrier.arrive $0xFFFF  }
0x9f: {  	_ =	strace $0x9000004A  }
0xa0: {  	[bflag:$0x2] =	sbarrier.arrive $0xFFFF  }
0xa1: {  	p0 =	sne.s32 s2, $0x0;
	s0 =	rddreg [dreg:$0x3]  }
0xa2: {  	s0 =	sadd.s32 @!p0 $0x100000, s0  }
0xa3: {  	[sflag:s0] =	ssyncadd.tile.s32 @!p0 $0x1;
	_ =	shalt  }
.Lfunc_end2:
_tile_overlayer_lowered:
.L_overlay_start_2:
0xa4: {  	(tag) =	ssettag $0x2  }
0xa5: {  	s0 =	rddreg [dreg:$0x0];
	s2 =	stileid.u32  }
0xa6: {  	s1 =	rddreg [dreg:$0x1];
	p0 =	sne.s32 s2, $0x0  }
0xa7: {  	s3 =	rddreg [dreg:$0x2];
	[bflag:$0x3] =	sbarrier.arrive $0xFFFF;
	s2 =	simm.s32 @!p0 $0x1C0A  }
0xa8: {  	[timem:s3], [sflag:s2] =	dma.local @!p0 [hbm:s0], s1  }
0xa9: {  	s0 =	simm.s32 @!p0 $0xA  }
0xaa: {  	_ =	swait.ge @!p0 [sflag:s0], s1  }
0xab: {  	s1 =	ssub.s32 @!p0 $0x0, s1;
	[sflag:s0] =	ssyncset.done @!p0 $0x0  }
0xac: {  	[sflag:s0] =	ssyncadd.s32 @!p0 s1  }
0xad: {  	[bflag:$0x3] =	sbarrier.arrive $0xFFFF  }
0xae: {  	_ =	shalt  }

// kernel: kernel.14.cloned.1.call-start
scs
__scs_entry_jumppad:
0x0: {  	(pc) =	sbr.rel $0x88, $3  }
0x1: {  	(tag) =	ssettag $0x0;
	lr =	simm.s32 $0x1  }
0x2: {  	[smem:$0x3F9B] =	sst lr;
	_ =	strace $0xD0000000  }
0x3: {  	_ = 	snop  }
0x4: {  	_ = 	snop  }
0x5: {  	_ = 	snop  }
0x6: {  	_ = 	snop  }
0x7: {  	_ = 	snop  }
__scs_overlays_trampoline_lowered:
0x8: {  	[smem:$0x3FAA] =	sst s0  }
0x9: {  	[smem:$0x3FAB] =	sst s1  }
0xa: {  	[smem:$0x3FAC] =	sst s2  }
0xb: {  	[smem:$0x3FAD] =	sst s3  }
0xc: {  	[smem:$0x3FAE] =	sst s4  }
0xd: {  	[smem:$0x3FAF] =	sst s5  }
0xe: {  	[smem:$0x3FB0] =	sst s6  }
0xf: {  	[smem:$0x3FB1] =	sst s7  }
0x10: {  	[smem:$0x3FB2] =	sst s8  }
0x11: {  	[smem:$0x3FB3] =	sst s9;
	s0 =	simm.s32 @!p0 $0x0  }
0x12: {  	s1 =	sld [smem:$0x3F99];
	s0 =	simm.s32 @p0 $0x1  }
0x13: {  	[smem:$0x3FB4] =	sst s0;
	s0 =	simm.s32 @!p1 $0x0  }
0x14: {  	s2 =	sld [smem:$0x3F98];
	s0 =	simm.s32 @p1 $0x1  }
0x15: {  	[smem:$0x3FB5] =	sst s0;
	s0 =	simm.s32 @!p2 $0x0  }
0x16: {  	s3 =	sld [smem:$0x3FDB];
	s0 =	simm.s32 @p2 $0x1  }
0x17: {  	s4 =	simm.s32 $0x1BF5;
	[smem:$0x3FB7] =	sst s0  }
0x18: {  	s0 =	sld [smem:$0x3F9A];
	_ =	swait.ge [sflag:s4], $0x0  }
0x19: {  	s7 =	sld [smem:$0x3F9B]  }
0x1a: {  	s8 =	sadd.s32 $0xFFFFE003, lr  }
0x1b: {  	s9 =	sadd.s32 $0xFFFFFEF7, lr;
	s5 =	simm.s32 $0xFFFFFFFF;
	p2 =	slt.u32 s8, $0xFFFFF086  }
0x1c: {  	p1 =	slt.u32 s9, $0xF7A;
	s5 =	simm.s32 @!p2 $0x0  }
0x1d: {  	s5 =	simm.s32 @p1 $0x1;
	p0 =	seq.s32 s7, s2  }
0x1e: {  	s7 =	smul.u32 @!p0 $0xF7A, s2;
	p2 =	seq.s32 @!p0 s5, $0x0  }
0x1f: {  	s9 =	smul.u32 $0xF7A, s1;
	s8 =	simm.s32 @!p0 $0x1BF5;
	p2 =	por !p2, p0  }
0x20: {  	[sflag:s8] =	ssyncset.s32 @!p0 $0xFFFFF086;
	s6 =	sadd.s32 @!p0 s3, s7;
	s7 =	simm.s32 @!p0 $0x108  }
0x21: {  	s3 =	sadd.s32 s3, s9;
	s6 =	sadd.s32 @!p0 $0x88, s6;
	s7 =	simm.s32 @p2 $0x1082  }
0x22: {  	[simem:s7], [sflag:s8] =	dma.local @!p0 [hbm:s6], $0xF7A  }
0x23: {  	s9 =	sor.u32 $0xD0000000, s2;
	s6 =	simm.s32 $0x108;
	_ =	swait.ge @!p0 [sflag:s8], $0x0  }
0x24: {  	s3 =	sadd.s32 $0x88, s3;
	s6 =	simm.s32 @!p1 $0x1082;
	[sflag:s4] =	ssyncset.s32 $0xFFFFF086  }
0x25: {  	[simem:s6], [sflag:s4] =	dma.local [hbm:s3], $0xF7A  }
0x26: {  	[smem:$0x3F9B] =	sst s1;
	(tag) =	ssettag s2;
	_ =	strace s9  }
0x27: {  	s1 =	sld [smem:$0x3FAB]  }
0x28: {  	s2 =	sld [smem:$0x3FAC]  }
0x29: {  	s4 =	sld [smem:$0x3FAE]  }
0x2a: {  	p0 =	seq.s32 s5, $0x0;
	s5 =	sld [smem:$0x3FAF]  }
0x2b: {  	s6 =	sld [smem:$0x3FB0]  }
0x2c: {  	s7 =	sld [smem:$0x3FB1]  }
0x2d: {  	s3 =	simm.s32 $0x108;
	s8 =	sld [smem:$0x3FB2]  }
0x2e: {  	s3 =	simm.s32 @!p0 $0x1082;
	s9 =	sld [smem:$0x3FB3]  }
0x2f: {  	lr =	sadd.s32 s0, s3;
	s0 =	sld [smem:$0x3FAA]  }
0x30: {  	s3 =	sld [smem:$0x3FAD]  }
0x31: {  	[smem:$0x3FB6] =	sst s10  }
0x32: {  	s10 =	sld [smem:$0x3FB4];
	_ =	sdelay $0x3  }
0x33: {  	p0 =	seq.s32 s10, $0x1;
	s10 =	sld [smem:$0x3FB6];
	_ =	sdelay $0x3  }
0x34: {  	[smem:$0x3FB6] =	sst s10  }
0x35: {  	s10 =	sld [smem:$0x3FB5];
	_ =	sdelay $0x3  }
0x36: {  	p1 =	seq.s32 s10, $0x1;
	s10 =	sld [smem:$0x3FB6];
	_ =	sdelay $0x3  }
0x37: {  	[smem:$0x3FB6] =	sst s10  }
0x38: {  	s10 =	sld [smem:$0x3FB7]  }
0x39: {  	_ = 	snop;
	(pc) =	sbr.ind lr, $3  }
0x3a: {  	_ = 	snop  }
0x3b: {  	_ = 	snop  }
0x3c: {  	p2 =	seq.s32 s10, $0x1;
	s10 =	sld [smem:$0x3FB6]  }
0x3d: {  	_ =	shalt  }
0x3e: {  	_ =	shalt  }
0x3f: {  	_ =	shalt  }
0x40: {  	_ =	shalt  }
0x41: {  	_ =	shalt  }
0x42: {  	_ =	shalt  }
0x43: {  	_ =	shalt  }
0x44: {  	_ =	shalt  }
0x45: {  	_ =	shalt  }
0x46: {  	_ =	shalt  }
0x47: {  	_ =	shalt  }
0x48: {  	_ =	shalt  }
0x49: {  	_ =	shalt  }
0x4a: {  	_ =	shalt  }
0x4b: {  	_ =	shalt  }
0x4c: {  	_ =	shalt  }
0x4d: {  	_ =	shalt  }
0x4e: {  	_ =	shalt  }
0x4f: {  	_ =	shalt  }
0x50: {  	_ =	shalt  }
0x51: {  	_ =	shalt  }
0x52: {  	_ =	shalt  }
0x53: {  	_ =	shalt  }
0x54: {  	_ =	shalt  }
0x55: {  	_ =	shalt  }
0x56: {  	_ =	shalt  }
0x57: {  	_ =	shalt  }
0x58: {  	_ =	shalt  }
0x59: {  	_ =	shalt  }
0x5a: {  	_ =	shalt  }
0x5b: {  	_ =	shalt  }
0x5c: {  	_ =	shalt  }
0x5d: {  	_ =	shalt  }
0x5e: {  	_ =	shalt  }
0x5f: {  	_ =	shalt  }
0x60: {  	_ =	shalt  }
0x61: {  	_ =	shalt  }
0x62: {  	_ =	shalt  }
0x63: {  	_ =	shalt  }
0x64: {  	_ =	shalt  }
0x65: {  	_ =	shalt  }
0x66: {  	_ =	shalt  }
0x67: {  	_ =	shalt  }
0x68: {  	_ =	shalt  }
0x69: {  	_ =	shalt  }
0x6a: {  	_ =	shalt  }
0x6b: {  	_ =	shalt  }
0x6c: {  	_ =	shalt  }
0x6d: {  	_ =	shalt  }
0x6e: {  	_ =	shalt  }
0x6f: {  	_ =	shalt  }
0x70: {  	_ =	shalt  }
0x71: {  	_ =	shalt  }
0x72: {  	_ =	shalt  }
0x73: {  	_ =	shalt  }
0x74: {  	_ =	shalt  }
0x75: {  	_ =	shalt  }
0x76: {  	_ =	shalt  }
0x77: {  	_ =	shalt  }
0x78: {  	_ =	shalt  }
0x79: {  	_ =	shalt  }
0x7a: {  	_ =	shalt  }
0x7b: {  	_ =	shalt  }
0x7c: {  	_ =	shalt  }
0x7d: {  	_ =	shalt  }
0x7e: {  	_ =	shalt  }
0x7f: {  	_ =	shalt  }
0x80: {  	_ =	shalt  }
0x81: {  	_ =	shalt  }
0x82: {  	_ =	shalt  }
0x83: {  	_ =	shalt  }
0x84: {  	_ =	shalt  }
0x85: {  	_ =	shalt  }
0x86: {  	_ =	shalt  }
0x87: {  	_ =	shalt  }
.Lfunc_end0:
.L_simem_size_0:
called_computation.2_lowered:
.L_overlay_start_0:
0x88: {  	s2 =	sld [smem:$0x3FD9]  }
0x89: {  	s3 =	sld [smem:$0x3FFE];
	_ =	sdelay $0x1  }
0x8a: {  	s1 =	srdreg.scid  }
0x8b: {  	s0 =	sand.u32 $0x1, s1  }
0x8c: {  	s17 =	sshll.u32 s0, $0xA;
	s2 =	sadd.s32 s3, s2  }
0x8d: {  	s2 =	sadd.s32 s2, s17  }
0x8e: {  	[smem:$0x3FC2] =	sst s2  }
0x8f: {  	_ = 	snop  }
0x90: {  	s2 =	sld [smem:$0x3FD0];
	(tm) =	ssettm $0x1  }
0x91: {  	s18 =	sld [smem:$0x3FFB];
	_ =	sdelay $0x3  }
0x92: {  	_ =	strace s18  }
0x93: {  	s3 =	sld [smem:$0x3FFC];
	_ =	sdelay $0x3  }
0x94: {  	_ =	strace s3  }
0x95: {  	s3 =	sld [smem:$0x3FFD];
	_ =	sdelay $0x3  }
0x96: {  	_ =	strace s3  }
0x97: {  	_ =	strace $0x8FFFFFFF  }
0x98: {  	s19 =	sld [smem:$0x3FDB];
	_ =	sdelay $0x1  }
0x99: {  	s4 =	simm.s32 $_scs_section_size  }
0x9a: {  	s5 =	simm.s32 $_size__tile_overlayer_lowered;
	s6 =	simm.s32 $_tile_overlayer_lowered  }
0x9b: {  	s22 =	simm.s32 $0x1BFF;
	s21 =	sshll.u32 s6, $0x1;
	s3 =	sadd.s32 s4, s19  }
0x9c: {  	s7 =	simm.s32 $0x0;
	s20 =	sshll.u32 s5, $0x1;
	s5 =	sadd.s32 s21, s3  }
0x9d: {  	[timem:s7], [sflag:s22] =	dma.local [hbm:s5], s20  }
0x9e: {  	_ =	swait.ge [sflag:s22], s20  }
0x9f: {  	s4 =	ssub.s32 $0x0, s20;
	[sflag:s22] =	ssyncset.done $0x0  }
0xa0: {  	[sflag:s22] =	ssyncadd.s32 s4;
	_ =	sdelay $0x1  }
0xa1: {  	s23 =	simm.s32 $0x1B8B  }
0xa2: {  	_ =	swait.ge [sflag:s23], $0x1  }
0xa3: {  	[sflag:s23] =	ssyncset.done $0x0  }
0xa4: {  	s25 =	simm.s32 $0x1B8E;
	s24 =	sld [smem:$0x3FFE];
	[sflag:s23] =	ssyncadd.s32 $0xFFFFFFFF  }
0xa5: {  	s26 =	simm.s32 $execute0_lowered;
	[smem:$0x3FD2] =	sst s25  }
0xa6: {  	s5 =	sshll.u32 s26, $0x1;
	_ =	strace $0x8000004C;
	[dreg:$0x1] =	wrdreg $0xFFFFFFFF  }
0xa7: {  	s28 =	simm.s32 $_size_execute0_lowered;
	s3 =	sadd.s32 s3, s5;
	[dreg:$0x0] =	wrdreg $0x0  }
0xa8: {  	s5 =	sshll.u32 s28, $0x1;
	[dreg:$0x2] =	wrdreg s3  }
0xa9: {  	[dreg:$0x3] =	wrdreg s5  }
0xaa: {  	[dreg:$0x4] =	wrdreg $0xC0  }
0xab: {  	_ =	task [dreg:s7], $0x5FFFF  }
0xac: {  	[dreg:$0x1] =	wrdreg $0xFFFFFFFF  }
0xad: {  	[dreg:$0x0] =	wrdreg $0x60  }
0xae: {  	[dreg:$0x2] =	wrdreg s2  }
0xaf: {  	[dreg:$0x3] =	wrdreg s24  }
0xb0: {  	[dreg:$0x4] =	wrdreg $0xB0000  }
0xb1: {  	[dreg:$0x5] =	wrdreg $0x9  }
0xb2: {  	_ =	task.clear_ibuf [dreg:s7], $0x6FFFF;
	_ =	strace $0x9000004C  }
0xb3: {  	s29 =	simm.s32 $0x9;
	_ =	strace $0x8000004E  }
0xb4: {  	_ =	swait.ge [sflag:s29], $0x1  }
0xb5: {  	[sflag:s29] =	ssyncadd.s32 $0xFFFFFFFF  }
0xb6: {  	_ =	strace $0x9000004E  }
0xb7: {  	_ =	sfence  }
0xb8: {  	s30 =	sld [smem:$0x0];
	_ =	sdelay $0x2  }
0xb9: {  	s31 =	sshll.u32 s1, $0xD;
	s1 =	sshrl.u32 s1, $0x2  }
0xba: {  	s3 =	sand.u32 $0x4000, s31;
	s1 =	sadd.s32 s1, s30  }
0xbb: {  	s0 =	sor.u32 s3, s0;
	s1 =	sshll.u32 s1, $0x11  }
0xbc: {  	s0 =	sor.u32 s1, s0  }
0xbd: {  	s0 =	sadd.s32 $0x8F2B, s0  }
0xbe: {  	[sflag:s0] =	ssyncadd.remote.s32 $0x1  }
0xbf: {  	_ =	sfence.sel $0xFFFF  }
0xc0: {  	[dreg:$0x0] =	wrdreg $0xFFFFFFFF;
	(pc) =	sbr.abs _section_cstart, $3  }
0xc1: {  	[dreg:$0x1] =	wrdreg $0xFFFFFFFF  }
0xc2: {  	_ =	task.clear_ibuf [dreg:s7], $0x2FFFF;
	_ =	strace $0x9FFFFFFF  }
0xc3: {  	(tm) =	ssettm $0x7FFFFFFF  }
tec
execute0_lowered:
.L_overlay_start_1:
0x0: {  	(tag) =	ssettag $0x1  }
0x1: {  	s1 =	rddreg [dreg:$0x0]  }
0x2: {  	s0 =	rddreg [dreg:$0x1]  }
0x3: {  	s3 =	rddreg [dreg:$0x2]  }
0x4: {  	s5 =	srdreg.scid;
	s2 =	stileid.u32  }
0x5: {  	s4 =	simm.s32 $0x0;
	s18 =	simm.s32 $0xA;
	s20 =	simm.s32 $0x50  }
0x6: {  	s28 =	simm.s32 $0x6;
	s29 =	simm.s32 $0x7;
	s30 =	simm.s32 $0x8  }
0x7: {  	s31 =	simm.s32 $0x0;
	s12 =	sand.u32 $0x1, s5;
	s24 =	sshll.u32 s2, $0x1  }
0x8: {  	[smem:$0x7FF] =	sst s4;
	s5 =	sadd.s32 $0x1B800, s0;
	s7 =	sadd.s32 $0x34800, s0  }
0x9: {  	p4 =	sne.s32 s2, $0xF;
	p0 =	seq.s32 s2, $0xF;
	s14 =	smul.u32 $0x50000, s2  }
0xa: {  	s11 =	sadd.s32 $0x12C000, s3;
	s8 =	smul.u32 $0x27100, s12;
	s6 =	sor.u32 s12, s24  }
0xb: {  	_ =	strace $0x8000004D;
	s9 =	ssub.s32 $0x2, s12;
	p1 =	seq.s32 s12, $0x0  }
0xc: {  	s13 =	smul.u32 $0x6400, s6;
	s6 =	sadd.s32 $0x2800, s0;
	s25 =	sshrl.u32 s9, $0x1  }
0xd: {  	p2 =	por !p4, !p1;
	p3 =	por !p0, !p1;
	s14 =	sshrl.u32 s14, $0x2  }
0xe: {  	s0 =	sadd.s32 s8, s0;
	s17 =	ssub.s32 s9, s25;
	p1 =	por !p2, !p2  }
0xf: {  	p2 =	por !p3, !p3;
	p3 =	seq.s32 s12, $0x1;
	s10 =	sshrl.u32 s13, $0x3  }
0x10: {  	s8 =	sadd.s32 s5, s10;
	s9 =	sadd.s32 s6, s10;
	s10 =	simm.s32 @!p2 $0x0  }
.Ltmp0:
0x11: {  	s12 =	sadd.s32 s14, s3;
	s10 =	simm.s32 @p2 $0x1;
	(pc) =	sbr.rel .LBB2_1-.Ltmp0, $4  }
0x12: {  	s25 =	simm.s32 $0x6000;
	[smem:$0x7FD] =	sst s10;
	s10 =	smul.u32 $0x2800, s2  }
0x13: {  	p4 =	por !p4, !p3;
	s15 =	sadd.s32 $0x400, s13;
	s16 =	sadd.s32 $0x5BA00, s0  }
0x14: {  	s17 =	smax.u32 s17, $0x1;
	p4 =	por !p4, !p4;
	s26 =	sadd.s32 s1, s10  }
0x15: {  	s14 =	sadd.s32 s7, s10;
	[dreg:$0x4] =	wrdreg s26;
	s26 =	simm.s32 $0x5  }
.LBB2_16:
0x16: {  	_ =	swait.ge [sflag:s26], $0x2800  }
0x17: {  	[sflag:s26] =	ssyncset.done $0x0  }
0x18: {  	[sflag:s26] =	ssyncadd.s32 $0xFFFFD800  }
0x19: {  	_ =	swait.ge [sflag:s28], $0x2800  }
0x1a: {  	[sflag:s28] =	ssyncset.done $0x0  }
0x1b: {  	[sflag:s28] =	ssyncadd.s32 $0xFFFFD800  }
0x1c: {  	_ =	swait.ge [sflag:s29], $0x2800  }
0x1d: {  	[sflag:s29] =	ssyncset.done $0x0  }
0x1e: {  	[sflag:s29] =	ssyncadd.s32 $0xFFFFD800  }
0x1f: {  	_ =	swait.ge [sflag:s30], $0x2800  }
0x20: {  	[sflag:s30] =	ssyncset.done $0x0  }
0x21: {  	s0 =	sshll.u32 @!p0 s2, $0x6;
	s13 =	sadd.s32 @!p0 s10, s16;
	[sflag:s30] =	ssyncadd.s32 $0xFFFFD800  }
0x22: {  	s19 =	sshrl.u32 @!p0 s12, $0x3;
	s0 =	sor.u32 @!p0 $0x1C0A, s0;
	[bflag:$0x0] =	sbarrier.arrive $0xFFFF  }
0x23: {  	[hbm:s13], [sflag:s0] =	dma.local @!p0 [spmem:s19], $0x2800  }
0x24: {  	s0 =	simm.s32 @!p0 $0xA  }
0x25: {  	_ =	swait.ge @!p0 [sflag:s0], $0x2800  }
0x26: {  	s31 =	sadd.s32 $0x1, s31;
	[sflag:s0] =	ssyncset.done @!p0 $0x0  }
0x27: {  	p2 =	sne.s32 s31, s17;
	[sflag:s0] =	ssyncadd.s32 @!p0 $0xFFFFD800;
	s0 =	sshll.u32 @p5 s2, $0x6  }
0x28: {  	s13 =	sadd.s32 @p5 $0x25800, s16;
	s19 =	sshrl.u32 @p5 s11, $0x3;
	s0 =	sor.u32 @p5 $0x1C0A, s0  }
0x29: {  	[hbm:s13], [sflag:s0] =	dma.local @p5 [spmem:s19], $0x1900  }
.Ltmp1:
0x2a: {  	_ = 	snop;
	(pc) =	sbr.rel @!p2 .LBB2_17-.Ltmp1, $4  }
0x2b: {  	s0 =	simm.s32 @p5 $0xA  }
0x2c: {  	_ =	swait.ge @p5 [sflag:s0], $0x1900  }
0x2d: {  	[sflag:s0] =	ssyncset.done @p5 $0x0  }
0x2e: {  	[sflag:s0] =	ssyncadd.s32 @p5 $0xFFFFE700  }
.LBB2_1:
0x2f: {  	[tilespmem:s4], [sflag:$0xA] =	stream.linear.gather [hbm4b:s8+s4], $0x280, $0x38;
	[tilespmem:$0x1E880] =	vst v63  }
0x30: {  	_ =	swait.ge [sflag:s18], $0x280  }
0x31: {  	[sflag:s18] =	ssyncset.done $0x0  }
0x32: {  	s0 =	simm.s32 $0x800;
	[sflag:s18] =	ssyncadd.s32 $0xFFFFFD80  }
0x33: {  	[tilespmem:s0], [sflag:$0xA] =	stream.linear.gather [hbm4b:s9+s4], $0x280, $0x38;
	[tilespmem:$0x1E880] =	vst v63  }
0x34: {  	_ =	swait.ge [sflag:s18], $0x280  }
0x35: {  	[sflag:s18] =	ssyncset.done $0x0  }
0x36: {  	s22 =	simm.s32 $0x1000;
	[sflag:s18] =	ssyncadd.s32 $0xFFFFFD80  }
0x37: {  	[tilespmem:s22], [sflag:$0x1] =	stream.indirect.gather [hbm4b:s1+s20], $0x80, s4, s20, $0xb8;
	[tilespmem:$0x1E880] =	vst v63  }
.Ltmp2:
0x38: {  	_ = 	snop;
	(pc) =	sbr.rel @!p1 .LBB2_4-.Ltmp2, $4  }
0x39: {  	s23 =	simm.s32 $0x80;
	s13 =	simm.s32 $0x3800  }
0x3a: {  	[tilespmem:s13], [sflag:$0x2] =	stream.indirect.gather [hbm4b:s1+s20], $0x80, s23, s20, $0xb8;
	[tilespmem:$0x1E880] =	vst v63  }
0x3b: {  	s24 =	simm.s32 $0x100  }
0x3c: {  	[tilespmem:s25], [sflag:$0x3] =	stream.indirect.gather [hbm4b:s1+s20], $0x80, s24, s20, $0xb8;
	[tilespmem:$0x1E880] =	vst v63  }
0x3d: {  	s0 =	sshll.u32 s2, $0x6;
	s13 =	sshrl.u32 s12, $0x3  }
.Ltmp3:
0x3e: {  	s19 =	rddreg [dreg:$0x4];
	s0 =	sor.u32 $0x1C0A, s0;
	(pc) =	sbr.rel .LBB2_3-.Ltmp3, $4  }
0x3f: {  	[spmem:s13], [sflag:s0] =	dma.local [hbm:s19], $0x2800  }
0x40: {  	_ =	swait.ge [sflag:s18], $0x2800  }
0x41: {  	[sflag:s18] =	ssyncset.done $0x0  }
0x42: {  	p5 =	por $0x0, $0x0;
	[sflag:s18] =	ssyncadd.s32 $0xFFFFD800  }
.LBB2_4:
0x43: {  	s0 =	sld [smem:$0x7FD];
	_ =	sdelay $0x2  }
0x44: {  	p2 =	seq.s32 s0, $0x1  }
.Ltmp4:
0x45: {  	_ = 	snop;
	(pc) =	sbr.rel @!p2 .LBB2_3-.Ltmp4, $2  }
0x46: {  	_ =	sdelay $0x2  }
0x47: {  	p5 =	por p0, p0  }
.Ltmp5:
0x48: {  	(pc) =	sbr.rel .LBB2_6-.Ltmp5, $2  }
0x49: {  	_ =	sdelay $0x2  }
0x4a: {  	p5 =	por $0x1, $0x1;
	s13 =	simm.s32 $0xF;
	s0 =	smov.u32 s1  }
.LBB2_3:
0x4b: {  	s0 =	sshll.u32 @p4 s2, $0x6;
	p6 =	por @p4 $0x1, $0x1  }
0x4c: {  	s13 =	sshrl.u32 @p4 s12, $0x3;
	s0 =	sor.u32 @p4 $0x1C0A, s0;
	p6 =	por @!p4 p3, p3  }
0x4d: {  	[spmem:s13], [sflag:s0] =	dma.local @p4 [hbm:s14], $0x2800  }
0x4e: {  	p6 =	por !p6, !p5  }
0x4f: {  	p6 =	por !p6, !p6  }
.Ltmp6:
0x50: {  	_ = 	snop;
	(pc) =	sbr.rel @!p6 .LBB2_7-.Ltmp6, $4  }
0x51: {  	s0 =	simm.s32 @p4 $0xA  }
0x52: {  	_ =	swait.ge @p4 [sflag:s0], $0x2800  }
0x53: {  	[sflag:s0] =	ssyncset.done @p4 $0x0  }
0x54: {  	s13 =	stileid.u32;
	[sflag:s0] =	ssyncadd.s32 @p4 $0xFFFFD800;
	s0 =	smov.u32 s7  }
.LBB2_6:
0x55: {  	s13 =	sshll.u32 s13, $0x6  }
0x56: {  	s0 =	sadd.s32 $0x25800, s0;
	s19 =	sshrl.u32 s11, $0x3;
	s13 =	sor.u32 $0x1C0A, s13  }
0x57: {  	[spmem:s19], [sflag:s13] =	dma.local [hbm:s0], $0x1900  }
0x58: {  	_ =	swait.ge [sflag:s18], $0x1900  }
0x59: {  	[sflag:s18] =	ssyncset.done $0x0  }
0x5a: {  	[sflag:s18] =	ssyncadd.s32 $0xFFFFE700  }
.LBB2_7:
.Ltmp7:
0x5b: {  	(pc) =	sbr.rel .LBB2_8-.Ltmp7, $3  }
0x5c: {  	_ =	sdelay $0x1  }
0x5d: {  	[bflag:$0x0] =	sbarrier.arrive $0xFFFF  }
0x5e: {  	s0 =	simm.s32 $0xFFFFFFFF  }
.LBB2_12:
0x5f: {  	s21 =	sadd.s32 $0x5, s0  }
0x60: {  	_ =	swait.ge [sflag:s21], $0x2800  }
0x61: {  	[sflag:s21] =	ssyncset.done $0x0  }
0x62: {  	[sflag:s21] =	ssyncadd.s32 $0xFFFFD800  }
.LBB2_14:
0x63: {  	s21 =	smul.u32 $0xCD, s19;
	_ =	sdelay $0x1  }
0x64: {  	s21 =	sshrl.u32 s21, $0xA  }
0x65: {  	s21 =	sand.u32 $0x3F, s21  }
0x66: {  	s22 =	smul.u32 $0x5, s21;
	_ =	sdelay $0x1  }
0x67: {  	s23 =	smul.u32 $0xA000, s0;
	s22 =	ssub.s32 s19, s22  }
0x68: {  	s21 =	sshll.u32 s21, $0xA;
	s19 =	sand.u32 $0xFF, s22  }
0x69: {  	s21 =	sand.u32 $0x400, s21;
	s22 =	sshrl.u32 s23, $0x2;
	s19 =	sshll.u32 s19, $0x7  }
0x6a: {  	s24 =	sadd.s32 $0x1, s0;
	s22 =	sadd.s32 $0x1000, s22;
	s19 =	sadd.s32 s19, s21  }
0x6b: {  	[tilespmem:s22], [sflag:s24] =	stream.indirect.gather [hbm4b:s1+s20], $0x80, s19, s20, $0xb8;
	[tilespmem:$0x1E880] =	vst v63  }
.LBB2_15:
0x6c: {  	p2 =	sne.s32 s13, $0x7C  }
.Ltmp8:
0x6d: {  	_ = 	snop;
	(pc) =	sbr.rel @!p2 .LBB2_16-.Ltmp8, $2  }
0x6e: {  	_ =	sdelay $0x2  }
0x6f: {  	s0 =	smov.u32 s13  }
.LBB2_8:
0x70: {  	s13 =	sadd.s32 $0x1, s0  }
0x71: {  	s19 =	smul.u32 $0xCD, s13;
	_ =	sdelay $0x1  }
0x72: {  	s19 =	sshrl.u32 s19, $0xA  }
0x73: {  	s22 =	sand.u32 $0x3F, s19  }
0x74: {  	s21 =	smul.u32 $0x5, s22;
	_ =	sdelay $0x1  }
0x75: {  	p6 =	sgt.u32 s13, $0x77;
	s21 =	ssub.s32 s13, s21  }
0x76: {  	s23 =	sand.u32 @!p6 $0xFF, s21  }
0x77: {  	p2 =	sne.s32 @!p6 s23, $0x1  }
0x78: {  	p2 =	por p6, p2  }
.Ltmp9:
0x79: {  	_ = 	snop;
	(pc) =	sbr.rel @p2 .LBB2_10-.Ltmp9, $3  }
0x7a: {  	_ =	sdelay $0x1  }
0x7b: {  	s19 =	sand.u32 $0x1, s19  }
0x7c: {  	s19 =	sshll.u32 s19, $0xA  }
0x7d: {  	s22 =	sshll.u32 s22, $0xA  }
0x7e: {  	s22 =	sadd.s32 s22, s15  }
.Ltmp10:
0x7f: {  	s22 =	sshrl.u32 s22, $0x3;
	(pc) =	sbr.rel .LBB2_11-.Ltmp10, $4  }
0x80: {  	s23 =	sxor.u32 $0x400, s19;
	s24 =	sadd.s32 s5, s22  }
0x81: {  	[tilespmem:s23], [sflag:$0x9] =	stream.linear.gather [hbm4b:s24+s4], $0x280, $0x38;
	[tilespmem:$0x1E880] =	vst v63  }
0x82: {  	s22 =	sadd.s32 s6, s22;
	s24 =	sxor.u32 $0xC00, s19  }
0x83: {  	[tilespmem:s24], [sflag:$0x9] =	stream.linear.gather [hbm4b:s22+s4], $0x280, $0x38;
	[tilespmem:$0x1E880] =	vst v63  }
.LBB2_10:
0x84: {  	p2 =	sne.s32 @!p6 s23, $0x2  }
0x85: {  	p2 =	por p2, p6  }
0x86: {  	s22 =	simm.s32 @!p2 $0x9  }
0x87: {  	_ =	swait.ge @!p2 [sflag:s22], $0x280  }
0x88: {  	[sflag:s22] =	ssyncset.done @!p2 $0x0  }
0x89: {  	[sflag:s22] =	ssyncadd.s32 @!p2 $0xFFFFFD80  }
0x8a: {  	_ =	swait.ge @!p2 [sflag:s22], $0x280  }
0x8b: {  	[sflag:s22] =	ssyncset.done @!p2 $0x0  }
0x8c: {  	[sflag:s22] =	ssyncadd.s32 @!p2 $0xFFFFFD80  }
.LBB2_11:
0x8d: {  	s22 =	sand.u32 $0x3, s13  }
0x8e: {  	s21 =	sand.u32 $0xFF, s21;
	s23 =	smul.u32 $0xA000, s22  }
0x8f: {  	p2 =	sgt.u32 s0, $0x78;
	s24 =	sadd.s32 $0x1, s22;
	s21 =	sshll.u32 s21, $0x7  }
0x90: {  	_ =	swait.ge [sflag:s24], $0x2800;
	s19 =	sadd.s32 s21, s19;
	s23 =	sshrl.u32 s23, $0x2  }
.Ltmp11:
0x91: {  	[sflag:s24] =	ssyncset.done $0x0;
	s19 =	sadd.s32 $0x800, s19;
	(pc) =	sbr.rel @!p2 .LBB2_12-.Ltmp11, $4  }
0x92: {  	s23 =	sadd.s32 $0x1000, s23;
	[sflag:s24] =	ssyncadd.s32 $0xFFFFD800;
	s24 =	sadd.s32 $0x5, s22  }
0x93: {  	[spmem:s3] =	stream.indirect.scatter.add.f32 [tilespmem:s23], [sflag:s24], $0x80, s19, s20, $0xb8;
	[tilespmem:$0x1E880] =	vst v63  }
0x94: {  	s19 =	sadd.s32 $0x4, s0  }
0x95: {  	s0 =	sand.u32 $0x3, s19  }
0x96: {  	p2 =	sgt.u32 s13, $0x79  }
.Ltmp12:
0x97: {  	_ = 	snop;
	(pc) =	sbr.rel @p2 .LBB2_15-.Ltmp12, $4  }
.Ltmp13:
0x98: {  	_ = 	snop;
	(pc) =	sbr.rel @!p2 .LBB2_14-.Ltmp13, $4  }
0x99: {  	_ = 	snop  }
0x9a: {  	_ = 	snop  }
0x9b: {  	_ = 	snop  }
0x9c: {  	_ = 	snop  }
.LBB2_17:
0x9d: {  	_ =	sfence.sel $0x180000  }
0x9e: {  	[bflag:$0x0] =	sbarrier.arrive $0xFFFF  }
0x9f: {  	_ =	strace $0x9000004D  }
0xa0: {  	[bflag:$0x2] =	sbarrier.arrive $0xFFFF  }
0xa1: {  	p0 =	sne.s32 s2, $0x0;
	s0 =	rddreg [dreg:$0x3]  }
0xa2: {  	s0 =	sadd.s32 @!p0 $0x100000, s0  }
0xa3: {  	[sflag:s0] =	ssyncadd.tile.s32 @!p0 $0x1;
	_ =	shalt  }
.Lfunc_end2:
_tile_overlayer_lowered:
.L_overlay_start_2:
0xa4: {  	(tag) =	ssettag $0x2  }
0xa5: {  	s0 =	rddreg [dreg:$0x0];
	s2 =	stileid.u32  }
0xa6: {  	s1 =	rddreg [dreg:$0x1];
	p0 =	sne.s32 s2, $0x0  }
0xa7: {  	s3 =	rddreg [dreg:$0x2];
	[bflag:$0x3] =	sbarrier.arrive $0xFFFF;
	s2 =	simm.s32 @!p0 $0x1C0A  }
0xa8: {  	[timem:s3], [sflag:s2] =	dma.local @!p0 [hbm:s0], s1  }
0xa9: {  	s0 =	simm.s32 @!p0 $0xA  }
0xaa: {  	_ =	swait.ge @!p0 [sflag:s0], s1  }
0xab: {  	s1 =	ssub.s32 @!p0 $0x0, s1;
	[sflag:s0] =	ssyncset.done @!p0 $0x0  }
0xac: {  	[sflag:s0] =	ssyncadd.s32 @!p0 s1  }
0xad: {  	[bflag:$0x3] =	sbarrier.arrive $0xFFFF  }
0xae: {  	_ =	shalt  }

// kernel: kernel.8.cloned.1.call-start
scs
__scs_entry_jumppad:
0x0: {  	(pc) =	sbr.rel $0x88, $3  }
0x1: {  	(tag) =	ssettag $0x0;
	lr =	simm.s32 $0x1  }
0x2: {  	[smem:$0x3F9B] =	sst lr;
	_ =	strace $0xD0000000  }
0x3: {  	_ = 	snop  }
0x4: {  	_ = 	snop  }
0x5: {  	_ = 	snop  }
0x6: {  	_ = 	snop  }
0x7: {  	_ = 	snop  }
__scs_overlays_trampoline_lowered:
0x8: {  	[smem:$0x3FAA] =	sst s0  }
0x9: {  	[smem:$0x3FAB] =	sst s1  }
0xa: {  	[smem:$0x3FAC] =	sst s2  }
0xb: {  	[smem:$0x3FAD] =	sst s3  }
0xc: {  	[smem:$0x3FAE] =	sst s4  }
0xd: {  	[smem:$0x3FAF] =	sst s5  }
0xe: {  	[smem:$0x3FB0] =	sst s6  }
0xf: {  	[smem:$0x3FB1] =	sst s7  }
0x10: {  	[smem:$0x3FB2] =	sst s8  }
0x11: {  	[smem:$0x3FB3] =	sst s9;
	s0 =	simm.s32 @!p0 $0x0  }
0x12: {  	s1 =	sld [smem:$0x3F99];
	s0 =	simm.s32 @p0 $0x1  }
0x13: {  	[smem:$0x3FB4] =	sst s0;
	s0 =	simm.s32 @!p1 $0x0  }
0x14: {  	s2 =	sld [smem:$0x3F98];
	s0 =	simm.s32 @p1 $0x1  }
0x15: {  	[smem:$0x3FB5] =	sst s0;
	s0 =	simm.s32 @!p2 $0x0  }
0x16: {  	s3 =	sld [smem:$0x3FDB];
	s0 =	simm.s32 @p2 $0x1  }
0x17: {  	s4 =	simm.s32 $0x1BF5;
	[smem:$0x3FB7] =	sst s0  }
0x18: {  	s0 =	sld [smem:$0x3F9A];
	_ =	swait.ge [sflag:s4], $0x0  }
0x19: {  	s7 =	sld [smem:$0x3F9B]  }
0x1a: {  	s8 =	sadd.s32 $0xFFFFE003, lr  }
0x1b: {  	s9 =	sadd.s32 $0xFFFFFEF7, lr;
	s5 =	simm.s32 $0xFFFFFFFF;
	p2 =	slt.u32 s8, $0xFFFFF086  }
0x1c: {  	p1 =	slt.u32 s9, $0xF7A;
	s5 =	simm.s32 @!p2 $0x0  }
0x1d: {  	s5 =	simm.s32 @p1 $0x1;
	p0 =	seq.s32 s7, s2  }
0x1e: {  	s7 =	smul.u32 @!p0 $0xF7A, s2;
	p2 =	seq.s32 @!p0 s5, $0x0  }
0x1f: {  	s9 =	smul.u32 $0xF7A, s1;
	s8 =	simm.s32 @!p0 $0x1BF5;
	p2 =	por !p2, p0  }
0x20: {  	[sflag:s8] =	ssyncset.s32 @!p0 $0xFFFFF086;
	s6 =	sadd.s32 @!p0 s3, s7;
	s7 =	simm.s32 @!p0 $0x108  }
0x21: {  	s3 =	sadd.s32 s3, s9;
	s6 =	sadd.s32 @!p0 $0x88, s6;
	s7 =	simm.s32 @p2 $0x1082  }
0x22: {  	[simem:s7], [sflag:s8] =	dma.local @!p0 [hbm:s6], $0xF7A  }
0x23: {  	s9 =	sor.u32 $0xD0000000, s2;
	s6 =	simm.s32 $0x108;
	_ =	swait.ge @!p0 [sflag:s8], $0x0  }
0x24: {  	s3 =	sadd.s32 $0x88, s3;
	s6 =	simm.s32 @!p1 $0x1082;
	[sflag:s4] =	ssyncset.s32 $0xFFFFF086  }
0x25: {  	[simem:s6], [sflag:s4] =	dma.local [hbm:s3], $0xF7A  }
0x26: {  	[smem:$0x3F9B] =	sst s1;
	(tag) =	ssettag s2;
	_ =	strace s9  }
0x27: {  	s1 =	sld [smem:$0x3FAB]  }
0x28: {  	s2 =	sld [smem:$0x3FAC]  }
0x29: {  	s4 =	sld [smem:$0x3FAE]  }
0x2a: {  	p0 =	seq.s32 s5, $0x0;
	s5 =	sld [smem:$0x3FAF]  }
0x2b: {  	s6 =	sld [smem:$0x3FB0]  }
0x2c: {  	s7 =	sld [smem:$0x3FB1]  }
0x2d: {  	s3 =	simm.s32 $0x108;
	s8 =	sld [smem:$0x3FB2]  }
0x2e: {  	s3 =	simm.s32 @!p0 $0x1082;
	s9 =	sld [smem:$0x3FB3]  }
0x2f: {  	lr =	sadd.s32 s0, s3;
	s0 =	sld [smem:$0x3FAA]  }
0x30: {  	s3 =	sld [smem:$0x3FAD]  }
0x31: {  	[smem:$0x3FB6] =	sst s10  }
0x32: {  	s10 =	sld [smem:$0x3FB4];
	_ =	sdelay $0x3  }
0x33: {  	p0 =	seq.s32 s10, $0x1;
	s10 =	sld [smem:$0x3FB6];
	_ =	sdelay $0x3  }
0x34: {  	[smem:$0x3FB6] =	sst s10  }
0x35: {  	s10 =	sld [smem:$0x3FB5];
	_ =	sdelay $0x3  }
0x36: {  	p1 =	seq.s32 s10, $0x1;
	s10 =	sld [smem:$0x3FB6];
	_ =	sdelay $0x3  }
0x37: {  	[smem:$0x3FB6] =	sst s10  }
0x38: {  	s10 =	sld [smem:$0x3FB7]  }
0x39: {  	_ = 	snop;
	(pc) =	sbr.ind lr, $3  }
0x3a: {  	_ = 	snop  }
0x3b: {  	_ = 	snop  }
0x3c: {  	p2 =	seq.s32 s10, $0x1;
	s10 =	sld [smem:$0x3FB6]  }
0x3d: {  	_ =	shalt  }
0x3e: {  	_ =	shalt  }
0x3f: {  	_ =	shalt  }
0x40: {  	_ =	shalt  }
0x41: {  	_ =	shalt  }
0x42: {  	_ =	shalt  }
0x43: {  	_ =	shalt  }
0x44: {  	_ =	shalt  }
0x45: {  	_ =	shalt  }
0x46: {  	_ =	shalt  }
0x47: {  	_ =	shalt  }
0x48: {  	_ =	shalt  }
0x49: {  	_ =	shalt  }
0x4a: {  	_ =	shalt  }
0x4b: {  	_ =	shalt  }
0x4c: {  	_ =	shalt  }
0x4d: {  	_ =	shalt  }
0x4e: {  	_ =	shalt  }
0x4f: {  	_ =	shalt  }
0x50: {  	_ =	shalt  }
0x51: {  	_ =	shalt  }
0x52: {  	_ =	shalt  }
0x53: {  	_ =	shalt  }
0x54: {  	_ =	shalt  }
0x55: {  	_ =	shalt  }
0x56: {  	_ =	shalt  }
0x57: {  	_ =	shalt  }
0x58: {  	_ =	shalt  }
0x59: {  	_ =	shalt  }
0x5a: {  	_ =	shalt  }
0x5b: {  	_ =	shalt  }
0x5c: {  	_ =	shalt  }
0x5d: {  	_ =	shalt  }
0x5e: {  	_ =	shalt  }
0x5f: {  	_ =	shalt  }
0x60: {  	_ =	shalt  }
0x61: {  	_ =	shalt  }
0x62: {  	_ =	shalt  }
0x63: {  	_ =	shalt  }
0x64: {  	_ =	shalt  }
0x65: {  	_ =	shalt  }
0x66: {  	_ =	shalt  }
0x67: {  	_ =	shalt  }
0x68: {  	_ =	shalt  }
0x69: {  	_ =	shalt  }
0x6a: {  	_ =	shalt  }
0x6b: {  	_ =	shalt  }
0x6c: {  	_ =	shalt  }
0x6d: {  	_ =	shalt  }
0x6e: {  	_ =	shalt  }
0x6f: {  	_ =	shalt  }
0x70: {  	_ =	shalt  }
0x71: {  	_ =	shalt  }
0x72: {  	_ =	shalt  }
0x73: {  	_ =	shalt  }
0x74: {  	_ =	shalt  }
0x75: {  	_ =	shalt  }
0x76: {  	_ =	shalt  }
0x77: {  	_ =	shalt  }
0x78: {  	_ =	shalt  }
0x79: {  	_ =	shalt  }
0x7a: {  	_ =	shalt  }
0x7b: {  	_ =	shalt  }
0x7c: {  	_ =	shalt  }
0x7d: {  	_ =	shalt  }
0x7e: {  	_ =	shalt  }
0x7f: {  	_ =	shalt  }
0x80: {  	_ =	shalt  }
0x81: {  	_ =	shalt  }
0x82: {  	_ =	shalt  }
0x83: {  	_ =	shalt  }
0x84: {  	_ =	shalt  }
0x85: {  	_ =	shalt  }
0x86: {  	_ =	shalt  }
0x87: {  	_ =	shalt  }
.Lfunc_end0:
.L_simem_size_0:
called_computation_lowered:
.L_overlay_start_0:
0x88: {  	s2 =	sld [smem:$0x3FD9]  }
0x89: {  	s3 =	sld [smem:$0x3FFE];
	_ =	sdelay $0x1  }
0x8a: {  	s1 =	srdreg.scid  }
0x8b: {  	s0 =	sand.u32 $0x1, s1  }
0x8c: {  	s17 =	sshll.u32 s0, $0xA;
	s2 =	sadd.s32 s3, s2  }
0x8d: {  	s2 =	sadd.s32 s2, s17  }
0x8e: {  	[smem:$0x3FC2] =	sst s2  }
0x8f: {  	_ = 	snop  }
0x90: {  	s2 =	sld [smem:$0x3FD0];
	(tm) =	ssettm $0x1  }
0x91: {  	s18 =	sld [smem:$0x3FFB];
	_ =	sdelay $0x3  }
0x92: {  	_ =	strace s18  }
0x93: {  	s3 =	sld [smem:$0x3FFC];
	_ =	sdelay $0x3  }
0x94: {  	_ =	strace s3  }
0x95: {  	s3 =	sld [smem:$0x3FFD];
	_ =	sdelay $0x3  }
0x96: {  	_ =	strace s3  }
0x97: {  	_ =	strace $0x8FFFFFFF  }
0x98: {  	s19 =	sld [smem:$0x3FDB];
	_ =	sdelay $0x1  }
0x99: {  	s4 =	simm.s32 $_scs_section_size  }
0x9a: {  	s5 =	simm.s32 $_size__tile_overlayer_lowered;
	s6 =	simm.s32 $_tile_overlayer_lowered  }
0x9b: {  	s22 =	simm.s32 $0x1BFF;
	s21 =	sshll.u32 s6, $0x1;
	s3 =	sadd.s32 s4, s19  }
0x9c: {  	s7 =	simm.s32 $0x0;
	s20 =	sshll.u32 s5, $0x1;
	s5 =	sadd.s32 s21, s3  }
0x9d: {  	[timem:s7], [sflag:s22] =	dma.local [hbm:s5], s20  }
0x9e: {  	_ =	swait.ge [sflag:s22], s20  }
0x9f: {  	s4 =	ssub.s32 $0x0, s20;
	[sflag:s22] =	ssyncset.done $0x0  }
0xa0: {  	[sflag:s22] =	ssyncadd.s32 s4;
	_ =	sdelay $0x1  }
0xa1: {  	s23 =	simm.s32 $0x1B8B  }
0xa2: {  	_ =	swait.ge [sflag:s23], $0x1  }
0xa3: {  	[sflag:s23] =	ssyncset.done $0x0  }
0xa4: {  	s25 =	simm.s32 $0x1B8E;
	s24 =	sld [smem:$0x3FFE];
	[sflag:s23] =	ssyncadd.s32 $0xFFFFFFFF  }
0xa5: {  	s26 =	simm.s32 $execute0_lowered;
	[smem:$0x3FD2] =	sst s25  }
0xa6: {  	s5 =	sshll.u32 s26, $0x1;
	_ =	strace $0x80000046;
	[dreg:$0x1] =	wrdreg $0xFFFFFFFF  }
0xa7: {  	s28 =	simm.s32 $_size_execute0_lowered;
	s3 =	sadd.s32 s3, s5;
	[dreg:$0x0] =	wrdreg $0x0  }
0xa8: {  	s5 =	sshll.u32 s28, $0x1;
	[dreg:$0x2] =	wrdreg s3  }
0xa9: {  	[dreg:$0x3] =	wrdreg s5  }
0xaa: {  	[dreg:$0x4] =	wrdreg $0xC0  }
0xab: {  	_ =	task [dreg:s7], $0x5FFFF  }
0xac: {  	[dreg:$0x1] =	wrdreg $0xFFFFFFFF  }
0xad: {  	[dreg:$0x0] =	wrdreg $0x60  }
0xae: {  	[dreg:$0x2] =	wrdreg s2  }
0xaf: {  	[dreg:$0x3] =	wrdreg s24  }
0xb0: {  	[dreg:$0x4] =	wrdreg $0x40800  }
0xb1: {  	[dreg:$0x5] =	wrdreg $0x9  }
0xb2: {  	_ =	task.clear_ibuf [dreg:s7], $0x6FFFF;
	_ =	strace $0x90000046  }
0xb3: {  	s29 =	simm.s32 $0x9;
	_ =	strace $0x80000048  }
0xb4: {  	_ =	swait.ge [sflag:s29], $0x1  }
0xb5: {  	[sflag:s29] =	ssyncadd.s32 $0xFFFFFFFF  }
0xb6: {  	_ =	strace $0x90000048  }
0xb7: {  	_ =	sfence  }
0xb8: {  	s30 =	sld [smem:$0x0];
	_ =	sdelay $0x2  }
0xb9: {  	s31 =	sshll.u32 s1, $0xD;
	s1 =	sshrl.u32 s1, $0x2  }
0xba: {  	s3 =	sand.u32 $0x4000, s31;
	s1 =	sadd.s32 s1, s30  }
0xbb: {  	s0 =	sor.u32 s3, s0;
	s1 =	sshll.u32 s1, $0x11  }
0xbc: {  	s0 =	sor.u32 s1, s0  }
0xbd: {  	s0 =	sadd.s32 $0x8F2B, s0  }
0xbe: {  	[sflag:s0] =	ssyncadd.remote.s32 $0x1  }
0xbf: {  	_ =	sfence.sel $0xFFFF  }
0xc0: {  	[dreg:$0x0] =	wrdreg $0xFFFFFFFF;
	(pc) =	sbr.abs _section_cstart, $3  }
0xc1: {  	[dreg:$0x1] =	wrdreg $0xFFFFFFFF  }
0xc2: {  	_ =	task.clear_ibuf [dreg:s7], $0x2FFFF;
	_ =	strace $0x9FFFFFFF  }
0xc3: {  	(tm) =	ssettm $0x7FFFFFFF  }
tec
execute0_lowered:
.L_overlay_start_1:
0x0: {  	(tag) =	ssettag $0x1  }
0x1: {  	s4 =	rddreg [dreg:$0x0]  }
0x2: {  	s5 =	rddreg [dreg:$0x1]  }
0x3: {  	s1 =	rddreg [dreg:$0x2]  }
0x4: {  	s0 =	rddreg [dreg:$0x3];
	s2 =	simm.s32 $0x0  }
0x5: {  	s3 =	srdreg.scid;
	s8 =	stileid.u32;
	s12 =	simm.s32 $0x0  }
0x6: {  	[smem:$0x7FF] =	sst s2;
	s6 =	sand.u32 $0x1, s3;
	s3 =	sadd.s32 $0x1800, s5  }
0x7: {  	s11 =	sshll.u32 s8, $0xC;
	p0 =	sne.s32 s8, $0x0;
	s8 =	simm.s32 $0x2  }
0x8: {  	s7 =	smul.u32 $0x4F0, s6;
	s9 =	ssub.s32 $0x2, s6;
	s6 =	sshll.u32 s6, $0xB  }
0x9: {  	_ =	strace $0x80000047;
	s10 =	sshrl.u32 s9, $0x1;
	s4 =	sadd.s32 s4, s6  }
0xa: {  	s5 =	sadd.s32 s7, s5;
	s31 =	ssub.s32 s9, s10;
	s4 =	sadd.s32 s11, s4  }
0xb: {  	s7 =	sshrl.u32 @!p0 s1, $0x3;
	s9 =	simm.s32 $0x50;
	s10 =	simm.s32 $0x4000  }
0xc: {  	v0 =	vimm.f32 $1.000000000e+00;
	s11 =	simm.s32 $0x1;
	s5 =	sadd.s32 $0x1E00, s5;
	s6 =	smax.u32 s31, $0x1  }
.LBB2_1:
0xd: {  	[tilespmem:$0x4000] =	vst v0  }
0xe: {  	[tilespmem:$0x4010] =	vst v0  }
0xf: {  	[tilespmem:$0x4020] =	vst v0  }
0x10: {  	[tilespmem:$0x4030] =	vst v0  }
0x11: {  	[tilespmem:$0x4040] =	vst v0;
	s13 =	simm.s32 @!p0 $0x1C02  }
0x12: {  	[spmem:s7], [sflag:s13] =	dma.local @!p0 [hbm:s3], $0x4F0  }
0x13: {  	s13 =	simm.s32 @!p0 $0x2  }
0x14: {  	_ =	swait.ge @!p0 [sflag:s13], $0x4F0  }
0x15: {  	[sflag:s13] =	ssyncset.done @!p0 $0x0  }
0x16: {  	[sflag:s13] =	ssyncadd.s32 @!p0 $0xFFFFFB10  }
0x17: {  	[tilespmem:s2], [sflag:$0x2] =	stream.linear.gather [hbm4b:s4+s2], $0x3E80, $0x38;
	[tilespmem:$0x42F8] =	vst v63  }
0x18: {  	_ =	swait.ge [sflag:s8], $0x3E80  }
0x19: {  	[sflag:s8] =	ssyncset.done $0x0  }
0x1a: {  	p1 =	por $0x1, $0x1;
	[sflag:s8] =	ssyncadd.s32 $0xFFFFC180  }
0x1b: {  	s14 =	simm.s32 @!p1 $0x1;
	[bflag:$0x0] =	sbarrier.arrive $0xFFFF  }
0x1c: {  	_ =	swait.ge @!p1 [sflag:s14], $0x50  }
0x1d: {  	s15 =	simm.s32 $0x0;
	[sflag:s14] =	ssyncset.done @!p1 $0x0  }
0x1e: {  	s13 =	simm.s32 $0x1;
	[sflag:s14] =	ssyncadd.s32 @!p1 $0xFFFFFFB0;
	s14 =	simm.s32 $0x80  }
.LBB2_2:
0x1f: {  	[spmem:s1] =	stream.indirect.scatter.add.f32 [tilespmem:s10], [sflag:$0x1], $0x1, s15, s9, $0xb8;
	[tilespmem:$0x42F8] =	vst v63  }
0x20: {  	p1 =	slt.u32 s13, $0x8;
	s13 =	sadd.s32 $0x1, s13  }
0x21: {  	p2 =	sne.s32 s13, $0x7D  }
.Ltmp0:
0x22: {  	(pc) =	sbr.rel @p2 .LBB2_2-.Ltmp0, $4  }
0x23: {  	s15 =	smov.u32 s14;
	s16 =	simm.s32 @!p1 $0x1  }
0x24: {  	_ =	swait.ge @!p1 [sflag:s16], $0x50  }
0x25: {  	[sflag:s16] =	ssyncset.done @!p1 $0x0  }
0x26: {  	s14 =	sadd.s32 $0x80, s14;
	[sflag:s16] =	ssyncadd.s32 @!p1 $0xFFFFFFB0  }
0x27: {  	[spmem:s1] =	stream.indirect.scatter.add.f32 [tilespmem:s10], [sflag:$0x1], $0x1, s15, s9, $0xb8;
	[tilespmem:$0x42F8] =	vst v63  }
0x28: {  	_ =	swait.ge [sflag:s11], $0x50  }
0x29: {  	[sflag:s11] =	ssyncset.done $0x0  }
0x2a: {  	[sflag:s11] =	ssyncadd.s32 $0xFFFFFFB0  }
0x2b: {  	_ =	swait.ge [sflag:s11], $0x50  }
0x2c: {  	[sflag:s11] =	ssyncset.done $0x0  }
0x2d: {  	[sflag:s11] =	ssyncadd.s32 $0xFFFFFFB0  }
0x2e: {  	_ =	swait.ge [sflag:s11], $0x50  }
0x2f: {  	[sflag:s11] =	ssyncset.done $0x0  }
0x30: {  	[sflag:s11] =	ssyncadd.s32 $0xFFFFFFB0  }
0x31: {  	_ =	swait.ge [sflag:s11], $0x50  }
0x32: {  	[sflag:s11] =	ssyncset.done $0x0  }
0x33: {  	[sflag:s11] =	ssyncadd.s32 $0xFFFFFFB0  }
0x34: {  	_ =	swait.ge [sflag:s11], $0x50  }
0x35: {  	[sflag:s11] =	ssyncset.done $0x0  }
0x36: {  	[sflag:s11] =	ssyncadd.s32 $0xFFFFFFB0  }
0x37: {  	_ =	swait.ge [sflag:s11], $0x50  }
0x38: {  	[sflag:s11] =	ssyncset.done $0x0  }
0x39: {  	[sflag:s11] =	ssyncadd.s32 $0xFFFFFFB0  }
0x3a: {  	_ =	swait.ge [sflag:s11], $0x50  }
0x3b: {  	[sflag:s11] =	ssyncset.done $0x0  }
0x3c: {  	[sflag:s11] =	ssyncadd.s32 $0xFFFFFFB0  }
0x3d: {  	_ =	swait.ge [sflag:s11], $0x50  }
0x3e: {  	[sflag:s11] =	ssyncset.done $0x0  }
0x3f: {  	s12 =	sadd.s32 $0x1, s12;
	[sflag:s11] =	ssyncadd.s32 $0xFFFFFFB0  }
0x40: {  	s13 =	simm.s32 @!p0 $0x1C02;
	p1 =	sne.s32 s12, s6;
	[bflag:$0x0] =	sbarrier.arrive $0xFFFF  }
0x41: {  	[hbm:s5], [sflag:s13] =	dma.local @!p0 [spmem:s7], $0x4F0  }
.Ltmp1:
0x42: {  	_ = 	snop;
	(pc) =	sbr.rel @p1 .LBB2_1-.Ltmp1, $4  }
0x43: {  	s13 =	simm.s32 @!p0 $0x2  }
0x44: {  	_ =	swait.ge @!p0 [sflag:s13], $0x4F0  }
0x45: {  	[sflag:s13] =	ssyncset.done @!p0 $0x0  }
0x46: {  	[sflag:s13] =	ssyncadd.s32 @!p0 $0xFFFFFB10  }
0x47: {  	_ =	sfence.sel $0x180000  }
0x48: {  	[bflag:$0x0] =	sbarrier.arrive $0xFFFF  }
0x49: {  	_ =	strace $0x90000047  }
0x4a: {  	s0 =	sadd.s32 @!p0 $0x100000, s0;
	[bflag:$0x2] =	sbarrier.arrive $0xFFFF  }
0x4b: {  	[sflag:s0] =	ssyncadd.tile.s32 @!p0 $0x1;
	_ =	shalt  }
.Lfunc_end2:
_tile_overlayer_lowered:
.L_overlay_start_2:
0x4c: {  	(tag) =	ssettag $0x2  }
0x4d: {  	s0 =	rddreg [dreg:$0x0];
	s2 =	stileid.u32  }
0x4e: {  	s1 =	rddreg [dreg:$0x1];
	p0 =	sne.s32 s2, $0x0  }
0x4f: {  	s3 =	rddreg [dreg:$0x2];
	[bflag:$0x3] =	sbarrier.arrive $0xFFFF;
	s2 =	simm.s32 @!p0 $0x1C02  }
0x50: {  	[timem:s3], [sflag:s2] =	dma.local @!p0 [hbm:s0], s1  }
0x51: {  	s0 =	simm.s32 @!p0 $0x2  }
0x52: {  	_ =	swait.ge @!p0 [sflag:s0], s1  }
0x53: {  	s1 =	ssub.s32 @!p0 $0x0, s1;
	[sflag:s0] =	ssyncset.done @!p0 $0x0  }
0x54: {  	[sflag:s0] =	ssyncadd.s32 @!p0 s1  }
0x55: {  	[bflag:$0x3] =	sbarrier.arrive $0xFFFF  }
0x56: {  	_ =	shalt  }

</sc_bundles>
